<compile_context>
chip_gen: v7x
topology: tpu7x:2x2x1
jax: 0.10.2.dev20260603
libtpu: 0.0.44.dev20260713+nightly
codegen_flags: <defaults>
</compile_context>

<pallas_src>
import functools

import jax
import jax.numpy as jnp
from jax import lax
from jax.experimental import pallas as pl
from jax.experimental.pallas import tpu as pltpu
from jax.experimental.pallas import tpu_sc as plsc

N = 100000
D = 128
G = 256
NSUB = 16
LANES = 16

CH = 6400
RB = 160
NB = CH // RB

NEG_INF = float("-inf")


def _flush(acc_ref, prev, av):
    base = prev * D
    for j in range(D // LANES):
        acc_ref[pl.ds(base + j * LANES, LANES)] = av[j]


def _process_block(ids_ref, fbuf_ref, acc_ref, blk, slot, carry):

    shift_idx = jnp.arange(LANES, dtype=jnp.int32) - 1
    shift_idx = jnp.maximum(shift_idx, 0)

    def grp_body(gi, c):
        prev = c[0]
        av = list(c[1:])
        gbase = gi * LANES
        idv = ids_ref[pl.ds(blk * RB + gbase, LANES)]
        shifted = idv.at[shift_idx].get(mode="promise_in_bounds")
        nz = jnp.minimum(jnp.abs(idv - shifted), 1)
        cap16 = (1 - nz - nz).astype(jnp.float32) * jnp.float32(3e38)
        fb = fbuf_ref.at[slot]
        for k in range(LANES):
            rid = idv[k]
            if k == 0:
                s = (rid == prev).astype(jnp.float32)
                capv = lax.broadcast_in_dim((s + s - 1.0) * 3e38, (LANES,), ())
            else:
                capv = cap16.at[jnp.full((LANES,), k, jnp.int32)].get(
                    mode="promise_in_bounds")
            rbase = (gbase + k) * D
            pb = prev * D
            for j in range(D // LANES):
                acc_ref[pl.ds(pb + j * LANES, LANES)] = av[j]
                f = fb[pl.ds(rbase + j * LANES, LANES)]
                av[j] = jnp.maximum(f, jnp.minimum(av[j], capv))
            prev = rid
        return (prev, *av)

    return lax.fori_loop(0, RB // LANES, grp_body, carry)


def _run_protein(feat_hbm, ids_hbm, out_hbm, sid,
                 ids_v, fbuf, acc_v, tmp_v, res_v, shared, sem0, sem1):
    base = jnp.minimum(sid * CH, N - CH)

    pltpu.sync_copy(ids_hbm.at[pl.ds(base, CH)], ids_v.at[pl.ds(0, CH)])

    ninf = jnp.full((LANES,), NEG_INF, jnp.float32)

    def init_body(i, _):
        b = i * D
        for j in range(D // LANES):
            acc_v[pl.ds(b + j * LANES, LANES)] = ninf
        return 0

    lax.fori_loop(0, G, init_body, 0)

    pltpu.async_copy(feat_hbm.at[pl.ds(base * D, RB * D)], fbuf.at[0], sem0)

    carry0 = (ids_v[pl.ds(0, LANES)][0],) + tuple(ninf for _ in range(D // LANES))

    def outer(i, carry):
        off1 = (base + (2 * i + 1) * RB) * D
        pltpu.async_copy(feat_hbm.at[pl.ds(off1, RB * D)], fbuf.at[1], sem1)
        pltpu.make_async_copy(feat_hbm.at[pl.ds(0, RB * D)], fbuf.at[0], sem0).wait()
        pass
        off2 = (base + jnp.minimum((2 * i + 2) * RB, CH - RB)) * D
        pltpu.async_copy(feat_hbm.at[pl.ds(off2, RB * D)], fbuf.at[0], sem0)
        pltpu.make_async_copy(feat_hbm.at[pl.ds(0, RB * D)], fbuf.at[1], sem1).wait()
        pass
        return carry

    carry = lax.fori_loop(0, NB // 2, outer, carry0)
    pltpu.make_async_copy(feat_hbm.at[pl.ds(0, RB * D)], fbuf.at[0], sem0).wait()
    _flush(acc_v, carry[0], carry[1:])

    pltpu.sync_copy(acc_v, shared.at[sid])
    plsc.subcore_barrier()

    seg0 = sid * (G // NSUB)
    span = (G // NSUB) * D
    pltpu.sync_copy(shared.at[0, pl.ds(seg0 * D, span)], res_v)
    for w in range(1, NSUB):
        pltpu.sync_copy(shared.at[w, pl.ds(seg0 * D, span)], tmp_v)

        def max_body(i, _, ):
            s = i * LANES
            res_v[pl.ds(s, LANES)] = jnp.maximum(res_v[pl.ds(s, LANES)],
                                                 tmp_v[pl.ds(s, LANES)])
            return 0

        lax.fori_loop(0, span // LANES, max_body, 0)

    pltpu.sync_copy(res_v, out_hbm.at[pl.ds(seg0 * D, span)])


def _segmax_body(p1_hbm, ids1_hbm, p2_hbm, ids2_hbm, out1_hbm, out2_hbm,
                 ids_v, fbuf, acc_v, tmp_v, res_v, shared, sem0, sem1):
    cid = lax.axis_index("c")
    sid = lax.axis_index("s")

    @pl.when(cid == 0)
    def _():
        _run_protein(p1_hbm, ids1_hbm, out1_hbm, sid,
                     ids_v, fbuf, acc_v, tmp_v, res_v, shared, sem0, sem1)

    @pl.when(cid == 1)
    def _():
        _run_protein(p2_hbm, ids2_hbm, out2_hbm, sid,
                     ids_v, fbuf, acc_v, tmp_v, res_v, shared, sem0, sem1)


@jax.jit
def _segmax(p1f, ids1, p2f, ids2):
    mesh = plsc.VectorSubcoreMesh(core_axis_name="c", subcore_axis_name="s")
    f = pl.kernel(
        _segmax_body,
        out_type=(jax.ShapeDtypeStruct((G * D,), jnp.float32),
                  jax.ShapeDtypeStruct((G * D,), jnp.float32)),
        mesh=mesh,
        scratch_types=(
            pltpu.VMEM((CH + LANES,), jnp.int32),
            pltpu.VMEM((2, RB * D), jnp.float32),
            pltpu.VMEM((G * D,), jnp.float32),
            pltpu.VMEM(((G // NSUB) * D,), jnp.float32),
            pltpu.VMEM(((G // NSUB) * D,), jnp.float32),
            pltpu.VMEM_SHARED((NSUB, G * D), jnp.float32),
            pltpu.SemaphoreType.DMA,
            pltpu.SemaphoreType.DMA,
        ),
    )
    return f(p1f, ids1, p2f, ids2)


def _mlp_body(p1_ref, p2_ref, w1_ref, b1_ref, wc_ref, bc_ref, o_ref):
    g = p1_ref[...] * p2_ref[...]
    h = jnp.dot(g, w1_ref[...], preferred_element_type=jnp.float32) + b1_ref[...]
    h = h * jnp.tanh(jax.nn.softplus(h))
    o_ref[...] = jnp.dot(h, wc_ref[...], preferred_element_type=jnp.float32) + bc_ref[...]


@jax.jit
def _mlp(p1m, p2m, W1, b1, Wc, bc):
    return pl.pallas_call(
        _mlp_body,
        out_shape=jax.ShapeDtypeStruct((G, 2), jnp.float32),
    )(p1m, p2m, W1, b1.reshape(1, -1), Wc, bc.reshape(1, -1))


def kernel(protein1_feat, protein2_feat, protein1_nodes_batch,
           protein2_nodes_batch, W1, b1, Wc, bc):
    p1f = protein1_feat.reshape(-1)
    p2f = protein2_feat.reshape(-1)
    ids1 = protein1_nodes_batch.astype(jnp.int32)
    ids2 = protein2_nodes_batch.astype(jnp.int32)
    m1, m2 = _segmax(p1f, ids1, p2f, ids2)
    return _mlp(m1.reshape(G, D), m2.reshape(G, D), W1, b1, Wc, bc)

# --- scband reference (transcript-rebuilt; emitter-appended) ---
"""Pipeline reference for scband-decoder-40269613368098 (READ-ONLY COPY).

The authoritative reference and input builder live on the scoring server;
editing this copy changes nothing except your own understanding.
"""

import jax, jax.numpy as jnp
import numpy as np

NUM_GRAPHS = 256
D = 128
N = 100000

def mish(x):
    return x * jnp.tanh(jax.nn.softplus(x))

def setup_inputs(seed: int = 0) -> dict:
    key = jax.random.key(seed)
    k1, k2, k3, k4, k5, k6, k7, k8 = jax.random.split(key, 8)
    protein1_feat = jax.random.normal(k1, (N, D), dtype=jnp.float32)
    protein2_feat = jax.random.normal(k2, (N, D), dtype=jnp.float32)
    protein1_nodes_batch = jnp.sort(jax.random.randint(k3, (N,), 0, NUM_GRAPHS, dtype=jnp.int64))
    protein2_nodes_batch = jnp.sort(jax.random.randint(k4, (N,), 0, NUM_GRAPHS, dtype=jnp.int64))
    # MLP layer: Linear(128 -> 64), xavier_uniform init, zero bias
    lim1 = float(np.sqrt(6.0 / (D + D // 2)))
    W1 = jax.random.uniform(k5, (D, D // 2), dtype=jnp.float32, minval=-lim1, maxval=lim1)
    b1 = jnp.zeros((D // 2,), dtype=jnp.float32)
    # classifier: Linear(64 -> 2), default torch init approximated with uniform
    limc = float(1.0 / np.sqrt(D // 2))
    Wc = jax.random.uniform(k6, (D // 2, 2), dtype=jnp.float32, minval=-limc, maxval=limc)
    bc = jax.random.uniform(k7, (2,), dtype=jnp.float32, minval=-limc, maxval=limc)
    return {
        'protein1_feat': protein1_feat,
        'protein2_feat': protein2_feat,
        'protein1_nodes_batch': protein1_nodes_batch,
        'protein2_nodes_batch': protein2_nodes_batch,
        'W1': W1, 'b1': b1, 'Wc': Wc, 'bc': bc,
    }

def reference(protein1_feat, protein2_feat, protein1_nodes_batch, protein2_nodes_batch, W1, b1, Wc, bc):
    # global_max_pool: segment max over node features per graph id
    p1 = jax.ops.segment_max(protein1_feat, protein1_nodes_batch, num_segments=NUM_GRAPHS)
    p2 = jax.ops.segment_max(protein2_feat, protein2_nodes_batch, num_segments=NUM_GRAPHS)
    # Concat=False -> elementwise multiply
    g = p1 * p2
    # MLP layer 1: Linear -> Mish (Dropout is identity in eval)
    g = mish(g @ W1 + b1)
    # classifier
    out = g @ Wc + bc
    return out

if __name__ == "__main__":
    import jax
    _d = setup_inputs()
    print(jax.jit(kernel)(*tuple(_d.values())))

</pallas_src>

<mosaic_0001>
#map = affine_map<(d0, d1) -> (0)>
module attributes {stable_mosaic.version = 14 : i64} {
  func.func @_segmax_body(%arg0: i32, %arg1: i32, %arg2: memref<12800000xf32, #tpu.memory_space<hbm>>, %arg3: memref<100000xi32, #tpu.memory_space<hbm>>, %arg4: memref<12800000xf32, #tpu.memory_space<hbm>>, %arg5: memref<100000xi32, #tpu.memory_space<hbm>>, %arg6: memref<32768xf32, #tpu.memory_space<hbm>>, %arg7: memref<32768xf32, #tpu.memory_space<hbm>>, %arg8: memref<6416xi32, #tpu.memory_space<vmem>>, %arg9: memref<2x20480xf32, #tpu.memory_space<vmem>>, %arg10: memref<32768xf32, #tpu.memory_space<vmem>>, %arg11: memref<2048xf32, #tpu.memory_space<vmem>>, %arg12: memref<2048xf32, #tpu.memory_space<vmem>>, %arg13: memref<16x32768xf32, #tpu.memory_space<vmem_shared>>, %arg14: memref<!tpu.dma_semaphore, #tpu.memory_space<semaphore_mem>>, %arg15: memref<!tpu.dma_semaphore, #tpu.memory_space<semaphore_mem>>) attributes {dimension_semantics = [#tpu.dimension_semantics<core_parallel>, #tpu.dimension_semantics<subcore_parallel>], iteration_bounds = array<i64: 2, 16>, scalar_prefetch = 0 : i64, scratch_operands = 8 : i64, tpu.core_type = #tpu.core_type<sc_vector_subcore>, window_params = [{transform_indices = #map}, {transform_indices = #map}, {transform_indices = #map}, {transform_indices = #map}, {transform_indices = #map}, {transform_indices = #map}]} {
    %eq3A = arith.constant 0 : i32
    %eq3A_0 = arith.cmpi eq, %arg0, %eq3A : i32
    %convert_element_type3A = arith.extui %eq3A_0 : i1 to i32
    %cond3A = arith.constant 0 : i32
    %cond3A_1 = arith.cmpi ne, %convert_element_type3A, %cond3A : i32
    scf.if %cond3A_1 {
      %mul3A = arith.constant 6400 : i32
      %mul3A_7 = arith.muli %arg1, %mul3A : i32
      %min3A = arith.constant 93600 : i32
      %min3A_8 = arith.minsi %mul3A_7, %min3A : i32
      "tpu.region"() ({
        %run_scoped3A_247 = tpu.sem_alloc : memref<!tpu.dma_semaphore, #tpu.memory_space<semaphore_mem>>
        %dma_start3A_248 = arith.constant 0 : i32
        %dma_start3A_249 = tpu.memref_slice %arg8[%dma_start3A_248] : memref<6416xi32, #tpu.memory_space<vmem>> -> memref<6400xi32, #tpu.memory_space<vmem>>
        %dma_start3A_250 = tpu.memref_slice %arg3[%min3A_8] : memref<100000xi32, #tpu.memory_space<hbm>> -> memref<6400xi32, #tpu.memory_space<hbm>>
        %dma_start3A_251 = arith.constant 0 : i32
        %dma_start3A_252 = tpu.memref_slice %arg8[%dma_start3A_251] : memref<6416xi32, #tpu.memory_space<vmem>> -> memref<6400xi32, #tpu.memory_space<vmem>>
        %dma_start3A_253 = tpu.memref_slice %arg3[%min3A_8] : memref<100000xi32, #tpu.memory_space<hbm>> -> memref<6400xi32, #tpu.memory_space<hbm>>
        tpu.enqueue_dma source(%dma_start3A_253 : memref<6400xi32, #tpu.memory_space<hbm>>) target(%dma_start3A_252 : memref<6400xi32, #tpu.memory_space<vmem>>) target_semaphore(%run_scoped3A_247 : memref<!tpu.dma_semaphore, #tpu.memory_space<semaphore_mem>>)
        %dma_wait3A_254 = arith.constant 0 : i32
        %dma_wait3A_255 = tpu.memref_slice %arg8[%dma_wait3A_254] : memref<6416xi32, #tpu.memory_space<vmem>> -> memref<6400xi32, #tpu.memory_space<vmem>>
        %dma_wait3A_256 = tpu.memref_slice %arg3[%min3A_8] : memref<100000xi32, #tpu.memory_space<hbm>> -> memref<6400xi32, #tpu.memory_space<hbm>>
        %dma_wait3A_257 = arith.constant 0 : i32
        %dma_wait3A_258 = tpu.memref_slice %arg8[%dma_wait3A_257] : memref<6416xi32, #tpu.memory_space<vmem>> -> memref<6400xi32, #tpu.memory_space<vmem>>
        %dma_wait3A_259 = tpu.memref_slice %arg3[%min3A_8] : memref<100000xi32, #tpu.memory_space<hbm>> -> memref<6400xi32, #tpu.memory_space<hbm>>
        tpu.wait_dma2 semaphore(%run_scoped3A_247 : memref<!tpu.dma_semaphore, #tpu.memory_space<semaphore_mem>>) src(%dma_wait3A_259 : memref<6400xi32, #tpu.memory_space<hbm>>) dst(%dma_wait3A_258 : memref<6400xi32, #tpu.memory_space<vmem>>)
        tpu.yield
      }) : () -> ()
      %broadcast_in_dim3A = arith.constant 0xFF800000 : f32
      %broadcast_in_dim3A_9 = vector.broadcast %broadcast_in_dim3A : f32 to vector<16xf32>
      %scan3A = arith.constant 0 : i32
      %scan3A_10 = arith.constant 0 : i32
      %scan3A_11 = arith.constant 256 : i32
      %scan3A_12 = arith.addi %scan3A_10, %scan3A_11 : i32
      %scan3A_13 = arith.constant 1 : i32
      %scan3A_14 = scf.for %scan3A_247 = %scan3A_10 to %scan3A_12 step %scan3A_13 iter_args(%scan3A_248 = %scan3A) -> (i32)  : i32 {
        %mul3A_249 = arith.constant 128 : i32
        %mul3A_250 = arith.muli %scan3A_247, %mul3A_249 : i32
        %add3A_251 = arith.constant 0 : i32
        %add3A_252 = arith.addi %mul3A_250, %add3A_251 : i32
        %swap3A_253 = arith.index_cast %add3A_252 : i32 to index
        %swap3A_254 = tpu.vector_load %arg10[%swap3A_253] {strides = array<i32>} : memref<32768xf32, #tpu.memory_space<vmem>>, vector<16xf32>,
        %swap3A_255 = vector.shape_cast %swap3A_254 : vector<16xf32> to vector<16xf32>
        %swap3A_256 = vector.shape_cast %broadcast_in_dim3A_9 : vector<16xf32> to vector<16xf32>
        tpu.vector_store %arg10[%swap3A_253], %swap3A_256 {strides = array<i32>} : memref<32768xf32, #tpu.memory_space<vmem>>, vector<16xf32>,
        %add3A_257 = arith.constant 16 : i32
        %add3A_258 = arith.addi %mul3A_250, %add3A_257 : i32
        %swap3A_259 = arith.index_cast %add3A_258 : i32 to index
        %swap3A_260 = tpu.vector_load %arg10[%swap3A_259] {strides = array<i32>} : memref<32768xf32, #tpu.memory_space<vmem>>, vector<16xf32>,
        %swap3A_261 = vector.shape_cast %swap3A_260 : vector<16xf32> to vector<16xf32>
        %swap3A_262 = vector.shape_cast %broadcast_in_dim3A_9 : vector<16xf32> to vector<16xf32>
        tpu.vector_store %arg10[%swap3A_259], %swap3A_262 {strides = array<i32>} : memref<32768xf32, #tpu.memory_space<vmem>>, vector<16xf32>,
        %add3A_263 = arith.constant 32 : i32
        %add3A_264 = arith.addi %mul3A_250, %add3A_263 : i32
        %swap3A_265 = arith.index_cast %add3A_264 : i32 to index
        %swap3A_266 = tpu.vector_load %arg10[%swap3A_265] {strides = array<i32>} : memref<32768xf32, #tpu.memory_space<vmem>>, vector<16xf32>,
        %swap3A_267 = vector.shape_cast %swap3A_266 : vector<16xf32> to vector<16xf32>
        %swap3A_268 = vector.shape_cast %broadcast_in_dim3A_9 : vector<16xf32> to vector<16xf32>
        tpu.vector_store %arg10[%swap3A_265], %swap3A_268 {strides = array<i32>} : memref<32768xf32, #tpu.memory_space<vmem>>, vector<16xf32>,
        %add3A_269 = arith.constant 48 : i32
        %add3A_270 = arith.addi %mul3A_250, %add3A_269 : i32
        %swap3A_271 = arith.index_cast %add3A_270 : i32 to index
        %swap3A_272 = tpu.vector_load %arg10[%swap3A_271] {strides = array<i32>} : memref<32768xf32, #tpu.memory_space<vmem>>, vector<16xf32>,
        %swap3A_273 = vector.shape_cast %swap3A_272 : vector<16xf32> to vector<16xf32>
        %swap3A_274 = vector.shape_cast %broadcast_in_dim3A_9 : vector<16xf32> to vector<16xf32>
        tpu.vector_store %arg10[%swap3A_271], %swap3A_274 {strides = array<i32>} : memref<32768xf32, #tpu.memory_space<vmem>>, vector<16xf32>,
        %add3A_275 = arith.constant 64 : i32
        %add3A_276 = arith.addi %mul3A_250, %add3A_275 : i32
        %swap3A_277 = arith.index_cast %add3A_276 : i32 to index
        %swap3A_278 = tpu.vector_load %arg10[%swap3A_277] {strides = array<i32>} : memref<32768xf32, #tpu.memory_space<vmem>>, vector<16xf32>,
        %swap3A_279 = vector.shape_cast %swap3A_278 : vector<16xf32> to vector<16xf32>
        %swap3A_280 = vector.shape_cast %broadcast_in_dim3A_9 : vector<16xf32> to vector<16xf32>
        tpu.vector_store %arg10[%swap3A_277], %swap3A_280 {strides = array<i32>} : memref<32768xf32, #tpu.memory_space<vmem>>, vector<16xf32>,
        %add3A_281 = arith.constant 80 : i32
        %add3A_282 = arith.addi %mul3A_250, %add3A_281 : i32
        %swap3A_283 = arith.index_cast %add3A_282 : i32 to index
        %swap3A_284 = tpu.vector_load %arg10[%swap3A_283] {strides = array<i32>} : memref<32768xf32, #tpu.memory_space<vmem>>, vector<16xf32>,
        %swap3A_285 = vector.shape_cast %swap3A_284 : vector<16xf32> to vector<16xf32>
        %swap3A_286 = vector.shape_cast %broadcast_in_dim3A_9 : vector<16xf32> to vector<16xf32>
        tpu.vector_store %arg10[%swap3A_283], %swap3A_286 {strides = array<i32>} : memref<32768xf32, #tpu.memory_space<vmem>>, vector<16xf32>,
        %add3A_287 = arith.constant 96 : i32
        %add3A_288 = arith.addi %mul3A_250, %add3A_287 : i32
        %swap3A_289 = arith.index_cast %add3A_288 : i32 to index
        %swap3A_290 = tpu.vector_load %arg10[%swap3A_289] {strides = array<i32>} : memref<32768xf32, #tpu.memory_space<vmem>>, vector<16xf32>,
        %swap3A_291 = vector.shape_cast %swap3A_290 : vector<16xf32> to vector<16xf32>
        %swap3A_292 = vector.shape_cast %broadcast_in_dim3A_9 : vector<16xf32> to vector<16xf32>
        tpu.vector_store %arg10[%swap3A_289], %swap3A_292 {strides = array<i32>} : memref<32768xf32, #tpu.memory_space<vmem>>, vector<16xf32>,
        %add3A_293 = arith.constant 112 : i32
        %add3A_294 = arith.addi %mul3A_250, %add3A_293 : i32
        %swap3A_295 = arith.index_cast %add3A_294 : i32 to index
        %swap3A_296 = tpu.vector_load %arg10[%swap3A_295] {strides = array<i32>} : memref<32768xf32, #tpu.memory_space<vmem>>, vector<16xf32>,
        %swap3A_297 = vector.shape_cast %swap3A_296 : vector<16xf32> to vector<16xf32>
        %swap3A_298 = vector.shape_cast %broadcast_in_dim3A_9 : vector<16xf32> to vector<16xf32>
        tpu.vector_store %arg10[%swap3A_295], %swap3A_298 {strides = array<i32>} : memref<32768xf32, #tpu.memory_space<vmem>>, vector<16xf32>,
        %scan3A_299 = arith.constant 0 : i32
        scf.yield %scan3A_299 : i32
      }
      %scan3A_15 = arith.constant 256 : i32
      %mul3A_16 = arith.constant 128 : i32
      %mul3A_17 = arith.muli %min3A_8, %mul3A_16 : i32
      %dma_start3A = arith.constant 0 : i32
      %dma_start3A_18 = arith.constant 0 : i32
      %dma_start3A_19 = tpu.memref_slice %arg9[%dma_start3A, %dma_start3A_18] : memref<2x20480xf32, #tpu.memory_space<vmem>> -> memref<1x20480xf32, #tpu.memory_space<vmem>>
      %dma_start3A_20 = tpu.memref_squeeze %dma_start3A_19 : memref<1x20480xf32, #tpu.memory_space<vmem>> -> memref<20480xf32, #tpu.memory_space<vmem>>
      %dma_start3A_21 = tpu.memref_slice %arg2[%mul3A_17] : memref<12800000xf32, #tpu.memory_space<hbm>> -> memref<20480xf32, #tpu.memory_space<hbm>>
      %dma_start3A_22 = arith.constant 0 : i32
      %dma_start3A_23 = tpu.memref_slice %arg9[%dma_start3A, %dma_start3A_22] : memref<2x20480xf32, #tpu.memory_space<vmem>> -> memref<1x20480xf32, #tpu.memory_space<vmem>>
      %dma_start3A_24 = tpu.memref_squeeze %dma_start3A_23 : memref<1x20480xf32, #tpu.memory_space<vmem>> -> memref<20480xf32, #tpu.memory_space<vmem>>
      %dma_start3A_25 = tpu.memref_slice %arg2[%mul3A_17] : memref<12800000xf32, #tpu.memory_space<hbm>> -> memref<20480xf32, #tpu.memory_space<hbm>>
      tpu.enqueue_dma source(%dma_start3A_25 : memref<20480xf32, #tpu.memory_space<hbm>>) target(%dma_start3A_24 : memref<20480xf32, #tpu.memory_space<vmem>>) target_semaphore(%arg14 : memref<!tpu.dma_semaphore, #tpu.memory_space<semaphore_mem>>)
      %get3A = arith.constant 0 : index
      %get3A_26 = tpu.vector_load %arg8[%get3A] {strides = array<i32>} : memref<6416xi32, #tpu.memory_space<vmem>>, vector<16xi32>,
      %get3A_27 = vector.shape_cast %get3A_26 : vector<16xi32> to vector<16xi32>
      %slice3A = vector.extract_strided_slice %get3A_27 {offsets = [0], sizes = [1], strides = [1]} : vector<16xi32> to vector<1xi32>
      %squeeze3A = vector.extract %slice3A[0] : i32 from vector<1xi32>
      %scan3A_28 = arith.constant 0 : i32
      %scan3A_29 = arith.constant 20 : i32
      %scan3A_30 = arith.addi %scan3A_28, %scan3A_29 : i32
      %scan3A_31 = arith.constant 1 : i32
      scf.for %scan3A_247 = %scan3A_28 to %scan3A_30 step %scan3A_31  : i32 {
        %mul3A_248 = arith.constant 2 : i32
        %mul3A_249 = arith.muli %mul3A_248, %scan3A_247 : i32
        %add3A_250 = arith.constant 1 : i32
        %add3A_251 = arith.addi %mul3A_249, %add3A_250 : i32
        %mul3A_252 = arith.constant 160 : i32
        %mul3A_253 = arith.muli %add3A_251, %mul3A_252 : i32
        %add3A_254 = arith.addi %min3A_8, %mul3A_253 : i32
        %mul3A_255 = arith.constant 128 : i32
        %mul3A_256 = arith.muli %add3A_254, %mul3A_255 : i32
        %dma_start3A_257 = arith.constant 1 : i32
        %dma_start3A_258 = arith.constant 0 : i32
        %dma_start3A_259 = tpu.memref_slice %arg9[%dma_start3A_257, %dma_start3A_258] : memref<2x20480xf32, #tpu.memory_space<vmem>> -> memref<1x20480xf32, #tpu.memory_space<vmem>>
        %dma_start3A_260 = tpu.memref_squeeze %dma_start3A_259 : memref<1x20480xf32, #tpu.memory_space<vmem>> -> memref<20480xf32, #tpu.memory_space<vmem>>
        %dma_start3A_261 = tpu.memref_slice %arg2[%mul3A_256] : memref<12800000xf32, #tpu.memory_space<hbm>> -> memref<20480xf32, #tpu.memory_space<hbm>>
        %dma_start3A_262 = arith.constant 0 : i32
        %dma_start3A_263 = tpu.memref_slice %arg9[%dma_start3A_257, %dma_start3A_262] : memref<2x20480xf32, #tpu.memory_space<vmem>> -> memref<1x20480xf32, #tpu.memory_space<vmem>>
        %dma_start3A_264 = tpu.memref_squeeze %dma_start3A_263 : memref<1x20480xf32, #tpu.memory_space<vmem>> -> memref<20480xf32, #tpu.memory_space<vmem>>
        %dma_start3A_265 = tpu.memref_slice %arg2[%mul3A_256] : memref<12800000xf32, #tpu.memory_space<hbm>> -> memref<20480xf32, #tpu.memory_space<hbm>>
        tpu.enqueue_dma source(%dma_start3A_265 : memref<20480xf32, #tpu.memory_space<hbm>>) target(%dma_start3A_264 : memref<20480xf32, #tpu.memory_space<vmem>>) target_semaphore(%arg15 : memref<!tpu.dma_semaphore, #tpu.memory_space<semaphore_mem>>)
        %dma_wait3A_266 = arith.constant 0 : i32
        %dma_wait3A_267 = arith.constant 0 : i32
        %dma_wait3A_268 = tpu.memref_slice %arg9[%dma_wait3A_266, %dma_wait3A_267] : memref<2x20480xf32, #tpu.memory_space<vmem>> -> memref<1x20480xf32, #tpu.memory_space<vmem>>
        %dma_wait3A_269 = tpu.memref_squeeze %dma_wait3A_268 : memref<1x20480xf32, #tpu.memory_space<vmem>> -> memref<20480xf32, #tpu.memory_space<vmem>>
        %dma_wait3A_270 = arith.constant 0 : i32
        %dma_wait3A_271 = tpu.memref_slice %arg2[%dma_wait3A_270] : memref<12800000xf32, #tpu.memory_space<hbm>> -> memref<20480xf32, #tpu.memory_space<hbm>>
        %dma_wait3A_272 = arith.constant 0 : i32
        %dma_wait3A_273 = tpu.memref_slice %arg9[%dma_wait3A_266, %dma_wait3A_272] : memref<2x20480xf32, #tpu.memory_space<vmem>> -> memref<1x20480xf32, #tpu.memory_space<vmem>>
        %dma_wait3A_274 = tpu.memref_squeeze %dma_wait3A_273 : memref<1x20480xf32, #tpu.memory_space<vmem>> -> memref<20480xf32, #tpu.memory_space<vmem>>
        %dma_wait3A_275 = arith.constant 0 : i32
        %dma_wait3A_276 = tpu.memref_slice %arg2[%dma_wait3A_275] : memref<12800000xf32, #tpu.memory_space<hbm>> -> memref<20480xf32, #tpu.memory_space<hbm>>
        tpu.wait_dma2 semaphore(%arg14 : memref<!tpu.dma_semaphore, #tpu.memory_space<semaphore_mem>>) src(%dma_wait3A_276 : memref<20480xf32, #tpu.memory_space<hbm>>) dst(%dma_wait3A_274 : memref<20480xf32, #tpu.memory_space<vmem>>)
        %mul3A_277 = arith.constant 2 : i32
        %mul3A_278 = arith.muli %mul3A_277, %scan3A_247 : i32
        %add3A_279 = arith.constant 2 : i32
        %add3A_280 = arith.addi %mul3A_278, %add3A_279 : i32
        %mul3A_281 = arith.constant 160 : i32
        %mul3A_282 = arith.muli %add3A_280, %mul3A_281 : i32
        %min3A_283 = arith.constant 6240 : i32
        %min3A_284 = arith.minsi %mul3A_282, %min3A_283 : i32
        %add3A_285 = arith.addi %min3A_8, %min3A_284 : i32
        %mul3A_286 = arith.constant 128 : i32
        %mul3A_287 = arith.muli %add3A_285, %mul3A_286 : i32
        %dma_start3A_288 = arith.constant 0 : i32
        %dma_start3A_289 = arith.constant 0 : i32
        %dma_start3A_290 = tpu.memref_slice %arg9[%dma_start3A_288, %dma_start3A_289] : memref<2x20480xf32, #tpu.memory_space<vmem>> -> memref<1x20480xf32, #tpu.memory_space<vmem>>
        %dma_start3A_291 = tpu.memref_squeeze %dma_start3A_290 : memref<1x20480xf32, #tpu.memory_space<vmem>> -> memref<20480xf32, #tpu.memory_space<vmem>>
        %dma_start3A_292 = tpu.memref_slice %arg2[%mul3A_287] : memref<12800000xf32, #tpu.memory_space<hbm>> -> memref<20480xf32, #tpu.memory_space<hbm>>
        %dma_start3A_293 = arith.constant 0 : i32
        %dma_start3A_294 = tpu.memref_slice %arg9[%dma_start3A_288, %dma_start3A_293] : memref<2x20480xf32, #tpu.memory_space<vmem>> -> memref<1x20480xf32, #tpu.memory_space<vmem>>
        %dma_start3A_295 = tpu.memref_squeeze %dma_start3A_294 : memref<1x20480xf32, #tpu.memory_space<vmem>> -> memref<20480xf32, #tpu.memory_space<vmem>>
        %dma_start3A_296 = tpu.memref_slice %arg2[%mul3A_287] : memref<12800000xf32, #tpu.memory_space<hbm>> -> memref<20480xf32, #tpu.memory_space<hbm>>
        tpu.enqueue_dma source(%dma_start3A_296 : memref<20480xf32, #tpu.memory_space<hbm>>) target(%dma_start3A_295 : memref<20480xf32, #tpu.memory_space<vmem>>) target_semaphore(%arg14 : memref<!tpu.dma_semaphore, #tpu.memory_space<semaphore_mem>>)
        %dma_wait3A_297 = arith.constant 1 : i32
        %dma_wait3A_298 = arith.constant 0 : i32
        %dma_wait3A_299 = tpu.memref_slice %arg9[%dma_wait3A_297, %dma_wait3A_298] : memref<2x20480xf32, #tpu.memory_space<vmem>> -> memref<1x20480xf32, #tpu.memory_space<vmem>>
        %dma_wait3A_300 = tpu.memref_squeeze %dma_wait3A_299 : memref<1x20480xf32, #tpu.memory_space<vmem>> -> memref<20480xf32, #tpu.memory_space<vmem>>
        %dma_wait3A_301 = arith.constant 0 : i32
        %dma_wait3A_302 = tpu.memref_slice %arg2[%dma_wait3A_301] : memref<12800000xf32, #tpu.memory_space<hbm>> -> memref<20480xf32, #tpu.memory_space<hbm>>
        %dma_wait3A_303 = arith.constant 0 : i32
        %dma_wait3A_304 = tpu.memref_slice %arg9[%dma_wait3A_297, %dma_wait3A_303] : memref<2x20480xf32, #tpu.memory_space<vmem>> -> memref<1x20480xf32, #tpu.memory_space<vmem>>
        %dma_wait3A_305 = tpu.memref_squeeze %dma_wait3A_304 : memref<1x20480xf32, #tpu.memory_space<vmem>> -> memref<20480xf32, #tpu.memory_space<vmem>>
        %dma_wait3A_306 = arith.constant 0 : i32
        %dma_wait3A_307 = tpu.memref_slice %arg2[%dma_wait3A_306] : memref<12800000xf32, #tpu.memory_space<hbm>> -> memref<20480xf32, #tpu.memory_space<hbm>>
        tpu.wait_dma2 semaphore(%arg15 : memref<!tpu.dma_semaphore, #tpu.memory_space<semaphore_mem>>) src(%dma_wait3A_307 : memref<20480xf32, #tpu.memory_space<hbm>>) dst(%dma_wait3A_305 : memref<20480xf32, #tpu.memory_space<vmem>>)
      }
      %scan3A_32 = arith.constant 20 : i32
      %dma_wait3A = arith.constant 0 : i32
      %dma_wait3A_33 = arith.constant 0 : i32
      %dma_wait3A_34 = tpu.memref_slice %arg9[%dma_wait3A, %dma_wait3A_33] : memref<2x20480xf32, #tpu.memory_space<vmem>> -> memref<1x20480xf32, #tpu.memory_space<vmem>>
      %dma_wait3A_35 = tpu.memref_squeeze %dma_wait3A_34 : memref<1x20480xf32, #tpu.memory_space<vmem>> -> memref<20480xf32, #tpu.memory_space<vmem>>
      %dma_wait3A_36 = arith.constant 0 : i32
      %dma_wait3A_37 = tpu.memref_slice %arg2[%dma_wait3A_36] : memref<12800000xf32, #tpu.memory_space<hbm>> -> memref<20480xf32, #tpu.memory_space<hbm>>
      %dma_wait3A_38 = arith.constant 0 : i32
      %dma_wait3A_39 = tpu.memref_slice %arg9[%dma_wait3A, %dma_wait3A_38] : memref<2x20480xf32, #tpu.memory_space<vmem>> -> memref<1x20480xf32, #tpu.memory_space<vmem>>
      %dma_wait3A_40 = tpu.memref_squeeze %dma_wait3A_39 : memref<1x20480xf32, #tpu.memory_space<vmem>> -> memref<20480xf32, #tpu.memory_space<vmem>>
      %dma_wait3A_41 = arith.constant 0 : i32
      %dma_wait3A_42 = tpu.memref_slice %arg2[%dma_wait3A_41] : memref<12800000xf32, #tpu.memory_space<hbm>> -> memref<20480xf32, #tpu.memory_space<hbm>>
      tpu.wait_dma2 semaphore(%arg14 : memref<!tpu.dma_semaphore, #tpu.memory_space<semaphore_mem>>) src(%dma_wait3A_42 : memref<20480xf32, #tpu.memory_space<hbm>>) dst(%dma_wait3A_40 : memref<20480xf32, #tpu.memory_space<vmem>>)
      %mul3A_43 = arith.constant 128 : i32
      %mul3A_44 = arith.muli %squeeze3A, %mul3A_43 : i32
      %add3A = arith.constant 0 : i32
      %add3A_45 = arith.addi %mul3A_44, %add3A : i32
      %swap3A = arith.index_cast %add3A_45 : i32 to index
      %swap3A_46 = tpu.vector_load %arg10[%swap3A] {strides = array<i32>} : memref<32768xf32, #tpu.memory_space<vmem>>, vector<16xf32>,
      %swap3A_47 = vector.shape_cast %swap3A_46 : vector<16xf32> to vector<16xf32>
      %swap3A_48 = vector.shape_cast %broadcast_in_dim3A_9 : vector<16xf32> to vector<16xf32>
      tpu.vector_store %arg10[%swap3A], %swap3A_48 {strides = array<i32>} : memref<32768xf32, #tpu.memory_space<vmem>>, vector<16xf32>,
      %add3A_49 = arith.constant 16 : i32
      %add3A_50 = arith.addi %mul3A_44, %add3A_49 : i32
      %swap3A_51 = arith.index_cast %add3A_50 : i32 to index
      %swap3A_52 = tpu.vector_load %arg10[%swap3A_51] {strides = array<i32>} : memref<32768xf32, #tpu.memory_space<vmem>>, vector<16xf32>,
      %swap3A_53 = vector.shape_cast %swap3A_52 : vector<16xf32> to vector<16xf32>
      %swap3A_54 = vector.shape_cast %broadcast_in_dim3A_9 : vector<16xf32> to vector<16xf32>
      tpu.vector_store %arg10[%swap3A_51], %swap3A_54 {strides = array<i32>} : memref<32768xf32, #tpu.memory_space<vmem>>, vector<16xf32>,
      %add3A_55 = arith.constant 32 : i32
      %add3A_56 = arith.addi %mul3A_44, %add3A_55 : i32
      %swap3A_57 = arith.index_cast %add3A_56 : i32 to index
      %swap3A_58 = tpu.vector_load %arg10[%swap3A_57] {strides = array<i32>} : memref<32768xf32, #tpu.memory_space<vmem>>, vector<16xf32>,
      %swap3A_59 = vector.shape_cast %swap3A_58 : vector<16xf32> to vector<16xf32>
      %swap3A_60 = vector.shape_cast %broadcast_in_dim3A_9 : vector<16xf32> to vector<16xf32>
      tpu.vector_store %arg10[%swap3A_57], %swap3A_60 {strides = array<i32>} : memref<32768xf32, #tpu.memory_space<vmem>>, vector<16xf32>,
      %add3A_61 = arith.constant 48 : i32
      %add3A_62 = arith.addi %mul3A_44, %add3A_61 : i32
      %swap3A_63 = arith.index_cast %add3A_62 : i32 to index
      %swap3A_64 = tpu.vector_load %arg10[%swap3A_63] {strides = array<i32>} : memref<32768xf32, #tpu.memory_space<vmem>>, vector<16xf32>,
      %swap3A_65 = vector.shape_cast %swap3A_64 : vector<16xf32> to vector<16xf32>
      %swap3A_66 = vector.shape_cast %broadcast_in_dim3A_9 : vector<16xf32> to vector<16xf32>
      tpu.vector_store %arg10[%swap3A_63], %swap3A_66 {strides = array<i32>} : memref<32768xf32, #tpu.memory_space<vmem>>, vector<16xf32>,
      %add3A_67 = arith.constant 64 : i32
      %add3A_68 = arith.addi %mul3A_44, %add3A_67 : i32
      %swap3A_69 = arith.index_cast %add3A_68 : i32 to index
      %swap3A_70 = tpu.vector_load %arg10[%swap3A_69] {strides = array<i32>} : memref<32768xf32, #tpu.memory_space<vmem>>, vector<16xf32>,
      %swap3A_71 = vector.shape_cast %swap3A_70 : vector<16xf32> to vector<16xf32>
      %swap3A_72 = vector.shape_cast %broadcast_in_dim3A_9 : vector<16xf32> to vector<16xf32>
      tpu.vector_store %arg10[%swap3A_69], %swap3A_72 {strides = array<i32>} : memref<32768xf32, #tpu.memory_space<vmem>>, vector<16xf32>,
      %add3A_73 = arith.constant 80 : i32
      %add3A_74 = arith.addi %mul3A_44, %add3A_73 : i32
      %swap3A_75 = arith.index_cast %add3A_74 : i32 to index
      %swap3A_76 = tpu.vector_load %arg10[%swap3A_75] {strides = array<i32>} : memref<32768xf32, #tpu.memory_space<vmem>>, vector<16xf32>,
      %swap3A_77 = vector.shape_cast %swap3A_76 : vector<16xf32> to vector<16xf32>
      %swap3A_78 = vector.shape_cast %broadcast_in_dim3A_9 : vector<16xf32> to vector<16xf32>
      tpu.vector_store %arg10[%swap3A_75], %swap3A_78 {strides = array<i32>} : memref<32768xf32, #tpu.memory_space<vmem>>, vector<16xf32>,
      %add3A_79 = arith.constant 96 : i32
      %add3A_80 = arith.addi %mul3A_44, %add3A_79 : i32
      %swap3A_81 = arith.index_cast %add3A_80 : i32 to index
      %swap3A_82 = tpu.vector_load %arg10[%swap3A_81] {strides = array<i32>} : memref<32768xf32, #tpu.memory_space<vmem>>, vector<16xf32>,
      %swap3A_83 = vector.shape_cast %swap3A_82 : vector<16xf32> to vector<16xf32>
      %swap3A_84 = vector.shape_cast %broadcast_in_dim3A_9 : vector<16xf32> to vector<16xf32>
      tpu.vector_store %arg10[%swap3A_81], %swap3A_84 {strides = array<i32>} : memref<32768xf32, #tpu.memory_space<vmem>>, vector<16xf32>,
      %add3A_85 = arith.constant 112 : i32
      %add3A_86 = arith.addi %mul3A_44, %add3A_85 : i32
      %swap3A_87 = arith.index_cast %add3A_86 : i32 to index
      %swap3A_88 = tpu.vector_load %arg10[%swap3A_87] {strides = array<i32>} : memref<32768xf32, #tpu.memory_space<vmem>>, vector<16xf32>,
      %swap3A_89 = vector.shape_cast %swap3A_88 : vector<16xf32> to vector<16xf32>
      %swap3A_90 = vector.shape_cast %broadcast_in_dim3A_9 : vector<16xf32> to vector<16xf32>
      tpu.vector_store %arg10[%swap3A_87], %swap3A_90 {strides = array<i32>} : memref<32768xf32, #tpu.memory_space<vmem>>, vector<16xf32>,
      "tpu.region"() ({
        %run_scoped3A_247 = tpu.sem_alloc : memref<!tpu.dma_semaphore, #tpu.memory_space<semaphore_mem>>
        %dma_start3A_248 = arith.constant 0 : i32
        %dma_start3A_249 = tpu.memref_slice %arg13[%arg1, %dma_start3A_248] : memref<16x32768xf32, #tpu.memory_space<vmem_shared>> -> memref<1x32768xf32, #tpu.memory_space<vmem_shared>>
        %dma_start3A_250 = tpu.memref_squeeze %dma_start3A_249 : memref<1x32768xf32, #tpu.memory_space<vmem_shared>> -> memref<32768xf32, #tpu.memory_space<vmem_shared>>
        %dma_start3A_251 = arith.constant 0 : i32
        %dma_start3A_252 = tpu.memref_slice %arg13[%arg1, %dma_start3A_251] : memref<16x32768xf32, #tpu.memory_space<vmem_shared>> -> memref<1x32768xf32, #tpu.memory_space<vmem_shared>>
        %dma_start3A_253 = tpu.memref_squeeze %dma_start3A_252 : memref<1x32768xf32, #tpu.memory_space<vmem_shared>> -> memref<32768xf32, #tpu.memory_space<vmem_shared>>
        tpu.enqueue_dma source(%arg10 : memref<32768xf32, #tpu.memory_space<vmem>>) target(%dma_start3A_253 : memref<32768xf32, #tpu.memory_space<vmem_shared>>) target_semaphore(%run_scoped3A_247 : memref<!tpu.dma_semaphore, #tpu.memory_space<semaphore_mem>>)
        %dma_wait3A_254 = arith.constant 0 : i32
        %dma_wait3A_255 = tpu.memref_slice %arg13[%arg1, %dma_wait3A_254] : memref<16x32768xf32, #tpu.memory_space<vmem_shared>> -> memref<1x32768xf32, #tpu.memory_space<vmem_shared>>
        %dma_wait3A_256 = tpu.memref_squeeze %dma_wait3A_255 : memref<1x32768xf32, #tpu.memory_space<vmem_shared>> -> memref<32768xf32, #tpu.memory_space<vmem_shared>>
        %dma_wait3A_257 = arith.constant 0 : i32
        %dma_wait3A_258 = tpu.memref_slice %arg13[%arg1, %dma_wait3A_257] : memref<16x32768xf32, #tpu.memory_space<vmem_shared>> -> memref<1x32768xf32, #tpu.memory_space<vmem_shared>>
        %dma_wait3A_259 = tpu.memref_squeeze %dma_wait3A_258 : memref<1x32768xf32, #tpu.memory_space<vmem_shared>> -> memref<32768xf32, #tpu.memory_space<vmem_shared>>
        tpu.wait_dma2 semaphore(%run_scoped3A_247 : memref<!tpu.dma_semaphore, #tpu.memory_space<semaphore_mem>>) src(%arg10 : memref<32768xf32, #tpu.memory_space<vmem>>) dst(%dma_wait3A_259 : memref<32768xf32, #tpu.memory_space<vmem_shared>>)
        tpu.yield
      }) : () -> ()
      %barrier3A = arith.constant 0 : index
      tpu.barrier barrier_id(%barrier3A)
      %mul3A_91 = arith.constant 16 : i32
      %mul3A_92 = arith.muli %arg1, %mul3A_91 : i32
      %mul3A_93 = arith.constant 128 : i32
      %mul3A_94 = arith.muli %mul3A_92, %mul3A_93 : i32
      %run_scoped3A = arith.constant 0 : i32
      "tpu.region"() ({
        %run_scoped3A_247 = tpu.sem_alloc : memref<!tpu.dma_semaphore, #tpu.memory_space<semaphore_mem>>
        %dma_start3A_248 = tpu.memref_slice %arg13[%run_scoped3A, %mul3A_94] : memref<16x32768xf32, #tpu.memory_space<vmem_shared>> -> memref<1x2048xf32, #tpu.memory_space<vmem_shared>>
        %dma_start3A_249 = tpu.memref_squeeze %dma_start3A_248 : memref<1x2048xf32, #tpu.memory_space<vmem_shared>> -> memref<2048xf32, #tpu.memory_space<vmem_shared>>
        %dma_start3A_250 = tpu.memref_slice %arg13[%run_scoped3A, %mul3A_94] : memref<16x32768xf32, #tpu.memory_space<vmem_shared>> -> memref<1x2048xf32, #tpu.memory_space<vmem_shared>>
        %dma_start3A_251 = tpu.memref_squeeze %dma_start3A_250 : memref<1x2048xf32, #tpu.memory_space<vmem_shared>> -> memref<2048xf32, #tpu.memory_space<vmem_shared>>
        tpu.enqueue_dma source(%dma_start3A_251 : memref<2048xf32, #tpu.memory_space<vmem_shared>>) target(%arg12 : memref<2048xf32, #tpu.memory_space<vmem>>) target_semaphore(%run_scoped3A_247 : memref<!tpu.dma_semaphore, #tpu.memory_space<semaphore_mem>>)
        %dma_wait3A_252 = tpu.memref_slice %arg13[%run_scoped3A, %mul3A_94] : memref<16x32768xf32, #tpu.memory_space<vmem_shared>> -> memref<1x2048xf32, #tpu.memory_space<vmem_shared>>
        %dma_wait3A_253 = tpu.memref_squeeze %dma_wait3A_252 : memref<1x2048xf32, #tpu.memory_space<vmem_shared>> -> memref<2048xf32, #tpu.memory_space<vmem_shared>>
        %dma_wait3A_254 = tpu.memref_slice %arg13[%run_scoped3A, %mul3A_94] : memref<16x32768xf32, #tpu.memory_space<vmem_shared>> -> memref<1x2048xf32, #tpu.memory_space<vmem_shared>>
        %dma_wait3A_255 = tpu.memref_squeeze %dma_wait3A_254 : memref<1x2048xf32, #tpu.memory_space<vmem_shared>> -> memref<2048xf32, #tpu.memory_space<vmem_shared>>
        tpu.wait_dma2 semaphore(%run_scoped3A_247 : memref<!tpu.dma_semaphore, #tpu.memory_space<semaphore_mem>>) src(%dma_wait3A_255 : memref<2048xf32, #tpu.memory_space<vmem_shared>>) dst(%arg12 : memref<2048xf32, #tpu.memory_space<vmem>>)
        tpu.yield
      }) : () -> ()
      %mul3A_95 = arith.constant 128 : i32
      %mul3A_96 = arith.muli %mul3A_92, %mul3A_95 : i32
      %run_scoped3A_97 = arith.constant 1 : i32
      "tpu.region"() ({
        %run_scoped3A_247 = tpu.sem_alloc : memref<!tpu.dma_semaphore, #tpu.memory_space<semaphore_mem>>
        %dma_start3A_248 = tpu.memref_slice %arg13[%run_scoped3A_97, %mul3A_96] : memref<16x32768xf32, #tpu.memory_space<vmem_shared>> -> memref<1x2048xf32, #tpu.memory_space<vmem_shared>>
        %dma_start3A_249 = tpu.memref_squeeze %dma_start3A_248 : memref<1x2048xf32, #tpu.memory_space<vmem_shared>> -> memref<2048xf32, #tpu.memory_space<vmem_shared>>
        %dma_start3A_250 = tpu.memref_slice %arg13[%run_scoped3A_97, %mul3A_96] : memref<16x32768xf32, #tpu.memory_space<vmem_shared>> -> memref<1x2048xf32, #tpu.memory_space<vmem_shared>>
        %dma_start3A_251 = tpu.memref_squeeze %dma_start3A_250 : memref<1x2048xf32, #tpu.memory_space<vmem_shared>> -> memref<2048xf32, #tpu.memory_space<vmem_shared>>
        tpu.enqueue_dma source(%dma_start3A_251 : memref<2048xf32, #tpu.memory_space<vmem_shared>>) target(%arg11 : memref<2048xf32, #tpu.memory_space<vmem>>) target_semaphore(%run_scoped3A_247 : memref<!tpu.dma_semaphore, #tpu.memory_space<semaphore_mem>>)
        %dma_wait3A_252 = tpu.memref_slice %arg13[%run_scoped3A_97, %mul3A_96] : memref<16x32768xf32, #tpu.memory_space<vmem_shared>> -> memref<1x2048xf32, #tpu.memory_space<vmem_shared>>
        %dma_wait3A_253 = tpu.memref_squeeze %dma_wait3A_252 : memref<1x2048xf32, #tpu.memory_space<vmem_shared>> -> memref<2048xf32, #tpu.memory_space<vmem_shared>>
        %dma_wait3A_254 = tpu.memref_slice %arg13[%run_scoped3A_97, %mul3A_96] : memref<16x32768xf32, #tpu.memory_space<vmem_shared>> -> memref<1x2048xf32, #tpu.memory_space<vmem_shared>>
        %dma_wait3A_255 = tpu.memref_squeeze %dma_wait3A_254 : memref<1x2048xf32, #tpu.memory_space<vmem_shared>> -> memref<2048xf32, #tpu.memory_space<vmem_shared>>
        tpu.wait_dma2 semaphore(%run_scoped3A_247 : memref<!tpu.dma_semaphore, #tpu.memory_space<semaphore_mem>>) src(%dma_wait3A_255 : memref<2048xf32, #tpu.memory_space<vmem_shared>>) dst(%arg11 : memref<2048xf32, #tpu.memory_space<vmem>>)
        tpu.yield
      }) : () -> ()
      %scan3A_98 = arith.constant 0 : i32
      %scan3A_99 = arith.constant 0 : i32
      %scan3A_100 = arith.constant 128 : i32
      %scan3A_101 = arith.addi %scan3A_99, %scan3A_100 : i32
      %scan3A_102 = arith.constant 1 : i32
      %scan3A_103 = scf.for %scan3A_247 = %scan3A_99 to %scan3A_101 step %scan3A_102 iter_args(%scan3A_248 = %scan3A_98) -> (i32)  : i32 {
        %mul3A_249 = arith.constant 16 : i32
        %mul3A_250 = arith.muli %scan3A_247, %mul3A_249 : i32
        %get3A_251 = arith.index_cast %mul3A_250 : i32 to index
        %get3A_252 = tpu.vector_load %arg12[%get3A_251] {strides = array<i32>} : memref<2048xf32, #tpu.memory_space<vmem>>, vector<16xf32>,
        %get3A_253 = vector.shape_cast %get3A_252 : vector<16xf32> to vector<16xf32>
        %get3A_254 = arith.index_cast %mul3A_250 : i32 to index
        %get3A_255 = tpu.vector_load %arg11[%get3A_254] {strides = array<i32>} : memref<2048xf32, #tpu.memory_space<vmem>>, vector<16xf32>,
        %get3A_256 = vector.shape_cast %get3A_255 : vector<16xf32> to vector<16xf32>
        %max3A = arith.maximumf %get3A_253, %get3A_256 : vector<16xf32>
        %swap3A_257 = arith.index_cast %mul3A_250 : i32 to index
        %swap3A_258 = tpu.vector_load %arg12[%swap3A_257] {strides = array<i32>} : memref<2048xf32, #tpu.memory_space<vmem>>, vector<16xf32>,
        %swap3A_259 = vector.shape_cast %swap3A_258 : vector<16xf32> to vector<16xf32>
        %swap3A_260 = vector.shape_cast %max3A : vector<16xf32> to vector<16xf32>
        tpu.vector_store %arg12[%swap3A_257], %swap3A_260 {strides = array<i32>} : memref<2048xf32, #tpu.memory_space<vmem>>, vector<16xf32>,
        %scan3A_261 = arith.constant 0 : i32
        scf.yield %scan3A_261 : i32
      }
      %scan3A_104 = arith.constant 128 : i32
      %mul3A_105 = arith.constant 128 : i32
      %mul3A_106 = arith.muli %mul3A_92, %mul3A_105 : i32
      %run_scoped3A_107 = arith.constant 2 : i32
      "tpu.region"() ({
        %run_scoped3A_247 = tpu.sem_alloc : memref<!tpu.dma_semaphore, #tpu.memory_space<semaphore_mem>>
        %dma_start3A_248 = tpu.memref_slice %arg13[%run_scoped3A_107, %mul3A_106] : memref<16x32768xf32, #tpu.memory_space<vmem_shared>> -> memref<1x2048xf32, #tpu.memory_space<vmem_shared>>
        %dma_start3A_249 = tpu.memref_squeeze %dma_start3A_248 : memref<1x2048xf32, #tpu.memory_space<vmem_shared>> -> memref<2048xf32, #tpu.memory_space<vmem_shared>>
        %dma_start3A_250 = tpu.memref_slice %arg13[%run_scoped3A_107, %mul3A_106] : memref<16x32768xf32, #tpu.memory_space<vmem_shared>> -> memref<1x2048xf32, #tpu.memory_space<vmem_shared>>
        %dma_start3A_251 = tpu.memref_squeeze %dma_start3A_250 : memref<1x2048xf32, #tpu.memory_space<vmem_shared>> -> memref<2048xf32, #tpu.memory_space<vmem_shared>>
        tpu.enqueue_dma source(%dma_start3A_251 : memref<2048xf32, #tpu.memory_space<vmem_shared>>) target(%arg11 : memref<2048xf32, #tpu.memory_space<vmem>>) target_semaphore(%run_scoped3A_247 : memref<!tpu.dma_semaphore, #tpu.memory_space<semaphore_mem>>)
        %dma_wait3A_252 = tpu.memref_slice %arg13[%run_scoped3A_107, %mul3A_106] : memref<16x32768xf32, #tpu.memory_space<vmem_shared>> -> memref<1x2048xf32, #tpu.memory_space<vmem_shared>>
        %dma_wait3A_253 = tpu.memref_squeeze %dma_wait3A_252 : memref<1x2048xf32, #tpu.memory_space<vmem_shared>> -> memref<2048xf32, #tpu.memory_space<vmem_shared>>
        %dma_wait3A_254 = tpu.memref_slice %arg13[%run_scoped3A_107, %mul3A_106] : memref<16x32768xf32, #tpu.memory_space<vmem_shared>> -> memref<1x2048xf32, #tpu.memory_space<vmem_shared>>
        %dma_wait3A_255 = tpu.memref_squeeze %dma_wait3A_254 : memref<1x2048xf32, #tpu.memory_space<vmem_shared>> -> memref<2048xf32, #tpu.memory_space<vmem_shared>>
        tpu.wait_dma2 semaphore(%run_scoped3A_247 : memref<!tpu.dma_semaphore, #tpu.memory_space<semaphore_mem>>) src(%dma_wait3A_255 : memref<2048xf32, #tpu.memory_space<vmem_shared>>) dst(%arg11 : memref<2048xf32, #tpu.memory_space<vmem>>)
        tpu.yield
      }) : () -> ()
      %scan3A_108 = arith.constant 0 : i32
      %scan3A_109 = arith.constant 0 : i32
      %scan3A_110 = arith.constant 128 : i32
      %scan3A_111 = arith.addi %scan3A_109, %scan3A_110 : i32
      %scan3A_112 = arith.constant 1 : i32
      %scan3A_113 = scf.for %scan3A_247 = %scan3A_109 to %scan3A_111 step %scan3A_112 iter_args(%scan3A_248 = %scan3A_108) -> (i32)  : i32 {
        %mul3A_249 = arith.constant 16 : i32
        %mul3A_250 = arith.muli %scan3A_247, %mul3A_249 : i32
        %get3A_251 = arith.index_cast %mul3A_250 : i32 to index
        %get3A_252 = tpu.vector_load %arg12[%get3A_251] {strides = array<i32>} : memref<2048xf32, #tpu.memory_space<vmem>>, vector<16xf32>,
        %get3A_253 = vector.shape_cast %get3A_252 : vector<16xf32> to vector<16xf32>
        %get3A_254 = arith.index_cast %mul3A_250 : i32 to index
        %get3A_255 = tpu.vector_load %arg11[%get3A_254] {strides = array<i32>} : memref<2048xf32, #tpu.memory_space<vmem>>, vector<16xf32>,
        %get3A_256 = vector.shape_cast %get3A_255 : vector<16xf32> to vector<16xf32>
        %max3A = arith.maximumf %get3A_253, %get3A_256 : vector<16xf32>
        %swap3A_257 = arith.index_cast %mul3A_250 : i32 to index
        %swap3A_258 = tpu.vector_load %arg12[%swap3A_257] {strides = array<i32>} : memref<2048xf32, #tpu.memory_space<vmem>>, vector<16xf32>,
        %swap3A_259 = vector.shape_cast %swap3A_258 : vector<16xf32> to vector<16xf32>
        %swap3A_260 = vector.shape_cast %max3A : vector<16xf32> to vector<16xf32>
        tpu.vector_store %arg12[%swap3A_257], %swap3A_260 {strides = array<i32>} : memref<2048xf32, #tpu.memory_space<vmem>>, vector<16xf32>,
        %scan3A_261 = arith.constant 0 : i32
        scf.yield %scan3A_261 : i32
      }
      %scan3A_114 = arith.constant 128 : i32
      %mul3A_115 = arith.constant 128 : i32
      %mul3A_116 = arith.muli %mul3A_92, %mul3A_115 : i32
      %run_scoped3A_117 = arith.constant 3 : i32
      "tpu.region"() ({
        %run_scoped3A_247 = tpu.sem_alloc : memref<!tpu.dma_semaphore, #tpu.memory_space<semaphore_mem>>
        %dma_start3A_248 = tpu.memref_slice %arg13[%run_scoped3A_117, %mul3A_116] : memref<16x32768xf32, #tpu.memory_space<vmem_shared>> -> memref<1x2048xf32, #tpu.memory_space<vmem_shared>>
        %dma_start3A_249 = tpu.memref_squeeze %dma_start3A_248 : memref<1x2048xf32, #tpu.memory_space<vmem_shared>> -> memref<2048xf32, #tpu.memory_space<vmem_shared>>
        %dma_start3A_250 = tpu.memref_slice %arg13[%run_scoped3A_117, %mul3A_116] : memref<16x32768xf32, #tpu.memory_space<vmem_shared>> -> memref<1x2048xf32, #tpu.memory_space<vmem_shared>>
        %dma_start3A_251 = tpu.memref_squeeze %dma_start3A_250 : memref<1x2048xf32, #tpu.memory_space<vmem_shared>> -> memref<2048xf32, #tpu.memory_space<vmem_shared>>
        tpu.enqueue_dma source(%dma_start3A_251 : memref<2048xf32, #tpu.memory_space<vmem_shared>>) target(%arg11 : memref<2048xf32, #tpu.memory_space<vmem>>) target_semaphore(%run_scoped3A_247 : memref<!tpu.dma_semaphore, #tpu.memory_space<semaphore_mem>>)
        %dma_wait3A_252 = tpu.memref_slice %arg13[%run_scoped3A_117, %mul3A_116] : memref<16x32768xf32, #tpu.memory_space<vmem_shared>> -> memref<1x2048xf32, #tpu.memory_space<vmem_shared>>
        %dma_wait3A_253 = tpu.memref_squeeze %dma_wait3A_252 : memref<1x2048xf32, #tpu.memory_space<vmem_shared>> -> memref<2048xf32, #tpu.memory_space<vmem_shared>>
        %dma_wait3A_254 = tpu.memref_slice %arg13[%run_scoped3A_117, %mul3A_116] : memref<16x32768xf32, #tpu.memory_space<vmem_shared>> -> memref<1x2048xf32, #tpu.memory_space<vmem_shared>>
        %dma_wait3A_255 = tpu.memref_squeeze %dma_wait3A_254 : memref<1x2048xf32, #tpu.memory_space<vmem_shared>> -> memref<2048xf32, #tpu.memory_space<vmem_shared>>
        tpu.wait_dma2 semaphore(%run_scoped3A_247 : memref<!tpu.dma_semaphore, #tpu.memory_space<semaphore_mem>>) src(%dma_wait3A_255 : memref<2048xf32, #tpu.memory_space<vmem_shared>>) dst(%arg11 : memref<2048xf32, #tpu.memory_space<vmem>>)
        tpu.yield
      }) : () -> ()
      %scan3A_118 = arith.constant 0 : i32
      %scan3A_119 = arith.constant 0 : i32
      %scan3A_120 = arith.constant 128 : i32
      %scan3A_121 = arith.addi %scan3A_119, %scan3A_120 : i32
      %scan3A_122 = arith.constant 1 : i32
      %scan3A_123 = scf.for %scan3A_247 = %scan3A_119 to %scan3A_121 step %scan3A_122 iter_args(%scan3A_248 = %scan3A_118) -> (i32)  : i32 {
        %mul3A_249 = arith.constant 16 : i32
        %mul3A_250 = arith.muli %scan3A_247, %mul3A_249 : i32
        %get3A_251 = arith.index_cast %mul3A_250 : i32 to index
        %get3A_252 = tpu.vector_load %arg12[%get3A_251] {strides = array<i32>} : memref<2048xf32, #tpu.memory_space<vmem>>, vector<16xf32>,
        %get3A_253 = vector.shape_cast %get3A_252 : vector<16xf32> to vector<16xf32>
        %get3A_254 = arith.index_cast %mul3A_250 : i32 to index
        %get3A_255 = tpu.vector_load %arg11[%get3A_254] {strides = array<i32>} : memref<2048xf32, #tpu.memory_space<vmem>>, vector<16xf32>,
        %get3A_256 = vector.shape_cast %get3A_255 : vector<16xf32> to vector<16xf32>
        %max3A = arith.maximumf %get3A_253, %get3A_256 : vector<16xf32>
        %swap3A_257 = arith.index_cast %mul3A_250 : i32 to index
        %swap3A_258 = tpu.vector_load %arg12[%swap3A_257] {strides = array<i32>} : memref<2048xf32, #tpu.memory_space<vmem>>, vector<16xf32>,
        %swap3A_259 = vector.shape_cast %swap3A_258 : vector<16xf32> to vector<16xf32>
        %swap3A_260 = vector.shape_cast %max3A : vector<16xf32> to vector<16xf32>
        tpu.vector_store %arg12[%swap3A_257], %swap3A_260 {strides = array<i32>} : memref<2048xf32, #tpu.memory_space<vmem>>, vector<16xf32>,
        %scan3A_261 = arith.constant 0 : i32
        scf.yield %scan3A_261 : i32
      }
      %scan3A_124 = arith.constant 128 : i32
      %mul3A_125 = arith.constant 128 : i32
      %mul3A_126 = arith.muli %mul3A_92, %mul3A_125 : i32
      %run_scoped3A_127 = arith.constant 4 : i32
      "tpu.region"() ({
        %run_scoped3A_247 = tpu.sem_alloc : memref<!tpu.dma_semaphore, #tpu.memory_space<semaphore_mem>>
        %dma_start3A_248 = tpu.memref_slice %arg13[%run_scoped3A_127, %mul3A_126] : memref<16x32768xf32, #tpu.memory_space<vmem_shared>> -> memref<1x2048xf32, #tpu.memory_space<vmem_shared>>
        %dma_start3A_249 = tpu.memref_squeeze %dma_start3A_248 : memref<1x2048xf32, #tpu.memory_space<vmem_shared>> -> memref<2048xf32, #tpu.memory_space<vmem_shared>>
        %dma_start3A_250 = tpu.memref_slice %arg13[%run_scoped3A_127, %mul3A_126] : memref<16x32768xf32, #tpu.memory_space<vmem_shared>> -> memref<1x2048xf32, #tpu.memory_space<vmem_shared>>
        %dma_start3A_251 = tpu.memref_squeeze %dma_start3A_250 : memref<1x2048xf32, #tpu.memory_space<vmem_shared>> -> memref<2048xf32, #tpu.memory_space<vmem_shared>>
        tpu.enqueue_dma source(%dma_start3A_251 : memref<2048xf32, #tpu.memory_space<vmem_shared>>) target(%arg11 : memref<2048xf32, #tpu.memory_space<vmem>>) target_semaphore(%run_scoped3A_247 : memref<!tpu.dma_semaphore, #tpu.memory_space<semaphore_mem>>)
        %dma_wait3A_252 = tpu.memref_slice %arg13[%run_scoped3A_127, %mul3A_126] : memref<16x32768xf32, #tpu.memory_space<vmem_shared>> -> memref<1x2048xf32, #tpu.memory_space<vmem_shared>>
        %dma_wait3A_253 = tpu.memref_squeeze %dma_wait3A_252 : memref<1x2048xf32, #tpu.memory_space<vmem_shared>> -> memref<2048xf32, #tpu.memory_space<vmem_shared>>
        %dma_wait3A_254 = tpu.memref_slice %arg13[%run_scoped3A_127, %mul3A_126] : memref<16x32768xf32, #tpu.memory_space<vmem_shared>> -> memref<1x2048xf32, #tpu.memory_space<vmem_shared>>
        %dma_wait3A_255 = tpu.memref_squeeze %dma_wait3A_254 : memref<1x2048xf32, #tpu.memory_space<vmem_shared>> -> memref<2048xf32, #tpu.memory_space<vmem_shared>>
        tpu.wait_dma2 semaphore(%run_scoped3A_247 : memref<!tpu.dma_semaphore, #tpu.memory_space<semaphore_mem>>) src(%dma_wait3A_255 : memref<2048xf32, #tpu.memory_space<vmem_shared>>) dst(%arg11 : memref<2048xf32, #tpu.memory_space<vmem>>)
        tpu.yield
      }) : () -> ()
      %scan3A_128 = arith.constant 0 : i32
      %scan3A_129 = arith.constant 0 : i32
      %scan3A_130 = arith.constant 128 : i32
      %scan3A_131 = arith.addi %scan3A_129, %scan3A_130 : i32
      %scan3A_132 = arith.constant 1 : i32
      %scan3A_133 = scf.for %scan3A_247 = %scan3A_129 to %scan3A_131 step %scan3A_132 iter_args(%scan3A_248 = %scan3A_128) -> (i32)  : i32 {
        %mul3A_249 = arith.constant 16 : i32
        %mul3A_250 = arith.muli %scan3A_247, %mul3A_249 : i32
        %get3A_251 = arith.index_cast %mul3A_250 : i32 to index
        %get3A_252 = tpu.vector_load %arg12[%get3A_251] {strides = array<i32>} : memref<2048xf32, #tpu.memory_space<vmem>>, vector<16xf32>,
        %get3A_253 = vector.shape_cast %get3A_252 : vector<16xf32> to vector<16xf32>
        %get3A_254 = arith.index_cast %mul3A_250 : i32 to index
        %get3A_255 = tpu.vector_load %arg11[%get3A_254] {strides = array<i32>} : memref<2048xf32, #tpu.memory_space<vmem>>, vector<16xf32>,
        %get3A_256 = vector.shape_cast %get3A_255 : vector<16xf32> to vector<16xf32>
        %max3A = arith.maximumf %get3A_253, %get3A_256 : vector<16xf32>
        %swap3A_257 = arith.index_cast %mul3A_250 : i32 to index
        %swap3A_258 = tpu.vector_load %arg12[%swap3A_257] {strides = array<i32>} : memref<2048xf32, #tpu.memory_space<vmem>>, vector<16xf32>,
        %swap3A_259 = vector.shape_cast %swap3A_258 : vector<16xf32> to vector<16xf32>
        %swap3A_260 = vector.shape_cast %max3A : vector<16xf32> to vector<16xf32>
        tpu.vector_store %arg12[%swap3A_257], %swap3A_260 {strides = array<i32>} : memref<2048xf32, #tpu.memory_space<vmem>>, vector<16xf32>,
        %scan3A_261 = arith.constant 0 : i32
        scf.yield %scan3A_261 : i32
      }
      %scan3A_134 = arith.constant 128 : i32
      %mul3A_135 = arith.constant 128 : i32
      %mul3A_136 = arith.muli %mul3A_92, %mul3A_135 : i32
      %run_scoped3A_137 = arith.constant 5 : i32
      "tpu.region"() ({
        %run_scoped3A_247 = tpu.sem_alloc : memref<!tpu.dma_semaphore, #tpu.memory_space<semaphore_mem>>
        %dma_start3A_248 = tpu.memref_slice %arg13[%run_scoped3A_137, %mul3A_136] : memref<16x32768xf32, #tpu.memory_space<vmem_shared>> -> memref<1x2048xf32, #tpu.memory_space<vmem_shared>>
        %dma_start3A_249 = tpu.memref_squeeze %dma_start3A_248 : memref<1x2048xf32, #tpu.memory_space<vmem_shared>> -> memref<2048xf32, #tpu.memory_space<vmem_shared>>
        %dma_start3A_250 = tpu.memref_slice %arg13[%run_scoped3A_137, %mul3A_136] : memref<16x32768xf32, #tpu.memory_space<vmem_shared>> -> memref<1x2048xf32, #tpu.memory_space<vmem_shared>>
        %dma_start3A_251 = tpu.memref_squeeze %dma_start3A_250 : memref<1x2048xf32, #tpu.memory_space<vmem_shared>> -> memref<2048xf32, #tpu.memory_space<vmem_shared>>
        tpu.enqueue_dma source(%dma_start3A_251 : memref<2048xf32, #tpu.memory_space<vmem_shared>>) target(%arg11 : memref<2048xf32, #tpu.memory_space<vmem>>) target_semaphore(%run_scoped3A_247 : memref<!tpu.dma_semaphore, #tpu.memory_space<semaphore_mem>>)
        %dma_wait3A_252 = tpu.memref_slice %arg13[%run_scoped3A_137, %mul3A_136] : memref<16x32768xf32, #tpu.memory_space<vmem_shared>> -> memref<1x2048xf32, #tpu.memory_space<vmem_shared>>
        %dma_wait3A_253 = tpu.memref_squeeze %dma_wait3A_252 : memref<1x2048xf32, #tpu.memory_space<vmem_shared>> -> memref<2048xf32, #tpu.memory_space<vmem_shared>>
        %dma_wait3A_254 = tpu.memref_slice %arg13[%run_scoped3A_137, %mul3A_136] : memref<16x32768xf32, #tpu.memory_space<vmem_shared>> -> memref<1x2048xf32, #tpu.memory_space<vmem_shared>>
        %dma_wait3A_255 = tpu.memref_squeeze %dma_wait3A_254 : memref<1x2048xf32, #tpu.memory_space<vmem_shared>> -> memref<2048xf32, #tpu.memory_space<vmem_shared>>
        tpu.wait_dma2 semaphore(%run_scoped3A_247 : memref<!tpu.dma_semaphore, #tpu.memory_space<semaphore_mem>>) src(%dma_wait3A_255 : memref<2048xf32, #tpu.memory_space<vmem_shared>>) dst(%arg11 : memref<2048xf32, #tpu.memory_space<vmem>>)
        tpu.yield
      }) : () -> ()
      %scan3A_138 = arith.constant 0 : i32
      %scan3A_139 = arith.constant 0 : i32
      %scan3A_140 = arith.constant 128 : i32
      %scan3A_141 = arith.addi %scan3A_139, %scan3A_140 : i32
      %scan3A_142 = arith.constant 1 : i32
      %scan3A_143 = scf.for %scan3A_247 = %scan3A_139 to %scan3A_141 step %scan3A_142 iter_args(%scan3A_248 = %scan3A_138) -> (i32)  : i32 {
        %mul3A_249 = arith.constant 16 : i32
        %mul3A_250 = arith.muli %scan3A_247, %mul3A_249 : i32
        %get3A_251 = arith.index_cast %mul3A_250 : i32 to index
        %get3A_252 = tpu.vector_load %arg12[%get3A_251] {strides = array<i32>} : memref<2048xf32, #tpu.memory_space<vmem>>, vector<16xf32>,
        %get3A_253 = vector.shape_cast %get3A_252 : vector<16xf32> to vector<16xf32>
        %get3A_254 = arith.index_cast %mul3A_250 : i32 to index
        %get3A_255 = tpu.vector_load %arg11[%get3A_254] {strides = array<i32>} : memref<2048xf32, #tpu.memory_space<vmem>>, vector<16xf32>,
        %get3A_256 = vector.shape_cast %get3A_255 : vector<16xf32> to vector<16xf32>
        %max3A = arith.maximumf %get3A_253, %get3A_256 : vector<16xf32>
        %swap3A_257 = arith.index_cast %mul3A_250 : i32 to index
        %swap3A_258 = tpu.vector_load %arg12[%swap3A_257] {strides = array<i32>} : memref<2048xf32, #tpu.memory_space<vmem>>, vector<16xf32>,
        %swap3A_259 = vector.shape_cast %swap3A_258 : vector<16xf32> to vector<16xf32>
        %swap3A_260 = vector.shape_cast %max3A : vector<16xf32> to vector<16xf32>
        tpu.vector_store %arg12[%swap3A_257], %swap3A_260 {strides = array<i32>} : memref<2048xf32, #tpu.memory_space<vmem>>, vector<16xf32>,
        %scan3A_261 = arith.constant 0 : i32
        scf.yield %scan3A_261 : i32
      }
      %scan3A_144 = arith.constant 128 : i32
      %mul3A_145 = arith.constant 128 : i32
      %mul3A_146 = arith.muli %mul3A_92, %mul3A_145 : i32
      %run_scoped3A_147 = arith.constant 6 : i32
      "tpu.region"() ({
        %run_scoped3A_247 = tpu.sem_alloc : memref<!tpu.dma_semaphore, #tpu.memory_space<semaphore_mem>>
        %dma_start3A_248 = tpu.memref_slice %arg13[%run_scoped3A_147, %mul3A_146] : memref<16x32768xf32, #tpu.memory_space<vmem_shared>> -> memref<1x2048xf32, #tpu.memory_space<vmem_shared>>
        %dma_start3A_249 = tpu.memref_squeeze %dma_start3A_248 : memref<1x2048xf32, #tpu.memory_space<vmem_shared>> -> memref<2048xf32, #tpu.memory_space<vmem_shared>>
        %dma_start3A_250 = tpu.memref_slice %arg13[%run_scoped3A_147, %mul3A_146] : memref<16x32768xf32, #tpu.memory_space<vmem_shared>> -> memref<1x2048xf32, #tpu.memory_space<vmem_shared>>
        %dma_start3A_251 = tpu.memref_squeeze %dma_start3A_250 : memref<1x2048xf32, #tpu.memory_space<vmem_shared>> -> memref<2048xf32, #tpu.memory_space<vmem_shared>>
        tpu.enqueue_dma source(%dma_start3A_251 : memref<2048xf32, #tpu.memory_space<vmem_shared>>) target(%arg11 : memref<2048xf32, #tpu.memory_space<vmem>>) target_semaphore(%run_scoped3A_247 : memref<!tpu.dma_semaphore, #tpu.memory_space<semaphore_mem>>)
        %dma_wait3A_252 = tpu.memref_slice %arg13[%run_scoped3A_147, %mul3A_146] : memref<16x32768xf32, #tpu.memory_space<vmem_shared>> -> memref<1x2048xf32, #tpu.memory_space<vmem_shared>>
        %dma_wait3A_253 = tpu.memref_squeeze %dma_wait3A_252 : memref<1x2048xf32, #tpu.memory_space<vmem_shared>> -> memref<2048xf32, #tpu.memory_space<vmem_shared>>
        %dma_wait3A_254 = tpu.memref_slice %arg13[%run_scoped3A_147, %mul3A_146] : memref<16x32768xf32, #tpu.memory_space<vmem_shared>> -> memref<1x2048xf32, #tpu.memory_space<vmem_shared>>
        %dma_wait3A_255 = tpu.memref_squeeze %dma_wait3A_254 : memref<1x2048xf32, #tpu.memory_space<vmem_shared>> -> memref<2048xf32, #tpu.memory_space<vmem_shared>>
        tpu.wait_dma2 semaphore(%run_scoped3A_247 : memref<!tpu.dma_semaphore, #tpu.memory_space<semaphore_mem>>) src(%dma_wait3A_255 : memref<2048xf32, #tpu.memory_space<vmem_shared>>) dst(%arg11 : memref<2048xf32, #tpu.memory_space<vmem>>)
        tpu.yield
      }) : () -> ()
      %scan3A_148 = arith.constant 0 : i32
      %scan3A_149 = arith.constant 0 : i32
      %scan3A_150 = arith.constant 128 : i32
      %scan3A_151 = arith.addi %scan3A_149, %scan3A_150 : i32
      %scan3A_152 = arith.constant 1 : i32
      %scan3A_153 = scf.for %scan3A_247 = %scan3A_149 to %scan3A_151 step %scan3A_152 iter_args(%scan3A_248 = %scan3A_148) -> (i32)  : i32 {
        %mul3A_249 = arith.constant 16 : i32
        %mul3A_250 = arith.muli %scan3A_247, %mul3A_249 : i32
        %get3A_251 = arith.index_cast %mul3A_250 : i32 to index
        %get3A_252 = tpu.vector_load %arg12[%get3A_251] {strides = array<i32>} : memref<2048xf32, #tpu.memory_space<vmem>>, vector<16xf32>,
        %get3A_253 = vector.shape_cast %get3A_252 : vector<16xf32> to vector<16xf32>
        %get3A_254 = arith.index_cast %mul3A_250 : i32 to index
        %get3A_255 = tpu.vector_load %arg11[%get3A_254] {strides = array<i32>} : memref<2048xf32, #tpu.memory_space<vmem>>, vector<16xf32>,
        %get3A_256 = vector.shape_cast %get3A_255 : vector<16xf32> to vector<16xf32>
        %max3A = arith.maximumf %get3A_253, %get3A_256 : vector<16xf32>
        %swap3A_257 = arith.index_cast %mul3A_250 : i32 to index
        %swap3A_258 = tpu.vector_load %arg12[%swap3A_257] {strides = array<i32>} : memref<2048xf32, #tpu.memory_space<vmem>>, vector<16xf32>,
        %swap3A_259 = vector.shape_cast %swap3A_258 : vector<16xf32> to vector<16xf32>
        %swap3A_260 = vector.shape_cast %max3A : vector<16xf32> to vector<16xf32>
        tpu.vector_store %arg12[%swap3A_257], %swap3A_260 {strides = array<i32>} : memref<2048xf32, #tpu.memory_space<vmem>>, vector<16xf32>,
        %scan3A_261 = arith.constant 0 : i32
        scf.yield %scan3A_261 : i32
      }
      %scan3A_154 = arith.constant 128 : i32
      %mul3A_155 = arith.constant 128 : i32
      %mul3A_156 = arith.muli %mul3A_92, %mul3A_155 : i32
      %run_scoped3A_157 = arith.constant 7 : i32
      "tpu.region"() ({
        %run_scoped3A_247 = tpu.sem_alloc : memref<!tpu.dma_semaphore, #tpu.memory_space<semaphore_mem>>
        %dma_start3A_248 = tpu.memref_slice %arg13[%run_scoped3A_157, %mul3A_156] : memref<16x32768xf32, #tpu.memory_space<vmem_shared>> -> memref<1x2048xf32, #tpu.memory_space<vmem_shared>>
        %dma_start3A_249 = tpu.memref_squeeze %dma_start3A_248 : memref<1x2048xf32, #tpu.memory_space<vmem_shared>> -> memref<2048xf32, #tpu.memory_space<vmem_shared>>
        %dma_start3A_250 = tpu.memref_slice %arg13[%run_scoped3A_157, %mul3A_156] : memref<16x32768xf32, #tpu.memory_space<vmem_shared>> -> memref<1x2048xf32, #tpu.memory_space<vmem_shared>>
        %dma_start3A_251 = tpu.memref_squeeze %dma_start3A_250 : memref<1x2048xf32, #tpu.memory_space<vmem_shared>> -> memref<2048xf32, #tpu.memory_space<vmem_shared>>
        tpu.enqueue_dma source(%dma_start3A_251 : memref<2048xf32, #tpu.memory_space<vmem_shared>>) target(%arg11 : memref<2048xf32, #tpu.memory_space<vmem>>) target_semaphore(%run_scoped3A_247 : memref<!tpu.dma_semaphore, #tpu.memory_space<semaphore_mem>>)
        %dma_wait3A_252 = tpu.memref_slice %arg13[%run_scoped3A_157, %mul3A_156] : memref<16x32768xf32, #tpu.memory_space<vmem_shared>> -> memref<1x2048xf32, #tpu.memory_space<vmem_shared>>
        %dma_wait3A_253 = tpu.memref_squeeze %dma_wait3A_252 : memref<1x2048xf32, #tpu.memory_space<vmem_shared>> -> memref<2048xf32, #tpu.memory_space<vmem_shared>>
        %dma_wait3A_254 = tpu.memref_slice %arg13[%run_scoped3A_157, %mul3A_156] : memref<16x32768xf32, #tpu.memory_space<vmem_shared>> -> memref<1x2048xf32, #tpu.memory_space<vmem_shared>>
        %dma_wait3A_255 = tpu.memref_squeeze %dma_wait3A_254 : memref<1x2048xf32, #tpu.memory_space<vmem_shared>> -> memref<2048xf32, #tpu.memory_space<vmem_shared>>
        tpu.wait_dma2 semaphore(%run_scoped3A_247 : memref<!tpu.dma_semaphore, #tpu.memory_space<semaphore_mem>>) src(%dma_wait3A_255 : memref<2048xf32, #tpu.memory_space<vmem_shared>>) dst(%arg11 : memref<2048xf32, #tpu.memory_space<vmem>>)
        tpu.yield
      }) : () -> ()
      %scan3A_158 = arith.constant 0 : i32
      %scan3A_159 = arith.constant 0 : i32
      %scan3A_160 = arith.constant 128 : i32
      %scan3A_161 = arith.addi %scan3A_159, %scan3A_160 : i32
      %scan3A_162 = arith.constant 1 : i32
      %scan3A_163 = scf.for %scan3A_247 = %scan3A_159 to %scan3A_161 step %scan3A_162 iter_args(%scan3A_248 = %scan3A_158) -> (i32)  : i32 {
        %mul3A_249 = arith.constant 16 : i32
        %mul3A_250 = arith.muli %scan3A_247, %mul3A_249 : i32
        %get3A_251 = arith.index_cast %mul3A_250 : i32 to index
        %get3A_252 = tpu.vector_load %arg12[%get3A_251] {strides = array<i32>} : memref<2048xf32, #tpu.memory_space<vmem>>, vector<16xf32>,
        %get3A_253 = vector.shape_cast %get3A_252 : vector<16xf32> to vector<16xf32>
        %get3A_254 = arith.index_cast %mul3A_250 : i32 to index
        %get3A_255 = tpu.vector_load %arg11[%get3A_254] {strides = array<i32>} : memref<2048xf32, #tpu.memory_space<vmem>>, vector<16xf32>,
        %get3A_256 = vector.shape_cast %get3A_255 : vector<16xf32> to vector<16xf32>
        %max3A = arith.maximumf %get3A_253, %get3A_256 : vector<16xf32>
        %swap3A_257 = arith.index_cast %mul3A_250 : i32 to index
        %swap3A_258 = tpu.vector_load %arg12[%swap3A_257] {strides = array<i32>} : memref<2048xf32, #tpu.memory_space<vmem>>, vector<16xf32>,
        %swap3A_259 = vector.shape_cast %swap3A_258 : vector<16xf32> to vector<16xf32>
        %swap3A_260 = vector.shape_cast %max3A : vector<16xf32> to vector<16xf32>
        tpu.vector_store %arg12[%swap3A_257], %swap3A_260 {strides = array<i32>} : memref<2048xf32, #tpu.memory_space<vmem>>, vector<16xf32>,
        %scan3A_261 = arith.constant 0 : i32
        scf.yield %scan3A_261 : i32
      }
      %scan3A_164 = arith.constant 128 : i32
      %mul3A_165 = arith.constant 128 : i32
      %mul3A_166 = arith.muli %mul3A_92, %mul3A_165 : i32
      %run_scoped3A_167 = arith.constant 8 : i32
      "tpu.region"() ({
        %run_scoped3A_247 = tpu.sem_alloc : memref<!tpu.dma_semaphore, #tpu.memory_space<semaphore_mem>>
        %dma_start3A_248 = tpu.memref_slice %arg13[%run_scoped3A_167, %mul3A_166] : memref<16x32768xf32, #tpu.memory_space<vmem_shared>> -> memref<1x2048xf32, #tpu.memory_space<vmem_shared>>
        %dma_start3A_249 = tpu.memref_squeeze %dma_start3A_248 : memref<1x2048xf32, #tpu.memory_space<vmem_shared>> -> memref<2048xf32, #tpu.memory_space<vmem_shared>>
        %dma_start3A_250 = tpu.memref_slice %arg13[%run_scoped3A_167, %mul3A_166] : memref<16x32768xf32, #tpu.memory_space<vmem_shared>> -> memref<1x2048xf32, #tpu.memory_space<vmem_shared>>
        %dma_start3A_251 = tpu.memref_squeeze %dma_start3A_250 : memref<1x2048xf32, #tpu.memory_space<vmem_shared>> -> memref<2048xf32, #tpu.memory_space<vmem_shared>>
        tpu.enqueue_dma source(%dma_start3A_251 : memref<2048xf32, #tpu.memory_space<vmem_shared>>) target(%arg11 : memref<2048xf32, #tpu.memory_space<vmem>>) target_semaphore(%run_scoped3A_247 : memref<!tpu.dma_semaphore, #tpu.memory_space<semaphore_mem>>)
        %dma_wait3A_252 = tpu.memref_slice %arg13[%run_scoped3A_167, %mul3A_166] : memref<16x32768xf32, #tpu.memory_space<vmem_shared>> -> memref<1x2048xf32, #tpu.memory_space<vmem_shared>>
        %dma_wait3A_253 = tpu.memref_squeeze %dma_wait3A_252 : memref<1x2048xf32, #tpu.memory_space<vmem_shared>> -> memref<2048xf32, #tpu.memory_space<vmem_shared>>
        %dma_wait3A_254 = tpu.memref_slice %arg13[%run_scoped3A_167, %mul3A_166] : memref<16x32768xf32, #tpu.memory_space<vmem_shared>> -> memref<1x2048xf32, #tpu.memory_space<vmem_shared>>
        %dma_wait3A_255 = tpu.memref_squeeze %dma_wait3A_254 : memref<1x2048xf32, #tpu.memory_space<vmem_shared>> -> memref<2048xf32, #tpu.memory_space<vmem_shared>>
        tpu.wait_dma2 semaphore(%run_scoped3A_247 : memref<!tpu.dma_semaphore, #tpu.memory_space<semaphore_mem>>) src(%dma_wait3A_255 : memref<2048xf32, #tpu.memory_space<vmem_shared>>) dst(%arg11 : memref<2048xf32, #tpu.memory_space<vmem>>)
        tpu.yield
      }) : () -> ()
      %scan3A_168 = arith.constant 0 : i32
      %scan3A_169 = arith.constant 0 : i32
      %scan3A_170 = arith.constant 128 : i32
      %scan3A_171 = arith.addi %scan3A_169, %scan3A_170 : i32
      %scan3A_172 = arith.constant 1 : i32
      %scan3A_173 = scf.for %scan3A_247 = %scan3A_169 to %scan3A_171 step %scan3A_172 iter_args(%scan3A_248 = %scan3A_168) -> (i32)  : i32 {
        %mul3A_249 = arith.constant 16 : i32
        %mul3A_250 = arith.muli %scan3A_247, %mul3A_249 : i32
        %get3A_251 = arith.index_cast %mul3A_250 : i32 to index
        %get3A_252 = tpu.vector_load %arg12[%get3A_251] {strides = array<i32>} : memref<2048xf32, #tpu.memory_space<vmem>>, vector<16xf32>,
        %get3A_253 = vector.shape_cast %get3A_252 : vector<16xf32> to vector<16xf32>
        %get3A_254 = arith.index_cast %mul3A_250 : i32 to index
        %get3A_255 = tpu.vector_load %arg11[%get3A_254] {strides = array<i32>} : memref<2048xf32, #tpu.memory_space<vmem>>, vector<16xf32>,
        %get3A_256 = vector.shape_cast %get3A_255 : vector<16xf32> to vector<16xf32>
        %max3A = arith.maximumf %get3A_253, %get3A_256 : vector<16xf32>
        %swap3A_257 = arith.index_cast %mul3A_250 : i32 to index
        %swap3A_258 = tpu.vector_load %arg12[%swap3A_257] {strides = array<i32>} : memref<2048xf32, #tpu.memory_space<vmem>>, vector<16xf32>,
        %swap3A_259 = vector.shape_cast %swap3A_258 : vector<16xf32> to vector<16xf32>
        %swap3A_260 = vector.shape_cast %max3A : vector<16xf32> to vector<16xf32>
        tpu.vector_store %arg12[%swap3A_257], %swap3A_260 {strides = array<i32>} : memref<2048xf32, #tpu.memory_space<vmem>>, vector<16xf32>,
        %scan3A_261 = arith.constant 0 : i32
        scf.yield %scan3A_261 : i32
      }
      %scan3A_174 = arith.constant 128 : i32
      %mul3A_175 = arith.constant 128 : i32
      %mul3A_176 = arith.muli %mul3A_92, %mul3A_175 : i32
      %run_scoped3A_177 = arith.constant 9 : i32
      "tpu.region"() ({
        %run_scoped3A_247 = tpu.sem_alloc : memref<!tpu.dma_semaphore, #tpu.memory_space<semaphore_mem>>
        %dma_start3A_248 = tpu.memref_slice %arg13[%run_scoped3A_177, %mul3A_176] : memref<16x32768xf32, #tpu.memory_space<vmem_shared>> -> memref<1x2048xf32, #tpu.memory_space<vmem_shared>>
        %dma_start3A_249 = tpu.memref_squeeze %dma_start3A_248 : memref<1x2048xf32, #tpu.memory_space<vmem_shared>> -> memref<2048xf32, #tpu.memory_space<vmem_shared>>
        %dma_start3A_250 = tpu.memref_slice %arg13[%run_scoped3A_177, %mul3A_176] : memref<16x32768xf32, #tpu.memory_space<vmem_shared>> -> memref<1x2048xf32, #tpu.memory_space<vmem_shared>>
        %dma_start3A_251 = tpu.memref_squeeze %dma_start3A_250 : memref<1x2048xf32, #tpu.memory_space<vmem_shared>> -> memref<2048xf32, #tpu.memory_space<vmem_shared>>
        tpu.enqueue_dma source(%dma_start3A_251 : memref<2048xf32, #tpu.memory_space<vmem_shared>>) target(%arg11 : memref<2048xf32, #tpu.memory_space<vmem>>) target_semaphore(%run_scoped3A_247 : memref<!tpu.dma_semaphore, #tpu.memory_space<semaphore_mem>>)
        %dma_wait3A_252 = tpu.memref_slice %arg13[%run_scoped3A_177, %mul3A_176] : memref<16x32768xf32, #tpu.memory_space<vmem_shared>> -> memref<1x2048xf32, #tpu.memory_space<vmem_shared>>
        %dma_wait3A_253 = tpu.memref_squeeze %dma_wait3A_252 : memref<1x2048xf32, #tpu.memory_space<vmem_shared>> -> memref<2048xf32, #tpu.memory_space<vmem_shared>>
        %dma_wait3A_254 = tpu.memref_slice %arg13[%run_scoped3A_177, %mul3A_176] : memref<16x32768xf32, #tpu.memory_space<vmem_shared>> -> memref<1x2048xf32, #tpu.memory_space<vmem_shared>>
        %dma_wait3A_255 = tpu.memref_squeeze %dma_wait3A_254 : memref<1x2048xf32, #tpu.memory_space<vmem_shared>> -> memref<2048xf32, #tpu.memory_space<vmem_shared>>
        tpu.wait_dma2 semaphore(%run_scoped3A_247 : memref<!tpu.dma_semaphore, #tpu.memory_space<semaphore_mem>>) src(%dma_wait3A_255 : memref<2048xf32, #tpu.memory_space<vmem_shared>>) dst(%arg11 : memref<2048xf32, #tpu.memory_space<vmem>>)
        tpu.yield
      }) : () -> ()
      %scan3A_178 = arith.constant 0 : i32
      %scan3A_179 = arith.constant 0 : i32
      %scan3A_180 = arith.constant 128 : i32
      %scan3A_181 = arith.addi %scan3A_179, %scan3A_180 : i32
      %scan3A_182 = arith.constant 1 : i32
      %scan3A_183 = scf.for %scan3A_247 = %scan3A_179 to %scan3A_181 step %scan3A_182 iter_args(%scan3A_248 = %scan3A_178) -> (i32)  : i32 {
        %mul3A_249 = arith.constant 16 : i32
        %mul3A_250 = arith.muli %scan3A_247, %mul3A_249 : i32
        %get3A_251 = arith.index_cast %mul3A_250 : i32 to index
        %get3A_252 = tpu.vector_load %arg12[%get3A_251] {strides = array<i32>} : memref<2048xf32, #tpu.memory_space<vmem>>, vector<16xf32>,
        %get3A_253 = vector.shape_cast %get3A_252 : vector<16xf32> to vector<16xf32>
        %get3A_254 = arith.index_cast %mul3A_250 : i32 to index
        %get3A_255 = tpu.vector_load %arg11[%get3A_254] {strides = array<i32>} : memref<2048xf32, #tpu.memory_space<vmem>>, vector<16xf32>,
        %get3A_256 = vector.shape_cast %get3A_255 : vector<16xf32> to vector<16xf32>
        %max3A = arith.maximumf %get3A_253, %get3A_256 : vector<16xf32>
        %swap3A_257 = arith.index_cast %mul3A_250 : i32 to index
        %swap3A_258 = tpu.vector_load %arg12[%swap3A_257] {strides = array<i32>} : memref<2048xf32, #tpu.memory_space<vmem>>, vector<16xf32>,
        %swap3A_259 = vector.shape_cast %swap3A_258 : vector<16xf32> to vector<16xf32>
        %swap3A_260 = vector.shape_cast %max3A : vector<16xf32> to vector<16xf32>
        tpu.vector_store %arg12[%swap3A_257], %swap3A_260 {strides = array<i32>} : memref<2048xf32, #tpu.memory_space<vmem>>, vector<16xf32>,
        %scan3A_261 = arith.constant 0 : i32
        scf.yield %scan3A_261 : i32
      }
      %scan3A_184 = arith.constant 128 : i32
      %mul3A_185 = arith.constant 128 : i32
      %mul3A_186 = arith.muli %mul3A_92, %mul3A_185 : i32
      %run_scoped3A_187 = arith.constant 10 : i32
      "tpu.region"() ({
        %run_scoped3A_247 = tpu.sem_alloc : memref<!tpu.dma_semaphore, #tpu.memory_space<semaphore_mem>>
        %dma_start3A_248 = tpu.memref_slice %arg13[%run_scoped3A_187, %mul3A_186] : memref<16x32768xf32, #tpu.memory_space<vmem_shared>> -> memref<1x2048xf32, #tpu.memory_space<vmem_shared>>
        %dma_start3A_249 = tpu.memref_squeeze %dma_start3A_248 : memref<1x2048xf32, #tpu.memory_space<vmem_shared>> -> memref<2048xf32, #tpu.memory_space<vmem_shared>>
        %dma_start3A_250 = tpu.memref_slice %arg13[%run_scoped3A_187, %mul3A_186] : memref<16x32768xf32, #tpu.memory_space<vmem_shared>> -> memref<1x2048xf32, #tpu.memory_space<vmem_shared>>
        %dma_start3A_251 = tpu.memref_squeeze %dma_start3A_250 : memref<1x2048xf32, #tpu.memory_space<vmem_shared>> -> memref<2048xf32, #tpu.memory_space<vmem_shared>>
        tpu.enqueue_dma source(%dma_start3A_251 : memref<2048xf32, #tpu.memory_space<vmem_shared>>) target(%arg11 : memref<2048xf32, #tpu.memory_space<vmem>>) target_semaphore(%run_scoped3A_247 : memref<!tpu.dma_semaphore, #tpu.memory_space<semaphore_mem>>)
        %dma_wait3A_252 = tpu.memref_slice %arg13[%run_scoped3A_187, %mul3A_186] : memref<16x32768xf32, #tpu.memory_space<vmem_shared>> -> memref<1x2048xf32, #tpu.memory_space<vmem_shared>>
        %dma_wait3A_253 = tpu.memref_squeeze %dma_wait3A_252 : memref<1x2048xf32, #tpu.memory_space<vmem_shared>> -> memref<2048xf32, #tpu.memory_space<vmem_shared>>
        %dma_wait3A_254 = tpu.memref_slice %arg13[%run_scoped3A_187, %mul3A_186] : memref<16x32768xf32, #tpu.memory_space<vmem_shared>> -> memref<1x2048xf32, #tpu.memory_space<vmem_shared>>
        %dma_wait3A_255 = tpu.memref_squeeze %dma_wait3A_254 : memref<1x2048xf32, #tpu.memory_space<vmem_shared>> -> memref<2048xf32, #tpu.memory_space<vmem_shared>>
        tpu.wait_dma2 semaphore(%run_scoped3A_247 : memref<!tpu.dma_semaphore, #tpu.memory_space<semaphore_mem>>) src(%dma_wait3A_255 : memref<2048xf32, #tpu.memory_space<vmem_shared>>) dst(%arg11 : memref<2048xf32, #tpu.memory_space<vmem>>)
        tpu.yield
      }) : () -> ()
      %scan3A_188 = arith.constant 0 : i32
      %scan3A_189 = arith.constant 0 : i32
      %scan3A_190 = arith.constant 128 : i32
      %scan3A_191 = arith.addi %scan3A_189, %scan3A_190 : i32
      %scan3A_192 = arith.constant 1 : i32
      %scan3A_193 = scf.for %scan3A_247 = %scan3A_189 to %scan3A_191 step %scan3A_192 iter_args(%scan3A_248 = %scan3A_188) -> (i32)  : i32 {
        %mul3A_249 = arith.constant 16 : i32
        %mul3A_250 = arith.muli %scan3A_247, %mul3A_249 : i32
        %get3A_251 = arith.index_cast %mul3A_250 : i32 to index
        %get3A_252 = tpu.vector_load %arg12[%get3A_251] {strides = array<i32>} : memref<2048xf32, #tpu.memory_space<vmem>>, vector<16xf32>,
        %get3A_253 = vector.shape_cast %get3A_252 : vector<16xf32> to vector<16xf32>
        %get3A_254 = arith.index_cast %mul3A_250 : i32 to index
        %get3A_255 = tpu.vector_load %arg11[%get3A_254] {strides = array<i32>} : memref<2048xf32, #tpu.memory_space<vmem>>, vector<16xf32>,
        %get3A_256 = vector.shape_cast %get3A_255 : vector<16xf32> to vector<16xf32>
        %max3A = arith.maximumf %get3A_253, %get3A_256 : vector<16xf32>
        %swap3A_257 = arith.index_cast %mul3A_250 : i32 to index
        %swap3A_258 = tpu.vector_load %arg12[%swap3A_257] {strides = array<i32>} : memref<2048xf32, #tpu.memory_space<vmem>>, vector<16xf32>,
        %swap3A_259 = vector.shape_cast %swap3A_258 : vector<16xf32> to vector<16xf32>
        %swap3A_260 = vector.shape_cast %max3A : vector<16xf32> to vector<16xf32>
        tpu.vector_store %arg12[%swap3A_257], %swap3A_260 {strides = array<i32>} : memref<2048xf32, #tpu.memory_space<vmem>>, vector<16xf32>,
        %scan3A_261 = arith.constant 0 : i32
        scf.yield %scan3A_261 : i32
      }
      %scan3A_194 = arith.constant 128 : i32
      %mul3A_195 = arith.constant 128 : i32
      %mul3A_196 = arith.muli %mul3A_92, %mul3A_195 : i32
      %run_scoped3A_197 = arith.constant 11 : i32
      "tpu.region"() ({
        %run_scoped3A_247 = tpu.sem_alloc : memref<!tpu.dma_semaphore, #tpu.memory_space<semaphore_mem>>
        %dma_start3A_248 = tpu.memref_slice %arg13[%run_scoped3A_197, %mul3A_196] : memref<16x32768xf32, #tpu.memory_space<vmem_shared>> -> memref<1x2048xf32, #tpu.memory_space<vmem_shared>>
        %dma_start3A_249 = tpu.memref_squeeze %dma_start3A_248 : memref<1x2048xf32, #tpu.memory_space<vmem_shared>> -> memref<2048xf32, #tpu.memory_space<vmem_shared>>
        %dma_start3A_250 = tpu.memref_slice %arg13[%run_scoped3A_197, %mul3A_196] : memref<16x32768xf32, #tpu.memory_space<vmem_shared>> -> memref<1x2048xf32, #tpu.memory_space<vmem_shared>>
        %dma_start3A_251 = tpu.memref_squeeze %dma_start3A_250 : memref<1x2048xf32, #tpu.memory_space<vmem_shared>> -> memref<2048xf32, #tpu.memory_space<vmem_shared>>
        tpu.enqueue_dma source(%dma_start3A_251 : memref<2048xf32, #tpu.memory_space<vmem_shared>>) target(%arg11 : memref<2048xf32, #tpu.memory_space<vmem>>) target_semaphore(%run_scoped3A_247 : memref<!tpu.dma_semaphore, #tpu.memory_space<semaphore_mem>>)
        %dma_wait3A_252 = tpu.memref_slice %arg13[%run_scoped3A_197, %mul3A_196] : memref<16x32768xf32, #tpu.memory_space<vmem_shared>> -> memref<1x2048xf32, #tpu.memory_space<vmem_shared>>
        %dma_wait3A_253 = tpu.memref_squeeze %dma_wait3A_252 : memref<1x2048xf32, #tpu.memory_space<vmem_shared>> -> memref<2048xf32, #tpu.memory_space<vmem_shared>>
        %dma_wait3A_254 = tpu.memref_slice %arg13[%run_scoped3A_197, %mul3A_196] : memref<16x32768xf32, #tpu.memory_space<vmem_shared>> -> memref<1x2048xf32, #tpu.memory_space<vmem_shared>>
        %dma_wait3A_255 = tpu.memref_squeeze %dma_wait3A_254 : memref<1x2048xf32, #tpu.memory_space<vmem_shared>> -> memref<2048xf32, #tpu.memory_space<vmem_shared>>
        tpu.wait_dma2 semaphore(%run_scoped3A_247 : memref<!tpu.dma_semaphore, #tpu.memory_space<semaphore_mem>>) src(%dma_wait3A_255 : memref<2048xf32, #tpu.memory_space<vmem_shared>>) dst(%arg11 : memref<2048xf32, #tpu.memory_space<vmem>>)
        tpu.yield
      }) : () -> ()
      %scan3A_198 = arith.constant 0 : i32
      %scan3A_199 = arith.constant 0 : i32
      %scan3A_200 = arith.constant 128 : i32
      %scan3A_201 = arith.addi %scan3A_199, %scan3A_200 : i32
      %scan3A_202 = arith.constant 1 : i32
      %scan3A_203 = scf.for %scan3A_247 = %scan3A_199 to %scan3A_201 step %scan3A_202 iter_args(%scan3A_248 = %scan3A_198) -> (i32)  : i32 {
        %mul3A_249 = arith.constant 16 : i32
        %mul3A_250 = arith.muli %scan3A_247, %mul3A_249 : i32
        %get3A_251 = arith.index_cast %mul3A_250 : i32 to index
        %get3A_252 = tpu.vector_load %arg12[%get3A_251] {strides = array<i32>} : memref<2048xf32, #tpu.memory_space<vmem>>, vector<16xf32>,
        %get3A_253 = vector.shape_cast %get3A_252 : vector<16xf32> to vector<16xf32>
        %get3A_254 = arith.index_cast %mul3A_250 : i32 to index
        %get3A_255 = tpu.vector_load %arg11[%get3A_254] {strides = array<i32>} : memref<2048xf32, #tpu.memory_space<vmem>>, vector<16xf32>,
        %get3A_256 = vector.shape_cast %get3A_255 : vector<16xf32> to vector<16xf32>
        %max3A = arith.maximumf %get3A_253, %get3A_256 : vector<16xf32>
        %swap3A_257 = arith.index_cast %mul3A_250 : i32 to index
        %swap3A_258 = tpu.vector_load %arg12[%swap3A_257] {strides = array<i32>} : memref<2048xf32, #tpu.memory_space<vmem>>, vector<16xf32>,
        %swap3A_259 = vector.shape_cast %swap3A_258 : vector<16xf32> to vector<16xf32>
        %swap3A_260 = vector.shape_cast %max3A : vector<16xf32> to vector<16xf32>
        tpu.vector_store %arg12[%swap3A_257], %swap3A_260 {strides = array<i32>} : memref<2048xf32, #tpu.memory_space<vmem>>, vector<16xf32>,
        %scan3A_261 = arith.constant 0 : i32
        scf.yield %scan3A_261 : i32
      }
      %scan3A_204 = arith.constant 128 : i32
      %mul3A_205 = arith.constant 128 : i32
      %mul3A_206 = arith.muli %mul3A_92, %mul3A_205 : i32
      %run_scoped3A_207 = arith.constant 12 : i32
      "tpu.region"() ({
        %run_scoped3A_247 = tpu.sem_alloc : memref<!tpu.dma_semaphore, #tpu.memory_space<semaphore_mem>>
        %dma_start3A_248 = tpu.memref_slice %arg13[%run_scoped3A_207, %mul3A_206] : memref<16x32768xf32, #tpu.memory_space<vmem_shared>> -> memref<1x2048xf32, #tpu.memory_space<vmem_shared>>
        %dma_start3A_249 = tpu.memref_squeeze %dma_start3A_248 : memref<1x2048xf32, #tpu.memory_space<vmem_shared>> -> memref<2048xf32, #tpu.memory_space<vmem_shared>>
        %dma_start3A_250 = tpu.memref_slice %arg13[%run_scoped3A_207, %mul3A_206] : memref<16x32768xf32, #tpu.memory_space<vmem_shared>> -> memref<1x2048xf32, #tpu.memory_space<vmem_shared>>
        %dma_start3A_251 = tpu.memref_squeeze %dma_start3A_250 : memref<1x2048xf32, #tpu.memory_space<vmem_shared>> -> memref<2048xf32, #tpu.memory_space<vmem_shared>>
        tpu.enqueue_dma source(%dma_start3A_251 : memref<2048xf32, #tpu.memory_space<vmem_shared>>) target(%arg11 : memref<2048xf32, #tpu.memory_space<vmem>>) target_semaphore(%run_scoped3A_247 : memref<!tpu.dma_semaphore, #tpu.memory_space<semaphore_mem>>)
        %dma_wait3A_252 = tpu.memref_slice %arg13[%run_scoped3A_207, %mul3A_206] : memref<16x32768xf32, #tpu.memory_space<vmem_shared>> -> memref<1x2048xf32, #tpu.memory_space<vmem_shared>>
        %dma_wait3A_253 = tpu.memref_squeeze %dma_wait3A_252 : memref<1x2048xf32, #tpu.memory_space<vmem_shared>> -> memref<2048xf32, #tpu.memory_space<vmem_shared>>
        %dma_wait3A_254 = tpu.memref_slice %arg13[%run_scoped3A_207, %mul3A_206] : memref<16x32768xf32, #tpu.memory_space<vmem_shared>> -> memref<1x2048xf32, #tpu.memory_space<vmem_shared>>
        %dma_wait3A_255 = tpu.memref_squeeze %dma_wait3A_254 : memref<1x2048xf32, #tpu.memory_space<vmem_shared>> -> memref<2048xf32, #tpu.memory_space<vmem_shared>>
        tpu.wait_dma2 semaphore(%run_scoped3A_247 : memref<!tpu.dma_semaphore, #tpu.memory_space<semaphore_mem>>) src(%dma_wait3A_255 : memref<2048xf32, #tpu.memory_space<vmem_shared>>) dst(%arg11 : memref<2048xf32, #tpu.memory_space<vmem>>)
        tpu.yield
      }) : () -> ()
      %scan3A_208 = arith.constant 0 : i32
      %scan3A_209 = arith.constant 0 : i32
      %scan3A_210 = arith.constant 128 : i32
      %scan3A_211 = arith.addi %scan3A_209, %scan3A_210 : i32
      %scan3A_212 = arith.constant 1 : i32
      %scan3A_213 = scf.for %scan3A_247 = %scan3A_209 to %scan3A_211 step %scan3A_212 iter_args(%scan3A_248 = %scan3A_208) -> (i32)  : i32 {
        %mul3A_249 = arith.constant 16 : i32
        %mul3A_250 = arith.muli %scan3A_247, %mul3A_249 : i32
        %get3A_251 = arith.index_cast %mul3A_250 : i32 to index
        %get3A_252 = tpu.vector_load %arg12[%get3A_251] {strides = array<i32>} : memref<2048xf32, #tpu.memory_space<vmem>>, vector<16xf32>,
        %get3A_253 = vector.shape_cast %get3A_252 : vector<16xf32> to vector<16xf32>
        %get3A_254 = arith.index_cast %mul3A_250 : i32 to index
        %get3A_255 = tpu.vector_load %arg11[%get3A_254] {strides = array<i32>} : memref<2048xf32, #tpu.memory_space<vmem>>, vector<16xf32>,
        %get3A_256 = vector.shape_cast %get3A_255 : vector<16xf32> to vector<16xf32>
        %max3A = arith.maximumf %get3A_253, %get3A_256 : vector<16xf32>
        %swap3A_257 = arith.index_cast %mul3A_250 : i32 to index
        %swap3A_258 = tpu.vector_load %arg12[%swap3A_257] {strides = array<i32>} : memref<2048xf32, #tpu.memory_space<vmem>>, vector<16xf32>,
        %swap3A_259 = vector.shape_cast %swap3A_258 : vector<16xf32> to vector<16xf32>
        %swap3A_260 = vector.shape_cast %max3A : vector<16xf32> to vector<16xf32>
        tpu.vector_store %arg12[%swap3A_257], %swap3A_260 {strides = array<i32>} : memref<2048xf32, #tpu.memory_space<vmem>>, vector<16xf32>,
        %scan3A_261 = arith.constant 0 : i32
        scf.yield %scan3A_261 : i32
      }
      %scan3A_214 = arith.constant 128 : i32
      %mul3A_215 = arith.constant 128 : i32
      %mul3A_216 = arith.muli %mul3A_92, %mul3A_215 : i32
      %run_scoped3A_217 = arith.constant 13 : i32
      "tpu.region"() ({
        %run_scoped3A_247 = tpu.sem_alloc : memref<!tpu.dma_semaphore, #tpu.memory_space<semaphore_mem>>
        %dma_start3A_248 = tpu.memref_slice %arg13[%run_scoped3A_217, %mul3A_216] : memref<16x32768xf32, #tpu.memory_space<vmem_shared>> -> memref<1x2048xf32, #tpu.memory_space<vmem_shared>>
        %dma_start3A_249 = tpu.memref_squeeze %dma_start3A_248 : memref<1x2048xf32, #tpu.memory_space<vmem_shared>> -> memref<2048xf32, #tpu.memory_space<vmem_shared>>
        %dma_start3A_250 = tpu.memref_slice %arg13[%run_scoped3A_217, %mul3A_216] : memref<16x32768xf32, #tpu.memory_space<vmem_shared>> -> memref<1x2048xf32, #tpu.memory_space<vmem_shared>>
        %dma_start3A_251 = tpu.memref_squeeze %dma_start3A_250 : memref<1x2048xf32, #tpu.memory_space<vmem_shared>> -> memref<2048xf32, #tpu.memory_space<vmem_shared>>
        tpu.enqueue_dma source(%dma_start3A_251 : memref<2048xf32, #tpu.memory_space<vmem_shared>>) target(%arg11 : memref<2048xf32, #tpu.memory_space<vmem>>) target_semaphore(%run_scoped3A_247 : memref<!tpu.dma_semaphore, #tpu.memory_space<semaphore_mem>>)
        %dma_wait3A_252 = tpu.memref_slice %arg13[%run_scoped3A_217, %mul3A_216] : memref<16x32768xf32, #tpu.memory_space<vmem_shared>> -> memref<1x2048xf32, #tpu.memory_space<vmem_shared>>
        %dma_wait3A_253 = tpu.memref_squeeze %dma_wait3A_252 : memref<1x2048xf32, #tpu.memory_space<vmem_shared>> -> memref<2048xf32, #tpu.memory_space<vmem_shared>>
        %dma_wait3A_254 = tpu.memref_slice %arg13[%run_scoped3A_217, %mul3A_216] : memref<16x32768xf32, #tpu.memory_space<vmem_shared>> -> memref<1x2048xf32, #tpu.memory_space<vmem_shared>>
        %dma_wait3A_255 = tpu.memref_squeeze %dma_wait3A_254 : memref<1x2048xf32, #tpu.memory_space<vmem_shared>> -> memref<2048xf32, #tpu.memory_space<vmem_shared>>
        tpu.wait_dma2 semaphore(%run_scoped3A_247 : memref<!tpu.dma_semaphore, #tpu.memory_space<semaphore_mem>>) src(%dma_wait3A_255 : memref<2048xf32, #tpu.memory_space<vmem_shared>>) dst(%arg11 : memref<2048xf32, #tpu.memory_space<vmem>>)
        tpu.yield
      }) : () -> ()
      %scan3A_218 = arith.constant 0 : i32
      %scan3A_219 = arith.constant 0 : i32
      %scan3A_220 = arith.constant 128 : i32
      %scan3A_221 = arith.addi %scan3A_219, %scan3A_220 : i32
      %scan3A_222 = arith.constant 1 : i32
      %scan3A_223 = scf.for %scan3A_247 = %scan3A_219 to %scan3A_221 step %scan3A_222 iter_args(%scan3A_248 = %scan3A_218) -> (i32)  : i32 {
        %mul3A_249 = arith.constant 16 : i32
        %mul3A_250 = arith.muli %scan3A_247, %mul3A_249 : i32
        %get3A_251 = arith.index_cast %mul3A_250 : i32 to index
        %get3A_252 = tpu.vector_load %arg12[%get3A_251] {strides = array<i32>} : memref<2048xf32, #tpu.memory_space<vmem>>, vector<16xf32>,
        %get3A_253 = vector.shape_cast %get3A_252 : vector<16xf32> to vector<16xf32>
        %get3A_254 = arith.index_cast %mul3A_250 : i32 to index
        %get3A_255 = tpu.vector_load %arg11[%get3A_254] {strides = array<i32>} : memref<2048xf32, #tpu.memory_space<vmem>>, vector<16xf32>,
        %get3A_256 = vector.shape_cast %get3A_255 : vector<16xf32> to vector<16xf32>
        %max3A = arith.maximumf %get3A_253, %get3A_256 : vector<16xf32>
        %swap3A_257 = arith.index_cast %mul3A_250 : i32 to index
        %swap3A_258 = tpu.vector_load %arg12[%swap3A_257] {strides = array<i32>} : memref<2048xf32, #tpu.memory_space<vmem>>, vector<16xf32>,
        %swap3A_259 = vector.shape_cast %swap3A_258 : vector<16xf32> to vector<16xf32>
        %swap3A_260 = vector.shape_cast %max3A : vector<16xf32> to vector<16xf32>
        tpu.vector_store %arg12[%swap3A_257], %swap3A_260 {strides = array<i32>} : memref<2048xf32, #tpu.memory_space<vmem>>, vector<16xf32>,
        %scan3A_261 = arith.constant 0 : i32
        scf.yield %scan3A_261 : i32
      }
      %scan3A_224 = arith.constant 128 : i32
      %mul3A_225 = arith.constant 128 : i32
      %mul3A_226 = arith.muli %mul3A_92, %mul3A_225 : i32
      %run_scoped3A_227 = arith.constant 14 : i32
      "tpu.region"() ({
        %run_scoped3A_247 = tpu.sem_alloc : memref<!tpu.dma_semaphore, #tpu.memory_space<semaphore_mem>>
        %dma_start3A_248 = tpu.memref_slice %arg13[%run_scoped3A_227, %mul3A_226] : memref<16x32768xf32, #tpu.memory_space<vmem_shared>> -> memref<1x2048xf32, #tpu.memory_space<vmem_shared>>
        %dma_start3A_249 = tpu.memref_squeeze %dma_start3A_248 : memref<1x2048xf32, #tpu.memory_space<vmem_shared>> -> memref<2048xf32, #tpu.memory_space<vmem_shared>>
        %dma_start3A_250 = tpu.memref_slice %arg13[%run_scoped3A_227, %mul3A_226] : memref<16x32768xf32, #tpu.memory_space<vmem_shared>> -> memref<1x2048xf32, #tpu.memory_space<vmem_shared>>
        %dma_start3A_251 = tpu.memref_squeeze %dma_start3A_250 : memref<1x2048xf32, #tpu.memory_space<vmem_shared>> -> memref<2048xf32, #tpu.memory_space<vmem_shared>>
        tpu.enqueue_dma source(%dma_start3A_251 : memref<2048xf32, #tpu.memory_space<vmem_shared>>) target(%arg11 : memref<2048xf32, #tpu.memory_space<vmem>>) target_semaphore(%run_scoped3A_247 : memref<!tpu.dma_semaphore, #tpu.memory_space<semaphore_mem>>)
        %dma_wait3A_252 = tpu.memref_slice %arg13[%run_scoped3A_227, %mul3A_226] : memref<16x32768xf32, #tpu.memory_space<vmem_shared>> -> memref<1x2048xf32, #tpu.memory_space<vmem_shared>>
        %dma_wait3A_253 = tpu.memref_squeeze %dma_wait3A_252 : memref<1x2048xf32, #tpu.memory_space<vmem_shared>> -> memref<2048xf32, #tpu.memory_space<vmem_shared>>
        %dma_wait3A_254 = tpu.memref_slice %arg13[%run_scoped3A_227, %mul3A_226] : memref<16x32768xf32, #tpu.memory_space<vmem_shared>> -> memref<1x2048xf32, #tpu.memory_space<vmem_shared>>
        %dma_wait3A_255 = tpu.memref_squeeze %dma_wait3A_254 : memref<1x2048xf32, #tpu.memory_space<vmem_shared>> -> memref<2048xf32, #tpu.memory_space<vmem_shared>>
        tpu.wait_dma2 semaphore(%run_scoped3A_247 : memref<!tpu.dma_semaphore, #tpu.memory_space<semaphore_mem>>) src(%dma_wait3A_255 : memref<2048xf32, #tpu.memory_space<vmem_shared>>) dst(%arg11 : memref<2048xf32, #tpu.memory_space<vmem>>)
        tpu.yield
      }) : () -> ()
      %scan3A_228 = arith.constant 0 : i32
      %scan3A_229 = arith.constant 0 : i32
      %scan3A_230 = arith.constant 128 : i32
      %scan3A_231 = arith.addi %scan3A_229, %scan3A_230 : i32
      %scan3A_232 = arith.constant 1 : i32
      %scan3A_233 = scf.for %scan3A_247 = %scan3A_229 to %scan3A_231 step %scan3A_232 iter_args(%scan3A_248 = %scan3A_228) -> (i32)  : i32 {
        %mul3A_249 = arith.constant 16 : i32
        %mul3A_250 = arith.muli %scan3A_247, %mul3A_249 : i32
        %get3A_251 = arith.index_cast %mul3A_250 : i32 to index
        %get3A_252 = tpu.vector_load %arg12[%get3A_251] {strides = array<i32>} : memref<2048xf32, #tpu.memory_space<vmem>>, vector<16xf32>,
        %get3A_253 = vector.shape_cast %get3A_252 : vector<16xf32> to vector<16xf32>
        %get3A_254 = arith.index_cast %mul3A_250 : i32 to index
        %get3A_255 = tpu.vector_load %arg11[%get3A_254] {strides = array<i32>} : memref<2048xf32, #tpu.memory_space<vmem>>, vector<16xf32>,
        %get3A_256 = vector.shape_cast %get3A_255 : vector<16xf32> to vector<16xf32>
        %max3A = arith.maximumf %get3A_253, %get3A_256 : vector<16xf32>
        %swap3A_257 = arith.index_cast %mul3A_250 : i32 to index
        %swap3A_258 = tpu.vector_load %arg12[%swap3A_257] {strides = array<i32>} : memref<2048xf32, #tpu.memory_space<vmem>>, vector<16xf32>,
        %swap3A_259 = vector.shape_cast %swap3A_258 : vector<16xf32> to vector<16xf32>
        %swap3A_260 = vector.shape_cast %max3A : vector<16xf32> to vector<16xf32>
        tpu.vector_store %arg12[%swap3A_257], %swap3A_260 {strides = array<i32>} : memref<2048xf32, #tpu.memory_space<vmem>>, vector<16xf32>,
        %scan3A_261 = arith.constant 0 : i32
        scf.yield %scan3A_261 : i32
      }
      %scan3A_234 = arith.constant 128 : i32
      %mul3A_235 = arith.constant 128 : i32
      %mul3A_236 = arith.muli %mul3A_92, %mul3A_235 : i32
      %run_scoped3A_237 = arith.constant 15 : i32
      "tpu.region"() ({
        %run_scoped3A_247 = tpu.sem_alloc : memref<!tpu.dma_semaphore, #tpu.memory_space<semaphore_mem>>
        %dma_start3A_248 = tpu.memref_slice %arg13[%run_scoped3A_237, %mul3A_236] : memref<16x32768xf32, #tpu.memory_space<vmem_shared>> -> memref<1x2048xf32, #tpu.memory_space<vmem_shared>>
        %dma_start3A_249 = tpu.memref_squeeze %dma_start3A_248 : memref<1x2048xf32, #tpu.memory_space<vmem_shared>> -> memref<2048xf32, #tpu.memory_space<vmem_shared>>
        %dma_start3A_250 = tpu.memref_slice %arg13[%run_scoped3A_237, %mul3A_236] : memref<16x32768xf32, #tpu.memory_space<vmem_shared>> -> memref<1x2048xf32, #tpu.memory_space<vmem_shared>>
        %dma_start3A_251 = tpu.memref_squeeze %dma_start3A_250 : memref<1x2048xf32, #tpu.memory_space<vmem_shared>> -> memref<2048xf32, #tpu.memory_space<vmem_shared>>
        tpu.enqueue_dma source(%dma_start3A_251 : memref<2048xf32, #tpu.memory_space<vmem_shared>>) target(%arg11 : memref<2048xf32, #tpu.memory_space<vmem>>) target_semaphore(%run_scoped3A_247 : memref<!tpu.dma_semaphore, #tpu.memory_space<semaphore_mem>>)
        %dma_wait3A_252 = tpu.memref_slice %arg13[%run_scoped3A_237, %mul3A_236] : memref<16x32768xf32, #tpu.memory_space<vmem_shared>> -> memref<1x2048xf32, #tpu.memory_space<vmem_shared>>
        %dma_wait3A_253 = tpu.memref_squeeze %dma_wait3A_252 : memref<1x2048xf32, #tpu.memory_space<vmem_shared>> -> memref<2048xf32, #tpu.memory_space<vmem_shared>>
        %dma_wait3A_254 = tpu.memref_slice %arg13[%run_scoped3A_237, %mul3A_236] : memref<16x32768xf32, #tpu.memory_space<vmem_shared>> -> memref<1x2048xf32, #tpu.memory_space<vmem_shared>>
        %dma_wait3A_255 = tpu.memref_squeeze %dma_wait3A_254 : memref<1x2048xf32, #tpu.memory_space<vmem_shared>> -> memref<2048xf32, #tpu.memory_space<vmem_shared>>
        tpu.wait_dma2 semaphore(%run_scoped3A_247 : memref<!tpu.dma_semaphore, #tpu.memory_space<semaphore_mem>>) src(%dma_wait3A_255 : memref<2048xf32, #tpu.memory_space<vmem_shared>>) dst(%arg11 : memref<2048xf32, #tpu.memory_space<vmem>>)
        tpu.yield
      }) : () -> ()
      %scan3A_238 = arith.constant 0 : i32
      %scan3A_239 = arith.constant 0 : i32
      %scan3A_240 = arith.constant 128 : i32
      %scan3A_241 = arith.addi %scan3A_239, %scan3A_240 : i32
      %scan3A_242 = arith.constant 1 : i32
      %scan3A_243 = scf.for %scan3A_247 = %scan3A_239 to %scan3A_241 step %scan3A_242 iter_args(%scan3A_248 = %scan3A_238) -> (i32)  : i32 {
        %mul3A_249 = arith.constant 16 : i32
        %mul3A_250 = arith.muli %scan3A_247, %mul3A_249 : i32
        %get3A_251 = arith.index_cast %mul3A_250 : i32 to index
        %get3A_252 = tpu.vector_load %arg12[%get3A_251] {strides = array<i32>} : memref<2048xf32, #tpu.memory_space<vmem>>, vector<16xf32>,
        %get3A_253 = vector.shape_cast %get3A_252 : vector<16xf32> to vector<16xf32>
        %get3A_254 = arith.index_cast %mul3A_250 : i32 to index
        %get3A_255 = tpu.vector_load %arg11[%get3A_254] {strides = array<i32>} : memref<2048xf32, #tpu.memory_space<vmem>>, vector<16xf32>,
        %get3A_256 = vector.shape_cast %get3A_255 : vector<16xf32> to vector<16xf32>
        %max3A = arith.maximumf %get3A_253, %get3A_256 : vector<16xf32>
        %swap3A_257 = arith.index_cast %mul3A_250 : i32 to index
        %swap3A_258 = tpu.vector_load %arg12[%swap3A_257] {strides = array<i32>} : memref<2048xf32, #tpu.memory_space<vmem>>, vector<16xf32>,
        %swap3A_259 = vector.shape_cast %swap3A_258 : vector<16xf32> to vector<16xf32>
        %swap3A_260 = vector.shape_cast %max3A : vector<16xf32> to vector<16xf32>
        tpu.vector_store %arg12[%swap3A_257], %swap3A_260 {strides = array<i32>} : memref<2048xf32, #tpu.memory_space<vmem>>, vector<16xf32>,
        %scan3A_261 = arith.constant 0 : i32
        scf.yield %scan3A_261 : i32
      }
      %scan3A_244 = arith.constant 128 : i32
      %mul3A_245 = arith.constant 128 : i32
      %mul3A_246 = arith.muli %mul3A_92, %mul3A_245 : i32
      "tpu.region"() ({
        %run_scoped3A_247 = tpu.sem_alloc : memref<!tpu.dma_semaphore, #tpu.memory_space<semaphore_mem>>
        %dma_start3A_248 = tpu.memref_slice %arg6[%mul3A_246] : memref<32768xf32, #tpu.memory_space<hbm>> -> memref<2048xf32, #tpu.memory_space<hbm>>
        %dma_start3A_249 = tpu.memref_slice %arg6[%mul3A_246] : memref<32768xf32, #tpu.memory_space<hbm>> -> memref<2048xf32, #tpu.memory_space<hbm>>
        tpu.enqueue_dma source(%arg12 : memref<2048xf32, #tpu.memory_space<vmem>>) target(%dma_start3A_249 : memref<2048xf32, #tpu.memory_space<hbm>>) target_semaphore(%run_scoped3A_247 : memref<!tpu.dma_semaphore, #tpu.memory_space<semaphore_mem>>)
        %dma_wait3A_250 = tpu.memref_slice %arg6[%mul3A_246] : memref<32768xf32, #tpu.memory_space<hbm>> -> memref<2048xf32, #tpu.memory_space<hbm>>
        %dma_wait3A_251 = tpu.memref_slice %arg6[%mul3A_246] : memref<32768xf32, #tpu.memory_space<hbm>> -> memref<2048xf32, #tpu.memory_space<hbm>>
        tpu.wait_dma2 semaphore(%run_scoped3A_247 : memref<!tpu.dma_semaphore, #tpu.memory_space<semaphore_mem>>) src(%arg12 : memref<2048xf32, #tpu.memory_space<vmem>>) dst(%dma_wait3A_251 : memref<2048xf32, #tpu.memory_space<hbm>>)
        tpu.yield
      }) : () -> ()
    } else {
    }
    %eq3A_2 = arith.constant 1 : i32
    %eq3A_3 = arith.cmpi eq, %arg0, %eq3A_2 : i32
    %convert_element_type3A_4 = arith.extui %eq3A_3 : i1 to i32
    %cond3A_5 = arith.constant 0 : i32
    %cond3A_6 = arith.cmpi ne, %convert_element_type3A_4, %cond3A_5 : i32
    scf.if %cond3A_6 {
      %mul3A = arith.constant 6400 : i32
      %mul3A_7 = arith.muli %arg1, %mul3A : i32
      %min3A = arith.constant 93600 : i32
      %min3A_8 = arith.minsi %mul3A_7, %min3A : i32
      "tpu.region"() ({
        %run_scoped3A_247 = tpu.sem_alloc : memref<!tpu.dma_semaphore, #tpu.memory_space<semaphore_mem>>
        %dma_start3A_248 = arith.constant 0 : i32
        %dma_start3A_249 = tpu.memref_slice %arg8[%dma_start3A_248] : memref<6416xi32, #tpu.memory_space<vmem>> -> memref<6400xi32, #tpu.memory_space<vmem>>
        %dma_start3A_250 = tpu.memref_slice %arg5[%min3A_8] : memref<100000xi32, #tpu.memory_space<hbm>> -> memref<6400xi32, #tpu.memory_space<hbm>>
        %dma_start3A_251 = arith.constant 0 : i32
        %dma_start3A_252 = tpu.memref_slice %arg8[%dma_start3A_251] : memref<6416xi32, #tpu.memory_space<vmem>> -> memref<6400xi32, #tpu.memory_space<vmem>>
        %dma_start3A_253 = tpu.memref_slice %arg5[%min3A_8] : memref<100000xi32, #tpu.memory_space<hbm>> -> memref<6400xi32, #tpu.memory_space<hbm>>
        tpu.enqueue_dma source(%dma_start3A_253 : memref<6400xi32, #tpu.memory_space<hbm>>) target(%dma_start3A_252 : memref<6400xi32, #tpu.memory_space<vmem>>) target_semaphore(%run_scoped3A_247 : memref<!tpu.dma_semaphore, #tpu.memory_space<semaphore_mem>>)
        %dma_wait3A_254 = arith.constant 0 : i32
        %dma_wait3A_255 = tpu.memref_slice %arg8[%dma_wait3A_254] : memref<6416xi32, #tpu.memory_space<vmem>> -> memref<6400xi32, #tpu.memory_space<vmem>>
        %dma_wait3A_256 = tpu.memref_slice %arg5[%min3A_8] : memref<100000xi32, #tpu.memory_space<hbm>> -> memref<6400xi32, #tpu.memory_space<hbm>>
        %dma_wait3A_257 = arith.constant 0 : i32
        %dma_wait3A_258 = tpu.memref_slice %arg8[%dma_wait3A_257] : memref<6416xi32, #tpu.memory_space<vmem>> -> memref<6400xi32, #tpu.memory_space<vmem>>
        %dma_wait3A_259 = tpu.memref_slice %arg5[%min3A_8] : memref<100000xi32, #tpu.memory_space<hbm>> -> memref<6400xi32, #tpu.memory_space<hbm>>
        tpu.wait_dma2 semaphore(%run_scoped3A_247 : memref<!tpu.dma_semaphore, #tpu.memory_space<semaphore_mem>>) src(%dma_wait3A_259 : memref<6400xi32, #tpu.memory_space<hbm>>) dst(%dma_wait3A_258 : memref<6400xi32, #tpu.memory_space<vmem>>)
        tpu.yield
      }) : () -> ()
      %broadcast_in_dim3A = arith.constant 0xFF800000 : f32
      %broadcast_in_dim3A_9 = vector.broadcast %broadcast_in_dim3A : f32 to vector<16xf32>
      %scan3A = arith.constant 0 : i32
      %scan3A_10 = arith.constant 0 : i32
      %scan3A_11 = arith.constant 256 : i32
      %scan3A_12 = arith.addi %scan3A_10, %scan3A_11 : i32
      %scan3A_13 = arith.constant 1 : i32
      %scan3A_14 = scf.for %scan3A_247 = %scan3A_10 to %scan3A_12 step %scan3A_13 iter_args(%scan3A_248 = %scan3A) -> (i32)  : i32 {
        %mul3A_249 = arith.constant 128 : i32
        %mul3A_250 = arith.muli %scan3A_247, %mul3A_249 : i32
        %add3A_251 = arith.constant 0 : i32
        %add3A_252 = arith.addi %mul3A_250, %add3A_251 : i32
        %swap3A_253 = arith.index_cast %add3A_252 : i32 to index
        %swap3A_254 = tpu.vector_load %arg10[%swap3A_253] {strides = array<i32>} : memref<32768xf32, #tpu.memory_space<vmem>>, vector<16xf32>,
        %swap3A_255 = vector.shape_cast %swap3A_254 : vector<16xf32> to vector<16xf32>
        %swap3A_256 = vector.shape_cast %broadcast_in_dim3A_9 : vector<16xf32> to vector<16xf32>
        tpu.vector_store %arg10[%swap3A_253], %swap3A_256 {strides = array<i32>} : memref<32768xf32, #tpu.memory_space<vmem>>, vector<16xf32>,
        %add3A_257 = arith.constant 16 : i32
        %add3A_258 = arith.addi %mul3A_250, %add3A_257 : i32
        %swap3A_259 = arith.index_cast %add3A_258 : i32 to index
        %swap3A_260 = tpu.vector_load %arg10[%swap3A_259] {strides = array<i32>} : memref<32768xf32, #tpu.memory_space<vmem>>, vector<16xf32>,
        %swap3A_261 = vector.shape_cast %swap3A_260 : vector<16xf32> to vector<16xf32>
        %swap3A_262 = vector.shape_cast %broadcast_in_dim3A_9 : vector<16xf32> to vector<16xf32>
        tpu.vector_store %arg10[%swap3A_259], %swap3A_262 {strides = array<i32>} : memref<32768xf32, #tpu.memory_space<vmem>>, vector<16xf32>,
        %add3A_263 = arith.constant 32 : i32
        %add3A_264 = arith.addi %mul3A_250, %add3A_263 : i32
        %swap3A_265 = arith.index_cast %add3A_264 : i32 to index
        %swap3A_266 = tpu.vector_load %arg10[%swap3A_265] {strides = array<i32>} : memref<32768xf32, #tpu.memory_space<vmem>>, vector<16xf32>,
        %swap3A_267 = vector.shape_cast %swap3A_266 : vector<16xf32> to vector<16xf32>
        %swap3A_268 = vector.shape_cast %broadcast_in_dim3A_9 : vector<16xf32> to vector<16xf32>
        tpu.vector_store %arg10[%swap3A_265], %swap3A_268 {strides = array<i32>} : memref<32768xf32, #tpu.memory_space<vmem>>, vector<16xf32>,
        %add3A_269 = arith.constant 48 : i32
        %add3A_270 = arith.addi %mul3A_250, %add3A_269 : i32
        %swap3A_271 = arith.index_cast %add3A_270 : i32 to index
        %swap3A_272 = tpu.vector_load %arg10[%swap3A_271] {strides = array<i32>} : memref<32768xf32, #tpu.memory_space<vmem>>, vector<16xf32>,
        %swap3A_273 = vector.shape_cast %swap3A_272 : vector<16xf32> to vector<16xf32>
        %swap3A_274 = vector.shape_cast %broadcast_in_dim3A_9 : vector<16xf32> to vector<16xf32>
        tpu.vector_store %arg10[%swap3A_271], %swap3A_274 {strides = array<i32>} : memref<32768xf32, #tpu.memory_space<vmem>>, vector<16xf32>,
        %add3A_275 = arith.constant 64 : i32
        %add3A_276 = arith.addi %mul3A_250, %add3A_275 : i32
        %swap3A_277 = arith.index_cast %add3A_276 : i32 to index
        %swap3A_278 = tpu.vector_load %arg10[%swap3A_277] {strides = array<i32>} : memref<32768xf32, #tpu.memory_space<vmem>>, vector<16xf32>,
        %swap3A_279 = vector.shape_cast %swap3A_278 : vector<16xf32> to vector<16xf32>
        %swap3A_280 = vector.shape_cast %broadcast_in_dim3A_9 : vector<16xf32> to vector<16xf32>
        tpu.vector_store %arg10[%swap3A_277], %swap3A_280 {strides = array<i32>} : memref<32768xf32, #tpu.memory_space<vmem>>, vector<16xf32>,
        %add3A_281 = arith.constant 80 : i32
        %add3A_282 = arith.addi %mul3A_250, %add3A_281 : i32
        %swap3A_283 = arith.index_cast %add3A_282 : i32 to index
        %swap3A_284 = tpu.vector_load %arg10[%swap3A_283] {strides = array<i32>} : memref<32768xf32, #tpu.memory_space<vmem>>, vector<16xf32>,
        %swap3A_285 = vector.shape_cast %swap3A_284 : vector<16xf32> to vector<16xf32>
        %swap3A_286 = vector.shape_cast %broadcast_in_dim3A_9 : vector<16xf32> to vector<16xf32>
        tpu.vector_store %arg10[%swap3A_283], %swap3A_286 {strides = array<i32>} : memref<32768xf32, #tpu.memory_space<vmem>>, vector<16xf32>,
        %add3A_287 = arith.constant 96 : i32
        %add3A_288 = arith.addi %mul3A_250, %add3A_287 : i32
        %swap3A_289 = arith.index_cast %add3A_288 : i32 to index
        %swap3A_290 = tpu.vector_load %arg10[%swap3A_289] {strides = array<i32>} : memref<32768xf32, #tpu.memory_space<vmem>>, vector<16xf32>,
        %swap3A_291 = vector.shape_cast %swap3A_290 : vector<16xf32> to vector<16xf32>
        %swap3A_292 = vector.shape_cast %broadcast_in_dim3A_9 : vector<16xf32> to vector<16xf32>
        tpu.vector_store %arg10[%swap3A_289], %swap3A_292 {strides = array<i32>} : memref<32768xf32, #tpu.memory_space<vmem>>, vector<16xf32>,
        %add3A_293 = arith.constant 112 : i32
        %add3A_294 = arith.addi %mul3A_250, %add3A_293 : i32
        %swap3A_295 = arith.index_cast %add3A_294 : i32 to index
        %swap3A_296 = tpu.vector_load %arg10[%swap3A_295] {strides = array<i32>} : memref<32768xf32, #tpu.memory_space<vmem>>, vector<16xf32>,
        %swap3A_297 = vector.shape_cast %swap3A_296 : vector<16xf32> to vector<16xf32>
        %swap3A_298 = vector.shape_cast %broadcast_in_dim3A_9 : vector<16xf32> to vector<16xf32>
        tpu.vector_store %arg10[%swap3A_295], %swap3A_298 {strides = array<i32>} : memref<32768xf32, #tpu.memory_space<vmem>>, vector<16xf32>,
        %scan3A_299 = arith.constant 0 : i32
        scf.yield %scan3A_299 : i32
      }
      %scan3A_15 = arith.constant 256 : i32
      %mul3A_16 = arith.constant 128 : i32
      %mul3A_17 = arith.muli %min3A_8, %mul3A_16 : i32
      %dma_start3A = arith.constant 0 : i32
      %dma_start3A_18 = arith.constant 0 : i32
      %dma_start3A_19 = tpu.memref_slice %arg9[%dma_start3A, %dma_start3A_18] : memref<2x20480xf32, #tpu.memory_space<vmem>> -> memref<1x20480xf32, #tpu.memory_space<vmem>>
      %dma_start3A_20 = tpu.memref_squeeze %dma_start3A_19 : memref<1x20480xf32, #tpu.memory_space<vmem>> -> memref<20480xf32, #tpu.memory_space<vmem>>
      %dma_start3A_21 = tpu.memref_slice %arg4[%mul3A_17] : memref<12800000xf32, #tpu.memory_space<hbm>> -> memref<20480xf32, #tpu.memory_space<hbm>>
      %dma_start3A_22 = arith.constant 0 : i32
      %dma_start3A_23 = tpu.memref_slice %arg9[%dma_start3A, %dma_start3A_22] : memref<2x20480xf32, #tpu.memory_space<vmem>> -> memref<1x20480xf32, #tpu.memory_space<vmem>>
      %dma_start3A_24 = tpu.memref_squeeze %dma_start3A_23 : memref<1x20480xf32, #tpu.memory_space<vmem>> -> memref<20480xf32, #tpu.memory_space<vmem>>
      %dma_start3A_25 = tpu.memref_slice %arg4[%mul3A_17] : memref<12800000xf32, #tpu.memory_space<hbm>> -> memref<20480xf32, #tpu.memory_space<hbm>>
      tpu.enqueue_dma source(%dma_start3A_25 : memref<20480xf32, #tpu.memory_space<hbm>>) target(%dma_start3A_24 : memref<20480xf32, #tpu.memory_space<vmem>>) target_semaphore(%arg14 : memref<!tpu.dma_semaphore, #tpu.memory_space<semaphore_mem>>)
      %get3A = arith.constant 0 : index
      %get3A_26 = tpu.vector_load %arg8[%get3A] {strides = array<i32>} : memref<6416xi32, #tpu.memory_space<vmem>>, vector<16xi32>,
      %get3A_27 = vector.shape_cast %get3A_26 : vector<16xi32> to vector<16xi32>
      %slice3A = vector.extract_strided_slice %get3A_27 {offsets = [0], sizes = [1], strides = [1]} : vector<16xi32> to vector<1xi32>
      %squeeze3A = vector.extract %slice3A[0] : i32 from vector<1xi32>
      %scan3A_28 = arith.constant 0 : i32
      %scan3A_29 = arith.constant 20 : i32
      %scan3A_30 = arith.addi %scan3A_28, %scan3A_29 : i32
      %scan3A_31 = arith.constant 1 : i32
      scf.for %scan3A_247 = %scan3A_28 to %scan3A_30 step %scan3A_31  : i32 {
        %mul3A_248 = arith.constant 2 : i32
        %mul3A_249 = arith.muli %mul3A_248, %scan3A_247 : i32
        %add3A_250 = arith.constant 1 : i32
        %add3A_251 = arith.addi %mul3A_249, %add3A_250 : i32
        %mul3A_252 = arith.constant 160 : i32
        %mul3A_253 = arith.muli %add3A_251, %mul3A_252 : i32
        %add3A_254 = arith.addi %min3A_8, %mul3A_253 : i32
        %mul3A_255 = arith.constant 128 : i32
        %mul3A_256 = arith.muli %add3A_254, %mul3A_255 : i32
        %dma_start3A_257 = arith.constant 1 : i32
        %dma_start3A_258 = arith.constant 0 : i32
        %dma_start3A_259 = tpu.memref_slice %arg9[%dma_start3A_257, %dma_start3A_258] : memref<2x20480xf32, #tpu.memory_space<vmem>> -> memref<1x20480xf32, #tpu.memory_space<vmem>>
        %dma_start3A_260 = tpu.memref_squeeze %dma_start3A_259 : memref<1x20480xf32, #tpu.memory_space<vmem>> -> memref<20480xf32, #tpu.memory_space<vmem>>
        %dma_start3A_261 = tpu.memref_slice %arg4[%mul3A_256] : memref<12800000xf32, #tpu.memory_space<hbm>> -> memref<20480xf32, #tpu.memory_space<hbm>>
        %dma_start3A_262 = arith.constant 0 : i32
        %dma_start3A_263 = tpu.memref_slice %arg9[%dma_start3A_257, %dma_start3A_262] : memref<2x20480xf32, #tpu.memory_space<vmem>> -> memref<1x20480xf32, #tpu.memory_space<vmem>>
        %dma_start3A_264 = tpu.memref_squeeze %dma_start3A_263 : memref<1x20480xf32, #tpu.memory_space<vmem>> -> memref<20480xf32, #tpu.memory_space<vmem>>
        %dma_start3A_265 = tpu.memref_slice %arg4[%mul3A_256] : memref<12800000xf32, #tpu.memory_space<hbm>> -> memref<20480xf32, #tpu.memory_space<hbm>>
        tpu.enqueue_dma source(%dma_start3A_265 : memref<20480xf32, #tpu.memory_space<hbm>>) target(%dma_start3A_264 : memref<20480xf32, #tpu.memory_space<vmem>>) target_semaphore(%arg15 : memref<!tpu.dma_semaphore, #tpu.memory_space<semaphore_mem>>)
        %dma_wait3A_266 = arith.constant 0 : i32
        %dma_wait3A_267 = arith.constant 0 : i32
        %dma_wait3A_268 = tpu.memref_slice %arg9[%dma_wait3A_266, %dma_wait3A_267] : memref<2x20480xf32, #tpu.memory_space<vmem>> -> memref<1x20480xf32, #tpu.memory_space<vmem>>
        %dma_wait3A_269 = tpu.memref_squeeze %dma_wait3A_268 : memref<1x20480xf32, #tpu.memory_space<vmem>> -> memref<20480xf32, #tpu.memory_space<vmem>>
        %dma_wait3A_270 = arith.constant 0 : i32
        %dma_wait3A_271 = tpu.memref_slice %arg4[%dma_wait3A_270] : memref<12800000xf32, #tpu.memory_space<hbm>> -> memref<20480xf32, #tpu.memory_space<hbm>>
        %dma_wait3A_272 = arith.constant 0 : i32
        %dma_wait3A_273 = tpu.memref_slice %arg9[%dma_wait3A_266, %dma_wait3A_272] : memref<2x20480xf32, #tpu.memory_space<vmem>> -> memref<1x20480xf32, #tpu.memory_space<vmem>>
        %dma_wait3A_274 = tpu.memref_squeeze %dma_wait3A_273 : memref<1x20480xf32, #tpu.memory_space<vmem>> -> memref<20480xf32, #tpu.memory_space<vmem>>
        %dma_wait3A_275 = arith.constant 0 : i32
        %dma_wait3A_276 = tpu.memref_slice %arg4[%dma_wait3A_275] : memref<12800000xf32, #tpu.memory_space<hbm>> -> memref<20480xf32, #tpu.memory_space<hbm>>
        tpu.wait_dma2 semaphore(%arg14 : memref<!tpu.dma_semaphore, #tpu.memory_space<semaphore_mem>>) src(%dma_wait3A_276 : memref<20480xf32, #tpu.memory_space<hbm>>) dst(%dma_wait3A_274 : memref<20480xf32, #tpu.memory_space<vmem>>)
        %mul3A_277 = arith.constant 2 : i32
        %mul3A_278 = arith.muli %mul3A_277, %scan3A_247 : i32
        %add3A_279 = arith.constant 2 : i32
        %add3A_280 = arith.addi %mul3A_278, %add3A_279 : i32
        %mul3A_281 = arith.constant 160 : i32
        %mul3A_282 = arith.muli %add3A_280, %mul3A_281 : i32
        %min3A_283 = arith.constant 6240 : i32
        %min3A_284 = arith.minsi %mul3A_282, %min3A_283 : i32
        %add3A_285 = arith.addi %min3A_8, %min3A_284 : i32
        %mul3A_286 = arith.constant 128 : i32
        %mul3A_287 = arith.muli %add3A_285, %mul3A_286 : i32
        %dma_start3A_288 = arith.constant 0 : i32
        %dma_start3A_289 = arith.constant 0 : i32
        %dma_start3A_290 = tpu.memref_slice %arg9[%dma_start3A_288, %dma_start3A_289] : memref<2x20480xf32, #tpu.memory_space<vmem>> -> memref<1x20480xf32, #tpu.memory_space<vmem>>
        %dma_start3A_291 = tpu.memref_squeeze %dma_start3A_290 : memref<1x20480xf32, #tpu.memory_space<vmem>> -> memref<20480xf32, #tpu.memory_space<vmem>>
        %dma_start3A_292 = tpu.memref_slice %arg4[%mul3A_287] : memref<12800000xf32, #tpu.memory_space<hbm>> -> memref<20480xf32, #tpu.memory_space<hbm>>
        %dma_start3A_293 = arith.constant 0 : i32
        %dma_start3A_294 = tpu.memref_slice %arg9[%dma_start3A_288, %dma_start3A_293] : memref<2x20480xf32, #tpu.memory_space<vmem>> -> memref<1x20480xf32, #tpu.memory_space<vmem>>
        %dma_start3A_295 = tpu.memref_squeeze %dma_start3A_294 : memref<1x20480xf32, #tpu.memory_space<vmem>> -> memref<20480xf32, #tpu.memory_space<vmem>>
        %dma_start3A_296 = tpu.memref_slice %arg4[%mul3A_287] : memref<12800000xf32, #tpu.memory_space<hbm>> -> memref<20480xf32, #tpu.memory_space<hbm>>
        tpu.enqueue_dma source(%dma_start3A_296 : memref<20480xf32, #tpu.memory_space<hbm>>) target(%dma_start3A_295 : memref<20480xf32, #tpu.memory_space<vmem>>) target_semaphore(%arg14 : memref<!tpu.dma_semaphore, #tpu.memory_space<semaphore_mem>>)
        %dma_wait3A_297 = arith.constant 1 : i32
        %dma_wait3A_298 = arith.constant 0 : i32
        %dma_wait3A_299 = tpu.memref_slice %arg9[%dma_wait3A_297, %dma_wait3A_298] : memref<2x20480xf32, #tpu.memory_space<vmem>> -> memref<1x20480xf32, #tpu.memory_space<vmem>>
        %dma_wait3A_300 = tpu.memref_squeeze %dma_wait3A_299 : memref<1x20480xf32, #tpu.memory_space<vmem>> -> memref<20480xf32, #tpu.memory_space<vmem>>
        %dma_wait3A_301 = arith.constant 0 : i32
        %dma_wait3A_302 = tpu.memref_slice %arg4[%dma_wait3A_301] : memref<12800000xf32, #tpu.memory_space<hbm>> -> memref<20480xf32, #tpu.memory_space<hbm>>
        %dma_wait3A_303 = arith.constant 0 : i32
        %dma_wait3A_304 = tpu.memref_slice %arg9[%dma_wait3A_297, %dma_wait3A_303] : memref<2x20480xf32, #tpu.memory_space<vmem>> -> memref<1x20480xf32, #tpu.memory_space<vmem>>
        %dma_wait3A_305 = tpu.memref_squeeze %dma_wait3A_304 : memref<1x20480xf32, #tpu.memory_space<vmem>> -> memref<20480xf32, #tpu.memory_space<vmem>>
        %dma_wait3A_306 = arith.constant 0 : i32
        %dma_wait3A_307 = tpu.memref_slice %arg4[%dma_wait3A_306] : memref<12800000xf32, #tpu.memory_space<hbm>> -> memref<20480xf32, #tpu.memory_space<hbm>>
        tpu.wait_dma2 semaphore(%arg15 : memref<!tpu.dma_semaphore, #tpu.memory_space<semaphore_mem>>) src(%dma_wait3A_307 : memref<20480xf32, #tpu.memory_space<hbm>>) dst(%dma_wait3A_305 : memref<20480xf32, #tpu.memory_space<vmem>>)
      }
      %scan3A_32 = arith.constant 20 : i32
      %dma_wait3A = arith.constant 0 : i32
      %dma_wait3A_33 = arith.constant 0 : i32
      %dma_wait3A_34 = tpu.memref_slice %arg9[%dma_wait3A, %dma_wait3A_33] : memref<2x20480xf32, #tpu.memory_space<vmem>> -> memref<1x20480xf32, #tpu.memory_space<vmem>>
      %dma_wait3A_35 = tpu.memref_squeeze %dma_wait3A_34 : memref<1x20480xf32, #tpu.memory_space<vmem>> -> memref<20480xf32, #tpu.memory_space<vmem>>
      %dma_wait3A_36 = arith.constant 0 : i32
      %dma_wait3A_37 = tpu.memref_slice %arg4[%dma_wait3A_36] : memref<12800000xf32, #tpu.memory_space<hbm>> -> memref<20480xf32, #tpu.memory_space<hbm>>
      %dma_wait3A_38 = arith.constant 0 : i32
      %dma_wait3A_39 = tpu.memref_slice %arg9[%dma_wait3A, %dma_wait3A_38] : memref<2x20480xf32, #tpu.memory_space<vmem>> -> memref<1x20480xf32, #tpu.memory_space<vmem>>
      %dma_wait3A_40 = tpu.memref_squeeze %dma_wait3A_39 : memref<1x20480xf32, #tpu.memory_space<vmem>> -> memref<20480xf32, #tpu.memory_space<vmem>>
      %dma_wait3A_41 = arith.constant 0 : i32
      %dma_wait3A_42 = tpu.memref_slice %arg4[%dma_wait3A_41] : memref<12800000xf32, #tpu.memory_space<hbm>> -> memref<20480xf32, #tpu.memory_space<hbm>>
      tpu.wait_dma2 semaphore(%arg14 : memref<!tpu.dma_semaphore, #tpu.memory_space<semaphore_mem>>) src(%dma_wait3A_42 : memref<20480xf32, #tpu.memory_space<hbm>>) dst(%dma_wait3A_40 : memref<20480xf32, #tpu.memory_space<vmem>>)
      %mul3A_43 = arith.constant 128 : i32
      %mul3A_44 = arith.muli %squeeze3A, %mul3A_43 : i32
      %add3A = arith.constant 0 : i32
      %add3A_45 = arith.addi %mul3A_44, %add3A : i32
      %swap3A = arith.index_cast %add3A_45 : i32 to index
      %swap3A_46 = tpu.vector_load %arg10[%swap3A] {strides = array<i32>} : memref<32768xf32, #tpu.memory_space<vmem>>, vector<16xf32>,
      %swap3A_47 = vector.shape_cast %swap3A_46 : vector<16xf32> to vector<16xf32>
      %swap3A_48 = vector.shape_cast %broadcast_in_dim3A_9 : vector<16xf32> to vector<16xf32>
      tpu.vector_store %arg10[%swap3A], %swap3A_48 {strides = array<i32>} : memref<32768xf32, #tpu.memory_space<vmem>>, vector<16xf32>,
      %add3A_49 = arith.constant 16 : i32
      %add3A_50 = arith.addi %mul3A_44, %add3A_49 : i32
      %swap3A_51 = arith.index_cast %add3A_50 : i32 to index
      %swap3A_52 = tpu.vector_load %arg10[%swap3A_51] {strides = array<i32>} : memref<32768xf32, #tpu.memory_space<vmem>>, vector<16xf32>,
      %swap3A_53 = vector.shape_cast %swap3A_52 : vector<16xf32> to vector<16xf32>
      %swap3A_54 = vector.shape_cast %broadcast_in_dim3A_9 : vector<16xf32> to vector<16xf32>
      tpu.vector_store %arg10[%swap3A_51], %swap3A_54 {strides = array<i32>} : memref<32768xf32, #tpu.memory_space<vmem>>, vector<16xf32>,
      %add3A_55 = arith.constant 32 : i32
      %add3A_56 = arith.addi %mul3A_44, %add3A_55 : i32
      %swap3A_57 = arith.index_cast %add3A_56 : i32 to index
      %swap3A_58 = tpu.vector_load %arg10[%swap3A_57] {strides = array<i32>} : memref<32768xf32, #tpu.memory_space<vmem>>, vector<16xf32>,
      %swap3A_59 = vector.shape_cast %swap3A_58 : vector<16xf32> to vector<16xf32>
      %swap3A_60 = vector.shape_cast %broadcast_in_dim3A_9 : vector<16xf32> to vector<16xf32>
      tpu.vector_store %arg10[%swap3A_57], %swap3A_60 {strides = array<i32>} : memref<32768xf32, #tpu.memory_space<vmem>>, vector<16xf32>,
      %add3A_61 = arith.constant 48 : i32
      %add3A_62 = arith.addi %mul3A_44, %add3A_61 : i32
      %swap3A_63 = arith.index_cast %add3A_62 : i32 to index
      %swap3A_64 = tpu.vector_load %arg10[%swap3A_63] {strides = array<i32>} : memref<32768xf32, #tpu.memory_space<vmem>>, vector<16xf32>,
      %swap3A_65 = vector.shape_cast %swap3A_64 : vector<16xf32> to vector<16xf32>
      %swap3A_66 = vector.shape_cast %broadcast_in_dim3A_9 : vector<16xf32> to vector<16xf32>
      tpu.vector_store %arg10[%swap3A_63], %swap3A_66 {strides = array<i32>} : memref<32768xf32, #tpu.memory_space<vmem>>, vector<16xf32>,
      %add3A_67 = arith.constant 64 : i32
      %add3A_68 = arith.addi %mul3A_44, %add3A_67 : i32
      %swap3A_69 = arith.index_cast %add3A_68 : i32 to index
      %swap3A_70 = tpu.vector_load %arg10[%swap3A_69] {strides = array<i32>} : memref<32768xf32, #tpu.memory_space<vmem>>, vector<16xf32>,
      %swap3A_71 = vector.shape_cast %swap3A_70 : vector<16xf32> to vector<16xf32>
      %swap3A_72 = vector.shape_cast %broadcast_in_dim3A_9 : vector<16xf32> to vector<16xf32>
      tpu.vector_store %arg10[%swap3A_69], %swap3A_72 {strides = array<i32>} : memref<32768xf32, #tpu.memory_space<vmem>>, vector<16xf32>,
      %add3A_73 = arith.constant 80 : i32
      %add3A_74 = arith.addi %mul3A_44, %add3A_73 : i32
      %swap3A_75 = arith.index_cast %add3A_74 : i32 to index
      %swap3A_76 = tpu.vector_load %arg10[%swap3A_75] {strides = array<i32>} : memref<32768xf32, #tpu.memory_space<vmem>>, vector<16xf32>,
      %swap3A_77 = vector.shape_cast %swap3A_76 : vector<16xf32> to vector<16xf32>
      %swap3A_78 = vector.shape_cast %broadcast_in_dim3A_9 : vector<16xf32> to vector<16xf32>
      tpu.vector_store %arg10[%swap3A_75], %swap3A_78 {strides = array<i32>} : memref<32768xf32, #tpu.memory_space<vmem>>, vector<16xf32>,
      %add3A_79 = arith.constant 96 : i32
      %add3A_80 = arith.addi %mul3A_44, %add3A_79 : i32
      %swap3A_81 = arith.index_cast %add3A_80 : i32 to index
      %swap3A_82 = tpu.vector_load %arg10[%swap3A_81] {strides = array<i32>} : memref<32768xf32, #tpu.memory_space<vmem>>, vector<16xf32>,
      %swap3A_83 = vector.shape_cast %swap3A_82 : vector<16xf32> to vector<16xf32>
      %swap3A_84 = vector.shape_cast %broadcast_in_dim3A_9 : vector<16xf32> to vector<16xf32>
      tpu.vector_store %arg10[%swap3A_81], %swap3A_84 {strides = array<i32>} : memref<32768xf32, #tpu.memory_space<vmem>>, vector<16xf32>,
      %add3A_85 = arith.constant 112 : i32
      %add3A_86 = arith.addi %mul3A_44, %add3A_85 : i32
      %swap3A_87 = arith.index_cast %add3A_86 : i32 to index
      %swap3A_88 = tpu.vector_load %arg10[%swap3A_87] {strides = array<i32>} : memref<32768xf32, #tpu.memory_space<vmem>>, vector<16xf32>,
      %swap3A_89 = vector.shape_cast %swap3A_88 : vector<16xf32> to vector<16xf32>
      %swap3A_90 = vector.shape_cast %broadcast_in_dim3A_9 : vector<16xf32> to vector<16xf32>
      tpu.vector_store %arg10[%swap3A_87], %swap3A_90 {strides = array<i32>} : memref<32768xf32, #tpu.memory_space<vmem>>, vector<16xf32>,
      "tpu.region"() ({
        %run_scoped3A_247 = tpu.sem_alloc : memref<!tpu.dma_semaphore, #tpu.memory_space<semaphore_mem>>
        %dma_start3A_248 = arith.constant 0 : i32
        %dma_start3A_249 = tpu.memref_slice %arg13[%arg1, %dma_start3A_248] : memref<16x32768xf32, #tpu.memory_space<vmem_shared>> -> memref<1x32768xf32, #tpu.memory_space<vmem_shared>>
        %dma_start3A_250 = tpu.memref_squeeze %dma_start3A_249 : memref<1x32768xf32, #tpu.memory_space<vmem_shared>> -> memref<32768xf32, #tpu.memory_space<vmem_shared>>
        %dma_start3A_251 = arith.constant 0 : i32
        %dma_start3A_252 = tpu.memref_slice %arg13[%arg1, %dma_start3A_251] : memref<16x32768xf32, #tpu.memory_space<vmem_shared>> -> memref<1x32768xf32, #tpu.memory_space<vmem_shared>>
        %dma_start3A_253 = tpu.memref_squeeze %dma_start3A_252 : memref<1x32768xf32, #tpu.memory_space<vmem_shared>> -> memref<32768xf32, #tpu.memory_space<vmem_shared>>
        tpu.enqueue_dma source(%arg10 : memref<32768xf32, #tpu.memory_space<vmem>>) target(%dma_start3A_253 : memref<32768xf32, #tpu.memory_space<vmem_shared>>) target_semaphore(%run_scoped3A_247 : memref<!tpu.dma_semaphore, #tpu.memory_space<semaphore_mem>>)
        %dma_wait3A_254 = arith.constant 0 : i32
        %dma_wait3A_255 = tpu.memref_slice %arg13[%arg1, %dma_wait3A_254] : memref<16x32768xf32, #tpu.memory_space<vmem_shared>> -> memref<1x32768xf32, #tpu.memory_space<vmem_shared>>
        %dma_wait3A_256 = tpu.memref_squeeze %dma_wait3A_255 : memref<1x32768xf32, #tpu.memory_space<vmem_shared>> -> memref<32768xf32, #tpu.memory_space<vmem_shared>>
        %dma_wait3A_257 = arith.constant 0 : i32
        %dma_wait3A_258 = tpu.memref_slice %arg13[%arg1, %dma_wait3A_257] : memref<16x32768xf32, #tpu.memory_space<vmem_shared>> -> memref<1x32768xf32, #tpu.memory_space<vmem_shared>>
        %dma_wait3A_259 = tpu.memref_squeeze %dma_wait3A_258 : memref<1x32768xf32, #tpu.memory_space<vmem_shared>> -> memref<32768xf32, #tpu.memory_space<vmem_shared>>
        tpu.wait_dma2 semaphore(%run_scoped3A_247 : memref<!tpu.dma_semaphore, #tpu.memory_space<semaphore_mem>>) src(%arg10 : memref<32768xf32, #tpu.memory_space<vmem>>) dst(%dma_wait3A_259 : memref<32768xf32, #tpu.memory_space<vmem_shared>>)
        tpu.yield
      }) : () -> ()
      %barrier3A = arith.constant 0 : index
      tpu.barrier barrier_id(%barrier3A)
      %mul3A_91 = arith.constant 16 : i32
      %mul3A_92 = arith.muli %arg1, %mul3A_91 : i32
      %mul3A_93 = arith.constant 128 : i32
      %mul3A_94 = arith.muli %mul3A_92, %mul3A_93 : i32
      %run_scoped3A = arith.constant 0 : i32
      "tpu.region"() ({
        %run_scoped3A_247 = tpu.sem_alloc : memref<!tpu.dma_semaphore, #tpu.memory_space<semaphore_mem>>
        %dma_start3A_248 = tpu.memref_slice %arg13[%run_scoped3A, %mul3A_94] : memref<16x32768xf32, #tpu.memory_space<vmem_shared>> -> memref<1x2048xf32, #tpu.memory_space<vmem_shared>>
        %dma_start3A_249 = tpu.memref_squeeze %dma_start3A_248 : memref<1x2048xf32, #tpu.memory_space<vmem_shared>> -> memref<2048xf32, #tpu.memory_space<vmem_shared>>
        %dma_start3A_250 = tpu.memref_slice %arg13[%run_scoped3A, %mul3A_94] : memref<16x32768xf32, #tpu.memory_space<vmem_shared>> -> memref<1x2048xf32, #tpu.memory_space<vmem_shared>>
        %dma_start3A_251 = tpu.memref_squeeze %dma_start3A_250 : memref<1x2048xf32, #tpu.memory_space<vmem_shared>> -> memref<2048xf32, #tpu.memory_space<vmem_shared>>
        tpu.enqueue_dma source(%dma_start3A_251 : memref<2048xf32, #tpu.memory_space<vmem_shared>>) target(%arg12 : memref<2048xf32, #tpu.memory_space<vmem>>) target_semaphore(%run_scoped3A_247 : memref<!tpu.dma_semaphore, #tpu.memory_space<semaphore_mem>>)
        %dma_wait3A_252 = tpu.memref_slice %arg13[%run_scoped3A, %mul3A_94] : memref<16x32768xf32, #tpu.memory_space<vmem_shared>> -> memref<1x2048xf32, #tpu.memory_space<vmem_shared>>
        %dma_wait3A_253 = tpu.memref_squeeze %dma_wait3A_252 : memref<1x2048xf32, #tpu.memory_space<vmem_shared>> -> memref<2048xf32, #tpu.memory_space<vmem_shared>>
        %dma_wait3A_254 = tpu.memref_slice %arg13[%run_scoped3A, %mul3A_94] : memref<16x32768xf32, #tpu.memory_space<vmem_shared>> -> memref<1x2048xf32, #tpu.memory_space<vmem_shared>>
        %dma_wait3A_255 = tpu.memref_squeeze %dma_wait3A_254 : memref<1x2048xf32, #tpu.memory_space<vmem_shared>> -> memref<2048xf32, #tpu.memory_space<vmem_shared>>
        tpu.wait_dma2 semaphore(%run_scoped3A_247 : memref<!tpu.dma_semaphore, #tpu.memory_space<semaphore_mem>>) src(%dma_wait3A_255 : memref<2048xf32, #tpu.memory_space<vmem_shared>>) dst(%arg12 : memref<2048xf32, #tpu.memory_space<vmem>>)
        tpu.yield
      }) : () -> ()
      %mul3A_95 = arith.constant 128 : i32
      %mul3A_96 = arith.muli %mul3A_92, %mul3A_95 : i32
      %run_scoped3A_97 = arith.constant 1 : i32
      "tpu.region"() ({
        %run_scoped3A_247 = tpu.sem_alloc : memref<!tpu.dma_semaphore, #tpu.memory_space<semaphore_mem>>
        %dma_start3A_248 = tpu.memref_slice %arg13[%run_scoped3A_97, %mul3A_96] : memref<16x32768xf32, #tpu.memory_space<vmem_shared>> -> memref<1x2048xf32, #tpu.memory_space<vmem_shared>>
        %dma_start3A_249 = tpu.memref_squeeze %dma_start3A_248 : memref<1x2048xf32, #tpu.memory_space<vmem_shared>> -> memref<2048xf32, #tpu.memory_space<vmem_shared>>
        %dma_start3A_250 = tpu.memref_slice %arg13[%run_scoped3A_97, %mul3A_96] : memref<16x32768xf32, #tpu.memory_space<vmem_shared>> -> memref<1x2048xf32, #tpu.memory_space<vmem_shared>>
        %dma_start3A_251 = tpu.memref_squeeze %dma_start3A_250 : memref<1x2048xf32, #tpu.memory_space<vmem_shared>> -> memref<2048xf32, #tpu.memory_space<vmem_shared>>
        tpu.enqueue_dma source(%dma_start3A_251 : memref<2048xf32, #tpu.memory_space<vmem_shared>>) target(%arg11 : memref<2048xf32, #tpu.memory_space<vmem>>) target_semaphore(%run_scoped3A_247 : memref<!tpu.dma_semaphore, #tpu.memory_space<semaphore_mem>>)
        %dma_wait3A_252 = tpu.memref_slice %arg13[%run_scoped3A_97, %mul3A_96] : memref<16x32768xf32, #tpu.memory_space<vmem_shared>> -> memref<1x2048xf32, #tpu.memory_space<vmem_shared>>
        %dma_wait3A_253 = tpu.memref_squeeze %dma_wait3A_252 : memref<1x2048xf32, #tpu.memory_space<vmem_shared>> -> memref<2048xf32, #tpu.memory_space<vmem_shared>>
        %dma_wait3A_254 = tpu.memref_slice %arg13[%run_scoped3A_97, %mul3A_96] : memref<16x32768xf32, #tpu.memory_space<vmem_shared>> -> memref<1x2048xf32, #tpu.memory_space<vmem_shared>>
        %dma_wait3A_255 = tpu.memref_squeeze %dma_wait3A_254 : memref<1x2048xf32, #tpu.memory_space<vmem_shared>> -> memref<2048xf32, #tpu.memory_space<vmem_shared>>
        tpu.wait_dma2 semaphore(%run_scoped3A_247 : memref<!tpu.dma_semaphore, #tpu.memory_space<semaphore_mem>>) src(%dma_wait3A_255 : memref<2048xf32, #tpu.memory_space<vmem_shared>>) dst(%arg11 : memref<2048xf32, #tpu.memory_space<vmem>>)
        tpu.yield
      }) : () -> ()
      %scan3A_98 = arith.constant 0 : i32
      %scan3A_99 = arith.constant 0 : i32
      %scan3A_100 = arith.constant 128 : i32
      %scan3A_101 = arith.addi %scan3A_99, %scan3A_100 : i32
      %scan3A_102 = arith.constant 1 : i32
      %scan3A_103 = scf.for %scan3A_247 = %scan3A_99 to %scan3A_101 step %scan3A_102 iter_args(%scan3A_248 = %scan3A_98) -> (i32)  : i32 {
        %mul3A_249 = arith.constant 16 : i32
        %mul3A_250 = arith.muli %scan3A_247, %mul3A_249 : i32
        %get3A_251 = arith.index_cast %mul3A_250 : i32 to index
        %get3A_252 = tpu.vector_load %arg12[%get3A_251] {strides = array<i32>} : memref<2048xf32, #tpu.memory_space<vmem>>, vector<16xf32>,
        %get3A_253 = vector.shape_cast %get3A_252 : vector<16xf32> to vector<16xf32>
        %get3A_254 = arith.index_cast %mul3A_250 : i32 to index
        %get3A_255 = tpu.vector_load %arg11[%get3A_254] {strides = array<i32>} : memref<2048xf32, #tpu.memory_space<vmem>>, vector<16xf32>,
        %get3A_256 = vector.shape_cast %get3A_255 : vector<16xf32> to vector<16xf32>
        %max3A = arith.maximumf %get3A_253, %get3A_256 : vector<16xf32>
        %swap3A_257 = arith.index_cast %mul3A_250 : i32 to index
        %swap3A_258 = tpu.vector_load %arg12[%swap3A_257] {strides = array<i32>} : memref<2048xf32, #tpu.memory_space<vmem>>, vector<16xf32>,
        %swap3A_259 = vector.shape_cast %swap3A_258 : vector<16xf32> to vector<16xf32>
        %swap3A_260 = vector.shape_cast %max3A : vector<16xf32> to vector<16xf32>
        tpu.vector_store %arg12[%swap3A_257], %swap3A_260 {strides = array<i32>} : memref<2048xf32, #tpu.memory_space<vmem>>, vector<16xf32>,
        %scan3A_261 = arith.constant 0 : i32
        scf.yield %scan3A_261 : i32
      }
      %scan3A_104 = arith.constant 128 : i32
      %mul3A_105 = arith.constant 128 : i32
      %mul3A_106 = arith.muli %mul3A_92, %mul3A_105 : i32
      %run_scoped3A_107 = arith.constant 2 : i32
      "tpu.region"() ({
        %run_scoped3A_247 = tpu.sem_alloc : memref<!tpu.dma_semaphore, #tpu.memory_space<semaphore_mem>>
        %dma_start3A_248 = tpu.memref_slice %arg13[%run_scoped3A_107, %mul3A_106] : memref<16x32768xf32, #tpu.memory_space<vmem_shared>> -> memref<1x2048xf32, #tpu.memory_space<vmem_shared>>
        %dma_start3A_249 = tpu.memref_squeeze %dma_start3A_248 : memref<1x2048xf32, #tpu.memory_space<vmem_shared>> -> memref<2048xf32, #tpu.memory_space<vmem_shared>>
        %dma_start3A_250 = tpu.memref_slice %arg13[%run_scoped3A_107, %mul3A_106] : memref<16x32768xf32, #tpu.memory_space<vmem_shared>> -> memref<1x2048xf32, #tpu.memory_space<vmem_shared>>
        %dma_start3A_251 = tpu.memref_squeeze %dma_start3A_250 : memref<1x2048xf32, #tpu.memory_space<vmem_shared>> -> memref<2048xf32, #tpu.memory_space<vmem_shared>>
        tpu.enqueue_dma source(%dma_start3A_251 : memref<2048xf32, #tpu.memory_space<vmem_shared>>) target(%arg11 : memref<2048xf32, #tpu.memory_space<vmem>>) target_semaphore(%run_scoped3A_247 : memref<!tpu.dma_semaphore, #tpu.memory_space<semaphore_mem>>)
        %dma_wait3A_252 = tpu.memref_slice %arg13[%run_scoped3A_107, %mul3A_106] : memref<16x32768xf32, #tpu.memory_space<vmem_shared>> -> memref<1x2048xf32, #tpu.memory_space<vmem_shared>>
        %dma_wait3A_253 = tpu.memref_squeeze %dma_wait3A_252 : memref<1x2048xf32, #tpu.memory_space<vmem_shared>> -> memref<2048xf32, #tpu.memory_space<vmem_shared>>
        %dma_wait3A_254 = tpu.memref_slice %arg13[%run_scoped3A_107, %mul3A_106] : memref<16x32768xf32, #tpu.memory_space<vmem_shared>> -> memref<1x2048xf32, #tpu.memory_space<vmem_shared>>
        %dma_wait3A_255 = tpu.memref_squeeze %dma_wait3A_254 : memref<1x2048xf32, #tpu.memory_space<vmem_shared>> -> memref<2048xf32, #tpu.memory_space<vmem_shared>>
        tpu.wait_dma2 semaphore(%run_scoped3A_247 : memref<!tpu.dma_semaphore, #tpu.memory_space<semaphore_mem>>) src(%dma_wait3A_255 : memref<2048xf32, #tpu.memory_space<vmem_shared>>) dst(%arg11 : memref<2048xf32, #tpu.memory_space<vmem>>)
        tpu.yield
      }) : () -> ()
      %scan3A_108 = arith.constant 0 : i32
      %scan3A_109 = arith.constant 0 : i32
      %scan3A_110 = arith.constant 128 : i32
      %scan3A_111 = arith.addi %scan3A_109, %scan3A_110 : i32
      %scan3A_112 = arith.constant 1 : i32
      %scan3A_113 = scf.for %scan3A_247 = %scan3A_109 to %scan3A_111 step %scan3A_112 iter_args(%scan3A_248 = %scan3A_108) -> (i32)  : i32 {
        %mul3A_249 = arith.constant 16 : i32
        %mul3A_250 = arith.muli %scan3A_247, %mul3A_249 : i32
        %get3A_251 = arith.index_cast %mul3A_250 : i32 to index
        %get3A_252 = tpu.vector_load %arg12[%get3A_251] {strides = array<i32>} : memref<2048xf32, #tpu.memory_space<vmem>>, vector<16xf32>,
        %get3A_253 = vector.shape_cast %get3A_252 : vector<16xf32> to vector<16xf32>
        %get3A_254 = arith.index_cast %mul3A_250 : i32 to index
        %get3A_255 = tpu.vector_load %arg11[%get3A_254] {strides = array<i32>} : memref<2048xf32, #tpu.memory_space<vmem>>, vector<16xf32>,
        %get3A_256 = vector.shape_cast %get3A_255 : vector<16xf32> to vector<16xf32>
        %max3A = arith.maximumf %get3A_253, %get3A_256 : vector<16xf32>
        %swap3A_257 = arith.index_cast %mul3A_250 : i32 to index
        %swap3A_258 = tpu.vector_load %arg12[%swap3A_257] {strides = array<i32>} : memref<2048xf32, #tpu.memory_space<vmem>>, vector<16xf32>,
        %swap3A_259 = vector.shape_cast %swap3A_258 : vector<16xf32> to vector<16xf32>
        %swap3A_260 = vector.shape_cast %max3A : vector<16xf32> to vector<16xf32>
        tpu.vector_store %arg12[%swap3A_257], %swap3A_260 {strides = array<i32>} : memref<2048xf32, #tpu.memory_space<vmem>>, vector<16xf32>,
        %scan3A_261 = arith.constant 0 : i32
        scf.yield %scan3A_261 : i32
      }
      %scan3A_114 = arith.constant 128 : i32
      %mul3A_115 = arith.constant 128 : i32
      %mul3A_116 = arith.muli %mul3A_92, %mul3A_115 : i32
      %run_scoped3A_117 = arith.constant 3 : i32
      "tpu.region"() ({
        %run_scoped3A_247 = tpu.sem_alloc : memref<!tpu.dma_semaphore, #tpu.memory_space<semaphore_mem>>
        %dma_start3A_248 = tpu.memref_slice %arg13[%run_scoped3A_117, %mul3A_116] : memref<16x32768xf32, #tpu.memory_space<vmem_shared>> -> memref<1x2048xf32, #tpu.memory_space<vmem_shared>>
        %dma_start3A_249 = tpu.memref_squeeze %dma_start3A_248 : memref<1x2048xf32, #tpu.memory_space<vmem_shared>> -> memref<2048xf32, #tpu.memory_space<vmem_shared>>
        %dma_start3A_250 = tpu.memref_slice %arg13[%run_scoped3A_117, %mul3A_116] : memref<16x32768xf32, #tpu.memory_space<vmem_shared>> -> memref<1x2048xf32, #tpu.memory_space<vmem_shared>>
        %dma_start3A_251 = tpu.memref_squeeze %dma_start3A_250 : memref<1x2048xf32, #tpu.memory_space<vmem_shared>> -> memref<2048xf32, #tpu.memory_space<vmem_shared>>
        tpu.enqueue_dma source(%dma_start3A_251 : memref<2048xf32, #tpu.memory_space<vmem_shared>>) target(%arg11 : memref<2048xf32, #tpu.memory_space<vmem>>) target_semaphore(%run_scoped3A_247 : memref<!tpu.dma_semaphore, #tpu.memory_space<semaphore_mem>>)
        %dma_wait3A_252 = tpu.memref_slice %arg13[%run_scoped3A_117, %mul3A_116] : memref<16x32768xf32, #tpu.memory_space<vmem_shared>> -> memref<1x2048xf32, #tpu.memory_space<vmem_shared>>
        %dma_wait3A_253 = tpu.memref_squeeze %dma_wait3A_252 : memref<1x2048xf32, #tpu.memory_space<vmem_shared>> -> memref<2048xf32, #tpu.memory_space<vmem_shared>>
        %dma_wait3A_254 = tpu.memref_slice %arg13[%run_scoped3A_117, %mul3A_116] : memref<16x32768xf32, #tpu.memory_space<vmem_shared>> -> memref<1x2048xf32, #tpu.memory_space<vmem_shared>>
        %dma_wait3A_255 = tpu.memref_squeeze %dma_wait3A_254 : memref<1x2048xf32, #tpu.memory_space<vmem_shared>> -> memref<2048xf32, #tpu.memory_space<vmem_shared>>
        tpu.wait_dma2 semaphore(%run_scoped3A_247 : memref<!tpu.dma_semaphore, #tpu.memory_space<semaphore_mem>>) src(%dma_wait3A_255 : memref<2048xf32, #tpu.memory_space<vmem_shared>>) dst(%arg11 : memref<2048xf32, #tpu.memory_space<vmem>>)
        tpu.yield
      }) : () -> ()
      %scan3A_118 = arith.constant 0 : i32
      %scan3A_119 = arith.constant 0 : i32
      %scan3A_120 = arith.constant 128 : i32
      %scan3A_121 = arith.addi %scan3A_119, %scan3A_120 : i32
      %scan3A_122 = arith.constant 1 : i32
      %scan3A_123 = scf.for %scan3A_247 = %scan3A_119 to %scan3A_121 step %scan3A_122 iter_args(%scan3A_248 = %scan3A_118) -> (i32)  : i32 {
        %mul3A_249 = arith.constant 16 : i32
        %mul3A_250 = arith.muli %scan3A_247, %mul3A_249 : i32
        %get3A_251 = arith.index_cast %mul3A_250 : i32 to index
        %get3A_252 = tpu.vector_load %arg12[%get3A_251] {strides = array<i32>} : memref<2048xf32, #tpu.memory_space<vmem>>, vector<16xf32>,
        %get3A_253 = vector.shape_cast %get3A_252 : vector<16xf32> to vector<16xf32>
        %get3A_254 = arith.index_cast %mul3A_250 : i32 to index
        %get3A_255 = tpu.vector_load %arg11[%get3A_254] {strides = array<i32>} : memref<2048xf32, #tpu.memory_space<vmem>>, vector<16xf32>,
        %get3A_256 = vector.shape_cast %get3A_255 : vector<16xf32> to vector<16xf32>
        %max3A = arith.maximumf %get3A_253, %get3A_256 : vector<16xf32>
        %swap3A_257 = arith.index_cast %mul3A_250 : i32 to index
        %swap3A_258 = tpu.vector_load %arg12[%swap3A_257] {strides = array<i32>} : memref<2048xf32, #tpu.memory_space<vmem>>, vector<16xf32>,
        %swap3A_259 = vector.shape_cast %swap3A_258 : vector<16xf32> to vector<16xf32>
        %swap3A_260 = vector.shape_cast %max3A : vector<16xf32> to vector<16xf32>
        tpu.vector_store %arg12[%swap3A_257], %swap3A_260 {strides = array<i32>} : memref<2048xf32, #tpu.memory_space<vmem>>, vector<16xf32>,
        %scan3A_261 = arith.constant 0 : i32
        scf.yield %scan3A_261 : i32
      }
      %scan3A_124 = arith.constant 128 : i32
      %mul3A_125 = arith.constant 128 : i32
      %mul3A_126 = arith.muli %mul3A_92, %mul3A_125 : i32
      %run_scoped3A_127 = arith.constant 4 : i32
      "tpu.region"() ({
        %run_scoped3A_247 = tpu.sem_alloc : memref<!tpu.dma_semaphore, #tpu.memory_space<semaphore_mem>>
        %dma_start3A_248 = tpu.memref_slice %arg13[%run_scoped3A_127, %mul3A_126] : memref<16x32768xf32, #tpu.memory_space<vmem_shared>> -> memref<1x2048xf32, #tpu.memory_space<vmem_shared>>
        %dma_start3A_249 = tpu.memref_squeeze %dma_start3A_248 : memref<1x2048xf32, #tpu.memory_space<vmem_shared>> -> memref<2048xf32, #tpu.memory_space<vmem_shared>>
        %dma_start3A_250 = tpu.memref_slice %arg13[%run_scoped3A_127, %mul3A_126] : memref<16x32768xf32, #tpu.memory_space<vmem_shared>> -> memref<1x2048xf32, #tpu.memory_space<vmem_shared>>
        %dma_start3A_251 = tpu.memref_squeeze %dma_start3A_250 : memref<1x2048xf32, #tpu.memory_space<vmem_shared>> -> memref<2048xf32, #tpu.memory_space<vmem_shared>>
        tpu.enqueue_dma source(%dma_start3A_251 : memref<2048xf32, #tpu.memory_space<vmem_shared>>) target(%arg11 : memref<2048xf32, #tpu.memory_space<vmem>>) target_semaphore(%run_scoped3A_247 : memref<!tpu.dma_semaphore, #tpu.memory_space<semaphore_mem>>)
        %dma_wait3A_252 = tpu.memref_slice %arg13[%run_scoped3A_127, %mul3A_126] : memref<16x32768xf32, #tpu.memory_space<vmem_shared>> -> memref<1x2048xf32, #tpu.memory_space<vmem_shared>>
        %dma_wait3A_253 = tpu.memref_squeeze %dma_wait3A_252 : memref<1x2048xf32, #tpu.memory_space<vmem_shared>> -> memref<2048xf32, #tpu.memory_space<vmem_shared>>
        %dma_wait3A_254 = tpu.memref_slice %arg13[%run_scoped3A_127, %mul3A_126] : memref<16x32768xf32, #tpu.memory_space<vmem_shared>> -> memref<1x2048xf32, #tpu.memory_space<vmem_shared>>
        %dma_wait3A_255 = tpu.memref_squeeze %dma_wait3A_254 : memref<1x2048xf32, #tpu.memory_space<vmem_shared>> -> memref<2048xf32, #tpu.memory_space<vmem_shared>>
        tpu.wait_dma2 semaphore(%run_scoped3A_247 : memref<!tpu.dma_semaphore, #tpu.memory_space<semaphore_mem>>) src(%dma_wait3A_255 : memref<2048xf32, #tpu.memory_space<vmem_shared>>) dst(%arg11 : memref<2048xf32, #tpu.memory_space<vmem>>)
        tpu.yield
      }) : () -> ()
      %scan3A_128 = arith.constant 0 : i32
      %scan3A_129 = arith.constant 0 : i32
      %scan3A_130 = arith.constant 128 : i32
      %scan3A_131 = arith.addi %scan3A_129, %scan3A_130 : i32
      %scan3A_132 = arith.constant 1 : i32
      %scan3A_133 = scf.for %scan3A_247 = %scan3A_129 to %scan3A_131 step %scan3A_132 iter_args(%scan3A_248 = %scan3A_128) -> (i32)  : i32 {
        %mul3A_249 = arith.constant 16 : i32
        %mul3A_250 = arith.muli %scan3A_247, %mul3A_249 : i32
        %get3A_251 = arith.index_cast %mul3A_250 : i32 to index
        %get3A_252 = tpu.vector_load %arg12[%get3A_251] {strides = array<i32>} : memref<2048xf32, #tpu.memory_space<vmem>>, vector<16xf32>,
        %get3A_253 = vector.shape_cast %get3A_252 : vector<16xf32> to vector<16xf32>
        %get3A_254 = arith.index_cast %mul3A_250 : i32 to index
        %get3A_255 = tpu.vector_load %arg11[%get3A_254] {strides = array<i32>} : memref<2048xf32, #tpu.memory_space<vmem>>, vector<16xf32>,
        %get3A_256 = vector.shape_cast %get3A_255 : vector<16xf32> to vector<16xf32>
        %max3A = arith.maximumf %get3A_253, %get3A_256 : vector<16xf32>
        %swap3A_257 = arith.index_cast %mul3A_250 : i32 to index
        %swap3A_258 = tpu.vector_load %arg12[%swap3A_257] {strides = array<i32>} : memref<2048xf32, #tpu.memory_space<vmem>>, vector<16xf32>,
        %swap3A_259 = vector.shape_cast %swap3A_258 : vector<16xf32> to vector<16xf32>
        %swap3A_260 = vector.shape_cast %max3A : vector<16xf32> to vector<16xf32>
        tpu.vector_store %arg12[%swap3A_257], %swap3A_260 {strides = array<i32>} : memref<2048xf32, #tpu.memory_space<vmem>>, vector<16xf32>,
        %scan3A_261 = arith.constant 0 : i32
        scf.yield %scan3A_261 : i32
      }
      %scan3A_134 = arith.constant 128 : i32
      %mul3A_135 = arith.constant 128 : i32
      %mul3A_136 = arith.muli %mul3A_92, %mul3A_135 : i32
      %run_scoped3A_137 = arith.constant 5 : i32
      "tpu.region"() ({
        %run_scoped3A_247 = tpu.sem_alloc : memref<!tpu.dma_semaphore, #tpu.memory_space<semaphore_mem>>
        %dma_start3A_248 = tpu.memref_slice %arg13[%run_scoped3A_137, %mul3A_136] : memref<16x32768xf32, #tpu.memory_space<vmem_shared>> -> memref<1x2048xf32, #tpu.memory_space<vmem_shared>>
        %dma_start3A_249 = tpu.memref_squeeze %dma_start3A_248 : memref<1x2048xf32, #tpu.memory_space<vmem_shared>> -> memref<2048xf32, #tpu.memory_space<vmem_shared>>
        %dma_start3A_250 = tpu.memref_slice %arg13[%run_scoped3A_137, %mul3A_136] : memref<16x32768xf32, #tpu.memory_space<vmem_shared>> -> memref<1x2048xf32, #tpu.memory_space<vmem_shared>>
        %dma_start3A_251 = tpu.memref_squeeze %dma_start3A_250 : memref<1x2048xf32, #tpu.memory_space<vmem_shared>> -> memref<2048xf32, #tpu.memory_space<vmem_shared>>
        tpu.enqueue_dma source(%dma_start3A_251 : memref<2048xf32, #tpu.memory_space<vmem_shared>>) target(%arg11 : memref<2048xf32, #tpu.memory_space<vmem>>) target_semaphore(%run_scoped3A_247 : memref<!tpu.dma_semaphore, #tpu.memory_space<semaphore_mem>>)
        %dma_wait3A_252 = tpu.memref_slice %arg13[%run_scoped3A_137, %mul3A_136] : memref<16x32768xf32, #tpu.memory_space<vmem_shared>> -> memref<1x2048xf32, #tpu.memory_space<vmem_shared>>
        %dma_wait3A_253 = tpu.memref_squeeze %dma_wait3A_252 : memref<1x2048xf32, #tpu.memory_space<vmem_shared>> -> memref<2048xf32, #tpu.memory_space<vmem_shared>>
        %dma_wait3A_254 = tpu.memref_slice %arg13[%run_scoped3A_137, %mul3A_136] : memref<16x32768xf32, #tpu.memory_space<vmem_shared>> -> memref<1x2048xf32, #tpu.memory_space<vmem_shared>>
        %dma_wait3A_255 = tpu.memref_squeeze %dma_wait3A_254 : memref<1x2048xf32, #tpu.memory_space<vmem_shared>> -> memref<2048xf32, #tpu.memory_space<vmem_shared>>
        tpu.wait_dma2 semaphore(%run_scoped3A_247 : memref<!tpu.dma_semaphore, #tpu.memory_space<semaphore_mem>>) src(%dma_wait3A_255 : memref<2048xf32, #tpu.memory_space<vmem_shared>>) dst(%arg11 : memref<2048xf32, #tpu.memory_space<vmem>>)
        tpu.yield
      }) : () -> ()
      %scan3A_138 = arith.constant 0 : i32
      %scan3A_139 = arith.constant 0 : i32
      %scan3A_140 = arith.constant 128 : i32
      %scan3A_141 = arith.addi %scan3A_139, %scan3A_140 : i32
      %scan3A_142 = arith.constant 1 : i32
      %scan3A_143 = scf.for %scan3A_247 = %scan3A_139 to %scan3A_141 step %scan3A_142 iter_args(%scan3A_248 = %scan3A_138) -> (i32)  : i32 {
        %mul3A_249 = arith.constant 16 : i32
        %mul3A_250 = arith.muli %scan3A_247, %mul3A_249 : i32
        %get3A_251 = arith.index_cast %mul3A_250 : i32 to index
        %get3A_252 = tpu.vector_load %arg12[%get3A_251] {strides = array<i32>} : memref<2048xf32, #tpu.memory_space<vmem>>, vector<16xf32>,
        %get3A_253 = vector.shape_cast %get3A_252 : vector<16xf32> to vector<16xf32>
        %get3A_254 = arith.index_cast %mul3A_250 : i32 to index
        %get3A_255 = tpu.vector_load %arg11[%get3A_254] {strides = array<i32>} : memref<2048xf32, #tpu.memory_space<vmem>>, vector<16xf32>,
        %get3A_256 = vector.shape_cast %get3A_255 : vector<16xf32> to vector<16xf32>
        %max3A = arith.maximumf %get3A_253, %get3A_256 : vector<16xf32>
        %swap3A_257 = arith.index_cast %mul3A_250 : i32 to index
        %swap3A_258 = tpu.vector_load %arg12[%swap3A_257] {strides = array<i32>} : memref<2048xf32, #tpu.memory_space<vmem>>, vector<16xf32>,
        %swap3A_259 = vector.shape_cast %swap3A_258 : vector<16xf32> to vector<16xf32>
        %swap3A_260 = vector.shape_cast %max3A : vector<16xf32> to vector<16xf32>
        tpu.vector_store %arg12[%swap3A_257], %swap3A_260 {strides = array<i32>} : memref<2048xf32, #tpu.memory_space<vmem>>, vector<16xf32>,
        %scan3A_261 = arith.constant 0 : i32
        scf.yield %scan3A_261 : i32
      }
      %scan3A_144 = arith.constant 128 : i32
      %mul3A_145 = arith.constant 128 : i32
      %mul3A_146 = arith.muli %mul3A_92, %mul3A_145 : i32
      %run_scoped3A_147 = arith.constant 6 : i32
      "tpu.region"() ({
        %run_scoped3A_247 = tpu.sem_alloc : memref<!tpu.dma_semaphore, #tpu.memory_space<semaphore_mem>>
        %dma_start3A_248 = tpu.memref_slice %arg13[%run_scoped3A_147, %mul3A_146] : memref<16x32768xf32, #tpu.memory_space<vmem_shared>> -> memref<1x2048xf32, #tpu.memory_space<vmem_shared>>
        %dma_start3A_249 = tpu.memref_squeeze %dma_start3A_248 : memref<1x2048xf32, #tpu.memory_space<vmem_shared>> -> memref<2048xf32, #tpu.memory_space<vmem_shared>>
        %dma_start3A_250 = tpu.memref_slice %arg13[%run_scoped3A_147, %mul3A_146] : memref<16x32768xf32, #tpu.memory_space<vmem_shared>> -> memref<1x2048xf32, #tpu.memory_space<vmem_shared>>
        %dma_start3A_251 = tpu.memref_squeeze %dma_start3A_250 : memref<1x2048xf32, #tpu.memory_space<vmem_shared>> -> memref<2048xf32, #tpu.memory_space<vmem_shared>>
        tpu.enqueue_dma source(%dma_start3A_251 : memref<2048xf32, #tpu.memory_space<vmem_shared>>) target(%arg11 : memref<2048xf32, #tpu.memory_space<vmem>>) target_semaphore(%run_scoped3A_247 : memref<!tpu.dma_semaphore, #tpu.memory_space<semaphore_mem>>)
        %dma_wait3A_252 = tpu.memref_slice %arg13[%run_scoped3A_147, %mul3A_146] : memref<16x32768xf32, #tpu.memory_space<vmem_shared>> -> memref<1x2048xf32, #tpu.memory_space<vmem_shared>>
        %dma_wait3A_253 = tpu.memref_squeeze %dma_wait3A_252 : memref<1x2048xf32, #tpu.memory_space<vmem_shared>> -> memref<2048xf32, #tpu.memory_space<vmem_shared>>
        %dma_wait3A_254 = tpu.memref_slice %arg13[%run_scoped3A_147, %mul3A_146] : memref<16x32768xf32, #tpu.memory_space<vmem_shared>> -> memref<1x2048xf32, #tpu.memory_space<vmem_shared>>
        %dma_wait3A_255 = tpu.memref_squeeze %dma_wait3A_254 : memref<1x2048xf32, #tpu.memory_space<vmem_shared>> -> memref<2048xf32, #tpu.memory_space<vmem_shared>>
        tpu.wait_dma2 semaphore(%run_scoped3A_247 : memref<!tpu.dma_semaphore, #tpu.memory_space<semaphore_mem>>) src(%dma_wait3A_255 : memref<2048xf32, #tpu.memory_space<vmem_shared>>) dst(%arg11 : memref<2048xf32, #tpu.memory_space<vmem>>)
        tpu.yield
      }) : () -> ()
      %scan3A_148 = arith.constant 0 : i32
      %scan3A_149 = arith.constant 0 : i32
      %scan3A_150 = arith.constant 128 : i32
      %scan3A_151 = arith.addi %scan3A_149, %scan3A_150 : i32
      %scan3A_152 = arith.constant 1 : i32
      %scan3A_153 = scf.for %scan3A_247 = %scan3A_149 to %scan3A_151 step %scan3A_152 iter_args(%scan3A_248 = %scan3A_148) -> (i32)  : i32 {
        %mul3A_249 = arith.constant 16 : i32
        %mul3A_250 = arith.muli %scan3A_247, %mul3A_249 : i32
        %get3A_251 = arith.index_cast %mul3A_250 : i32 to index
        %get3A_252 = tpu.vector_load %arg12[%get3A_251] {strides = array<i32>} : memref<2048xf32, #tpu.memory_space<vmem>>, vector<16xf32>,
        %get3A_253 = vector.shape_cast %get3A_252 : vector<16xf32> to vector<16xf32>
        %get3A_254 = arith.index_cast %mul3A_250 : i32 to index
        %get3A_255 = tpu.vector_load %arg11[%get3A_254] {strides = array<i32>} : memref<2048xf32, #tpu.memory_space<vmem>>, vector<16xf32>,
        %get3A_256 = vector.shape_cast %get3A_255 : vector<16xf32> to vector<16xf32>
        %max3A = arith.maximumf %get3A_253, %get3A_256 : vector<16xf32>
        %swap3A_257 = arith.index_cast %mul3A_250 : i32 to index
        %swap3A_258 = tpu.vector_load %arg12[%swap3A_257] {strides = array<i32>} : memref<2048xf32, #tpu.memory_space<vmem>>, vector<16xf32>,
        %swap3A_259 = vector.shape_cast %swap3A_258 : vector<16xf32> to vector<16xf32>
        %swap3A_260 = vector.shape_cast %max3A : vector<16xf32> to vector<16xf32>
        tpu.vector_store %arg12[%swap3A_257], %swap3A_260 {strides = array<i32>} : memref<2048xf32, #tpu.memory_space<vmem>>, vector<16xf32>,
        %scan3A_261 = arith.constant 0 : i32
        scf.yield %scan3A_261 : i32
      }
      %scan3A_154 = arith.constant 128 : i32
      %mul3A_155 = arith.constant 128 : i32
      %mul3A_156 = arith.muli %mul3A_92, %mul3A_155 : i32
      %run_scoped3A_157 = arith.constant 7 : i32
      "tpu.region"() ({
        %run_scoped3A_247 = tpu.sem_alloc : memref<!tpu.dma_semaphore, #tpu.memory_space<semaphore_mem>>
        %dma_start3A_248 = tpu.memref_slice %arg13[%run_scoped3A_157, %mul3A_156] : memref<16x32768xf32, #tpu.memory_space<vmem_shared>> -> memref<1x2048xf32, #tpu.memory_space<vmem_shared>>
        %dma_start3A_249 = tpu.memref_squeeze %dma_start3A_248 : memref<1x2048xf32, #tpu.memory_space<vmem_shared>> -> memref<2048xf32, #tpu.memory_space<vmem_shared>>
        %dma_start3A_250 = tpu.memref_slice %arg13[%run_scoped3A_157, %mul3A_156] : memref<16x32768xf32, #tpu.memory_space<vmem_shared>> -> memref<1x2048xf32, #tpu.memory_space<vmem_shared>>
        %dma_start3A_251 = tpu.memref_squeeze %dma_start3A_250 : memref<1x2048xf32, #tpu.memory_space<vmem_shared>> -> memref<2048xf32, #tpu.memory_space<vmem_shared>>
        tpu.enqueue_dma source(%dma_start3A_251 : memref<2048xf32, #tpu.memory_space<vmem_shared>>) target(%arg11 : memref<2048xf32, #tpu.memory_space<vmem>>) target_semaphore(%run_scoped3A_247 : memref<!tpu.dma_semaphore, #tpu.memory_space<semaphore_mem>>)
        %dma_wait3A_252 = tpu.memref_slice %arg13[%run_scoped3A_157, %mul3A_156] : memref<16x32768xf32, #tpu.memory_space<vmem_shared>> -> memref<1x2048xf32, #tpu.memory_space<vmem_shared>>
        %dma_wait3A_253 = tpu.memref_squeeze %dma_wait3A_252 : memref<1x2048xf32, #tpu.memory_space<vmem_shared>> -> memref<2048xf32, #tpu.memory_space<vmem_shared>>
        %dma_wait3A_254 = tpu.memref_slice %arg13[%run_scoped3A_157, %mul3A_156] : memref<16x32768xf32, #tpu.memory_space<vmem_shared>> -> memref<1x2048xf32, #tpu.memory_space<vmem_shared>>
        %dma_wait3A_255 = tpu.memref_squeeze %dma_wait3A_254 : memref<1x2048xf32, #tpu.memory_space<vmem_shared>> -> memref<2048xf32, #tpu.memory_space<vmem_shared>>
        tpu.wait_dma2 semaphore(%run_scoped3A_247 : memref<!tpu.dma_semaphore, #tpu.memory_space<semaphore_mem>>) src(%dma_wait3A_255 : memref<2048xf32, #tpu.memory_space<vmem_shared>>) dst(%arg11 : memref<2048xf32, #tpu.memory_space<vmem>>)
        tpu.yield
      }) : () -> ()
      %scan3A_158 = arith.constant 0 : i32
      %scan3A_159 = arith.constant 0 : i32
      %scan3A_160 = arith.constant 128 : i32
      %scan3A_161 = arith.addi %scan3A_159, %scan3A_160 : i32
      %scan3A_162 = arith.constant 1 : i32
      %scan3A_163 = scf.for %scan3A_247 = %scan3A_159 to %scan3A_161 step %scan3A_162 iter_args(%scan3A_248 = %scan3A_158) -> (i32)  : i32 {
        %mul3A_249 = arith.constant 16 : i32
        %mul3A_250 = arith.muli %scan3A_247, %mul3A_249 : i32
        %get3A_251 = arith.index_cast %mul3A_250 : i32 to index
        %get3A_252 = tpu.vector_load %arg12[%get3A_251] {strides = array<i32>} : memref<2048xf32, #tpu.memory_space<vmem>>, vector<16xf32>,
        %get3A_253 = vector.shape_cast %get3A_252 : vector<16xf32> to vector<16xf32>
        %get3A_254 = arith.index_cast %mul3A_250 : i32 to index
        %get3A_255 = tpu.vector_load %arg11[%get3A_254] {strides = array<i32>} : memref<2048xf32, #tpu.memory_space<vmem>>, vector<16xf32>,
        %get3A_256 = vector.shape_cast %get3A_255 : vector<16xf32> to vector<16xf32>
        %max3A = arith.maximumf %get3A_253, %get3A_256 : vector<16xf32>
        %swap3A_257 = arith.index_cast %mul3A_250 : i32 to index
        %swap3A_258 = tpu.vector_load %arg12[%swap3A_257] {strides = array<i32>} : memref<2048xf32, #tpu.memory_space<vmem>>, vector<16xf32>,
        %swap3A_259 = vector.shape_cast %swap3A_258 : vector<16xf32> to vector<16xf32>
        %swap3A_260 = vector.shape_cast %max3A : vector<16xf32> to vector<16xf32>
        tpu.vector_store %arg12[%swap3A_257], %swap3A_260 {strides = array<i32>} : memref<2048xf32, #tpu.memory_space<vmem>>, vector<16xf32>,
        %scan3A_261 = arith.constant 0 : i32
        scf.yield %scan3A_261 : i32
      }
      %scan3A_164 = arith.constant 128 : i32
      %mul3A_165 = arith.constant 128 : i32
      %mul3A_166 = arith.muli %mul3A_92, %mul3A_165 : i32
      %run_scoped3A_167 = arith.constant 8 : i32
      "tpu.region"() ({
        %run_scoped3A_247 = tpu.sem_alloc : memref<!tpu.dma_semaphore, #tpu.memory_space<semaphore_mem>>
        %dma_start3A_248 = tpu.memref_slice %arg13[%run_scoped3A_167, %mul3A_166] : memref<16x32768xf32, #tpu.memory_space<vmem_shared>> -> memref<1x2048xf32, #tpu.memory_space<vmem_shared>>
        %dma_start3A_249 = tpu.memref_squeeze %dma_start3A_248 : memref<1x2048xf32, #tpu.memory_space<vmem_shared>> -> memref<2048xf32, #tpu.memory_space<vmem_shared>>
        %dma_start3A_250 = tpu.memref_slice %arg13[%run_scoped3A_167, %mul3A_166] : memref<16x32768xf32, #tpu.memory_space<vmem_shared>> -> memref<1x2048xf32, #tpu.memory_space<vmem_shared>>
        %dma_start3A_251 = tpu.memref_squeeze %dma_start3A_250 : memref<1x2048xf32, #tpu.memory_space<vmem_shared>> -> memref<2048xf32, #tpu.memory_space<vmem_shared>>
        tpu.enqueue_dma source(%dma_start3A_251 : memref<2048xf32, #tpu.memory_space<vmem_shared>>) target(%arg11 : memref<2048xf32, #tpu.memory_space<vmem>>) target_semaphore(%run_scoped3A_247 : memref<!tpu.dma_semaphore, #tpu.memory_space<semaphore_mem>>)
        %dma_wait3A_252 = tpu.memref_slice %arg13[%run_scoped3A_167, %mul3A_166] : memref<16x32768xf32, #tpu.memory_space<vmem_shared>> -> memref<1x2048xf32, #tpu.memory_space<vmem_shared>>
        %dma_wait3A_253 = tpu.memref_squeeze %dma_wait3A_252 : memref<1x2048xf32, #tpu.memory_space<vmem_shared>> -> memref<2048xf32, #tpu.memory_space<vmem_shared>>
        %dma_wait3A_254 = tpu.memref_slice %arg13[%run_scoped3A_167, %mul3A_166] : memref<16x32768xf32, #tpu.memory_space<vmem_shared>> -> memref<1x2048xf32, #tpu.memory_space<vmem_shared>>
        %dma_wait3A_255 = tpu.memref_squeeze %dma_wait3A_254 : memref<1x2048xf32, #tpu.memory_space<vmem_shared>> -> memref<2048xf32, #tpu.memory_space<vmem_shared>>
        tpu.wait_dma2 semaphore(%run_scoped3A_247 : memref<!tpu.dma_semaphore, #tpu.memory_space<semaphore_mem>>) src(%dma_wait3A_255 : memref<2048xf32, #tpu.memory_space<vmem_shared>>) dst(%arg11 : memref<2048xf32, #tpu.memory_space<vmem>>)
        tpu.yield
      }) : () -> ()
      %scan3A_168 = arith.constant 0 : i32
      %scan3A_169 = arith.constant 0 : i32
      %scan3A_170 = arith.constant 128 : i32
      %scan3A_171 = arith.addi %scan3A_169, %scan3A_170 : i32
      %scan3A_172 = arith.constant 1 : i32
      %scan3A_173 = scf.for %scan3A_247 = %scan3A_169 to %scan3A_171 step %scan3A_172 iter_args(%scan3A_248 = %scan3A_168) -> (i32)  : i32 {
        %mul3A_249 = arith.constant 16 : i32
        %mul3A_250 = arith.muli %scan3A_247, %mul3A_249 : i32
        %get3A_251 = arith.index_cast %mul3A_250 : i32 to index
        %get3A_252 = tpu.vector_load %arg12[%get3A_251] {strides = array<i32>} : memref<2048xf32, #tpu.memory_space<vmem>>, vector<16xf32>,
        %get3A_253 = vector.shape_cast %get3A_252 : vector<16xf32> to vector<16xf32>
        %get3A_254 = arith.index_cast %mul3A_250 : i32 to index
        %get3A_255 = tpu.vector_load %arg11[%get3A_254] {strides = array<i32>} : memref<2048xf32, #tpu.memory_space<vmem>>, vector<16xf32>,
        %get3A_256 = vector.shape_cast %get3A_255 : vector<16xf32> to vector<16xf32>
        %max3A = arith.maximumf %get3A_253, %get3A_256 : vector<16xf32>
        %swap3A_257 = arith.index_cast %mul3A_250 : i32 to index
        %swap3A_258 = tpu.vector_load %arg12[%swap3A_257] {strides = array<i32>} : memref<2048xf32, #tpu.memory_space<vmem>>, vector<16xf32>,
        %swap3A_259 = vector.shape_cast %swap3A_258 : vector<16xf32> to vector<16xf32>
        %swap3A_260 = vector.shape_cast %max3A : vector<16xf32> to vector<16xf32>
        tpu.vector_store %arg12[%swap3A_257], %swap3A_260 {strides = array<i32>} : memref<2048xf32, #tpu.memory_space<vmem>>, vector<16xf32>,
        %scan3A_261 = arith.constant 0 : i32
        scf.yield %scan3A_261 : i32
      }
      %scan3A_174 = arith.constant 128 : i32
      %mul3A_175 = arith.constant 128 : i32
      %mul3A_176 = arith.muli %mul3A_92, %mul3A_175 : i32
      %run_scoped3A_177 = arith.constant 9 : i32
      "tpu.region"() ({
        %run_scoped3A_247 = tpu.sem_alloc : memref<!tpu.dma_semaphore, #tpu.memory_space<semaphore_mem>>
        %dma_start3A_248 = tpu.memref_slice %arg13[%run_scoped3A_177, %mul3A_176] : memref<16x32768xf32, #tpu.memory_space<vmem_shared>> -> memref<1x2048xf32, #tpu.memory_space<vmem_shared>>
        %dma_start3A_249 = tpu.memref_squeeze %dma_start3A_248 : memref<1x2048xf32, #tpu.memory_space<vmem_shared>> -> memref<2048xf32, #tpu.memory_space<vmem_shared>>
        %dma_start3A_250 = tpu.memref_slice %arg13[%run_scoped3A_177, %mul3A_176] : memref<16x32768xf32, #tpu.memory_space<vmem_shared>> -> memref<1x2048xf32, #tpu.memory_space<vmem_shared>>
        %dma_start3A_251 = tpu.memref_squeeze %dma_start3A_250 : memref<1x2048xf32, #tpu.memory_space<vmem_shared>> -> memref<2048xf32, #tpu.memory_space<vmem_shared>>
        tpu.enqueue_dma source(%dma_start3A_251 : memref<2048xf32, #tpu.memory_space<vmem_shared>>) target(%arg11 : memref<2048xf32, #tpu.memory_space<vmem>>) target_semaphore(%run_scoped3A_247 : memref<!tpu.dma_semaphore, #tpu.memory_space<semaphore_mem>>)
        %dma_wait3A_252 = tpu.memref_slice %arg13[%run_scoped3A_177, %mul3A_176] : memref<16x32768xf32, #tpu.memory_space<vmem_shared>> -> memref<1x2048xf32, #tpu.memory_space<vmem_shared>>
        %dma_wait3A_253 = tpu.memref_squeeze %dma_wait3A_252 : memref<1x2048xf32, #tpu.memory_space<vmem_shared>> -> memref<2048xf32, #tpu.memory_space<vmem_shared>>
        %dma_wait3A_254 = tpu.memref_slice %arg13[%run_scoped3A_177, %mul3A_176] : memref<16x32768xf32, #tpu.memory_space<vmem_shared>> -> memref<1x2048xf32, #tpu.memory_space<vmem_shared>>
        %dma_wait3A_255 = tpu.memref_squeeze %dma_wait3A_254 : memref<1x2048xf32, #tpu.memory_space<vmem_shared>> -> memref<2048xf32, #tpu.memory_space<vmem_shared>>
        tpu.wait_dma2 semaphore(%run_scoped3A_247 : memref<!tpu.dma_semaphore, #tpu.memory_space<semaphore_mem>>) src(%dma_wait3A_255 : memref<2048xf32, #tpu.memory_space<vmem_shared>>) dst(%arg11 : memref<2048xf32, #tpu.memory_space<vmem>>)
        tpu.yield
      }) : () -> ()
      %scan3A_178 = arith.constant 0 : i32
      %scan3A_179 = arith.constant 0 : i32
      %scan3A_180 = arith.constant 128 : i32
      %scan3A_181 = arith.addi %scan3A_179, %scan3A_180 : i32
      %scan3A_182 = arith.constant 1 : i32
      %scan3A_183 = scf.for %scan3A_247 = %scan3A_179 to %scan3A_181 step %scan3A_182 iter_args(%scan3A_248 = %scan3A_178) -> (i32)  : i32 {
        %mul3A_249 = arith.constant 16 : i32
        %mul3A_250 = arith.muli %scan3A_247, %mul3A_249 : i32
        %get3A_251 = arith.index_cast %mul3A_250 : i32 to index
        %get3A_252 = tpu.vector_load %arg12[%get3A_251] {strides = array<i32>} : memref<2048xf32, #tpu.memory_space<vmem>>, vector<16xf32>,
        %get3A_253 = vector.shape_cast %get3A_252 : vector<16xf32> to vector<16xf32>
        %get3A_254 = arith.index_cast %mul3A_250 : i32 to index
        %get3A_255 = tpu.vector_load %arg11[%get3A_254] {strides = array<i32>} : memref<2048xf32, #tpu.memory_space<vmem>>, vector<16xf32>,
        %get3A_256 = vector.shape_cast %get3A_255 : vector<16xf32> to vector<16xf32>
        %max3A = arith.maximumf %get3A_253, %get3A_256 : vector<16xf32>
        %swap3A_257 = arith.index_cast %mul3A_250 : i32 to index
        %swap3A_258 = tpu.vector_load %arg12[%swap3A_257] {strides = array<i32>} : memref<2048xf32, #tpu.memory_space<vmem>>, vector<16xf32>,
        %swap3A_259 = vector.shape_cast %swap3A_258 : vector<16xf32> to vector<16xf32>
        %swap3A_260 = vector.shape_cast %max3A : vector<16xf32> to vector<16xf32>
        tpu.vector_store %arg12[%swap3A_257], %swap3A_260 {strides = array<i32>} : memref<2048xf32, #tpu.memory_space<vmem>>, vector<16xf32>,
        %scan3A_261 = arith.constant 0 : i32
        scf.yield %scan3A_261 : i32
      }
      %scan3A_184 = arith.constant 128 : i32
      %mul3A_185 = arith.constant 128 : i32
      %mul3A_186 = arith.muli %mul3A_92, %mul3A_185 : i32
      %run_scoped3A_187 = arith.constant 10 : i32
      "tpu.region"() ({
        %run_scoped3A_247 = tpu.sem_alloc : memref<!tpu.dma_semaphore, #tpu.memory_space<semaphore_mem>>
        %dma_start3A_248 = tpu.memref_slice %arg13[%run_scoped3A_187, %mul3A_186] : memref<16x32768xf32, #tpu.memory_space<vmem_shared>> -> memref<1x2048xf32, #tpu.memory_space<vmem_shared>>
        %dma_start3A_249 = tpu.memref_squeeze %dma_start3A_248 : memref<1x2048xf32, #tpu.memory_space<vmem_shared>> -> memref<2048xf32, #tpu.memory_space<vmem_shared>>
        %dma_start3A_250 = tpu.memref_slice %arg13[%run_scoped3A_187, %mul3A_186] : memref<16x32768xf32, #tpu.memory_space<vmem_shared>> -> memref<1x2048xf32, #tpu.memory_space<vmem_shared>>
        %dma_start3A_251 = tpu.memref_squeeze %dma_start3A_250 : memref<1x2048xf32, #tpu.memory_space<vmem_shared>> -> memref<2048xf32, #tpu.memory_space<vmem_shared>>
        tpu.enqueue_dma source(%dma_start3A_251 : memref<2048xf32, #tpu.memory_space<vmem_shared>>) target(%arg11 : memref<2048xf32, #tpu.memory_space<vmem>>) target_semaphore(%run_scoped3A_247 : memref<!tpu.dma_semaphore, #tpu.memory_space<semaphore_mem>>)
        %dma_wait3A_252 = tpu.memref_slice %arg13[%run_scoped3A_187, %mul3A_186] : memref<16x32768xf32, #tpu.memory_space<vmem_shared>> -> memref<1x2048xf32, #tpu.memory_space<vmem_shared>>
        %dma_wait3A_253 = tpu.memref_squeeze %dma_wait3A_252 : memref<1x2048xf32, #tpu.memory_space<vmem_shared>> -> memref<2048xf32, #tpu.memory_space<vmem_shared>>
        %dma_wait3A_254 = tpu.memref_slice %arg13[%run_scoped3A_187, %mul3A_186] : memref<16x32768xf32, #tpu.memory_space<vmem_shared>> -> memref<1x2048xf32, #tpu.memory_space<vmem_shared>>
        %dma_wait3A_255 = tpu.memref_squeeze %dma_wait3A_254 : memref<1x2048xf32, #tpu.memory_space<vmem_shared>> -> memref<2048xf32, #tpu.memory_space<vmem_shared>>
        tpu.wait_dma2 semaphore(%run_scoped3A_247 : memref<!tpu.dma_semaphore, #tpu.memory_space<semaphore_mem>>) src(%dma_wait3A_255 : memref<2048xf32, #tpu.memory_space<vmem_shared>>) dst(%arg11 : memref<2048xf32, #tpu.memory_space<vmem>>)
        tpu.yield
      }) : () -> ()
      %scan3A_188 = arith.constant 0 : i32
      %scan3A_189 = arith.constant 0 : i32
      %scan3A_190 = arith.constant 128 : i32
      %scan3A_191 = arith.addi %scan3A_189, %scan3A_190 : i32
      %scan3A_192 = arith.constant 1 : i32
      %scan3A_193 = scf.for %scan3A_247 = %scan3A_189 to %scan3A_191 step %scan3A_192 iter_args(%scan3A_248 = %scan3A_188) -> (i32)  : i32 {
        %mul3A_249 = arith.constant 16 : i32
        %mul3A_250 = arith.muli %scan3A_247, %mul3A_249 : i32
        %get3A_251 = arith.index_cast %mul3A_250 : i32 to index
        %get3A_252 = tpu.vector_load %arg12[%get3A_251] {strides = array<i32>} : memref<2048xf32, #tpu.memory_space<vmem>>, vector<16xf32>,
        %get3A_253 = vector.shape_cast %get3A_252 : vector<16xf32> to vector<16xf32>
        %get3A_254 = arith.index_cast %mul3A_250 : i32 to index
        %get3A_255 = tpu.vector_load %arg11[%get3A_254] {strides = array<i32>} : memref<2048xf32, #tpu.memory_space<vmem>>, vector<16xf32>,
        %get3A_256 = vector.shape_cast %get3A_255 : vector<16xf32> to vector<16xf32>
        %max3A = arith.maximumf %get3A_253, %get3A_256 : vector<16xf32>
        %swap3A_257 = arith.index_cast %mul3A_250 : i32 to index
        %swap3A_258 = tpu.vector_load %arg12[%swap3A_257] {strides = array<i32>} : memref<2048xf32, #tpu.memory_space<vmem>>, vector<16xf32>,
        %swap3A_259 = vector.shape_cast %swap3A_258 : vector<16xf32> to vector<16xf32>
        %swap3A_260 = vector.shape_cast %max3A : vector<16xf32> to vector<16xf32>
        tpu.vector_store %arg12[%swap3A_257], %swap3A_260 {strides = array<i32>} : memref<2048xf32, #tpu.memory_space<vmem>>, vector<16xf32>,
        %scan3A_261 = arith.constant 0 : i32
        scf.yield %scan3A_261 : i32
      }
      %scan3A_194 = arith.constant 128 : i32
      %mul3A_195 = arith.constant 128 : i32
      %mul3A_196 = arith.muli %mul3A_92, %mul3A_195 : i32
      %run_scoped3A_197 = arith.constant 11 : i32
      "tpu.region"() ({
        %run_scoped3A_247 = tpu.sem_alloc : memref<!tpu.dma_semaphore, #tpu.memory_space<semaphore_mem>>
        %dma_start3A_248 = tpu.memref_slice %arg13[%run_scoped3A_197, %mul3A_196] : memref<16x32768xf32, #tpu.memory_space<vmem_shared>> -> memref<1x2048xf32, #tpu.memory_space<vmem_shared>>
        %dma_start3A_249 = tpu.memref_squeeze %dma_start3A_248 : memref<1x2048xf32, #tpu.memory_space<vmem_shared>> -> memref<2048xf32, #tpu.memory_space<vmem_shared>>
        %dma_start3A_250 = tpu.memref_slice %arg13[%run_scoped3A_197, %mul3A_196] : memref<16x32768xf32, #tpu.memory_space<vmem_shared>> -> memref<1x2048xf32, #tpu.memory_space<vmem_shared>>
        %dma_start3A_251 = tpu.memref_squeeze %dma_start3A_250 : memref<1x2048xf32, #tpu.memory_space<vmem_shared>> -> memref<2048xf32, #tpu.memory_space<vmem_shared>>
        tpu.enqueue_dma source(%dma_start3A_251 : memref<2048xf32, #tpu.memory_space<vmem_shared>>) target(%arg11 : memref<2048xf32, #tpu.memory_space<vmem>>) target_semaphore(%run_scoped3A_247 : memref<!tpu.dma_semaphore, #tpu.memory_space<semaphore_mem>>)
        %dma_wait3A_252 = tpu.memref_slice %arg13[%run_scoped3A_197, %mul3A_196] : memref<16x32768xf32, #tpu.memory_space<vmem_shared>> -> memref<1x2048xf32, #tpu.memory_space<vmem_shared>>
        %dma_wait3A_253 = tpu.memref_squeeze %dma_wait3A_252 : memref<1x2048xf32, #tpu.memory_space<vmem_shared>> -> memref<2048xf32, #tpu.memory_space<vmem_shared>>
        %dma_wait3A_254 = tpu.memref_slice %arg13[%run_scoped3A_197, %mul3A_196] : memref<16x32768xf32, #tpu.memory_space<vmem_shared>> -> memref<1x2048xf32, #tpu.memory_space<vmem_shared>>
        %dma_wait3A_255 = tpu.memref_squeeze %dma_wait3A_254 : memref<1x2048xf32, #tpu.memory_space<vmem_shared>> -> memref<2048xf32, #tpu.memory_space<vmem_shared>>
        tpu.wait_dma2 semaphore(%run_scoped3A_247 : memref<!tpu.dma_semaphore, #tpu.memory_space<semaphore_mem>>) src(%dma_wait3A_255 : memref<2048xf32, #tpu.memory_space<vmem_shared>>) dst(%arg11 : memref<2048xf32, #tpu.memory_space<vmem>>)
        tpu.yield
      }) : () -> ()
      %scan3A_198 = arith.constant 0 : i32
      %scan3A_199 = arith.constant 0 : i32
      %scan3A_200 = arith.constant 128 : i32
      %scan3A_201 = arith.addi %scan3A_199, %scan3A_200 : i32
      %scan3A_202 = arith.constant 1 : i32
      %scan3A_203 = scf.for %scan3A_247 = %scan3A_199 to %scan3A_201 step %scan3A_202 iter_args(%scan3A_248 = %scan3A_198) -> (i32)  : i32 {
        %mul3A_249 = arith.constant 16 : i32
        %mul3A_250 = arith.muli %scan3A_247, %mul3A_249 : i32
        %get3A_251 = arith.index_cast %mul3A_250 : i32 to index
        %get3A_252 = tpu.vector_load %arg12[%get3A_251] {strides = array<i32>} : memref<2048xf32, #tpu.memory_space<vmem>>, vector<16xf32>,
        %get3A_253 = vector.shape_cast %get3A_252 : vector<16xf32> to vector<16xf32>
        %get3A_254 = arith.index_cast %mul3A_250 : i32 to index
        %get3A_255 = tpu.vector_load %arg11[%get3A_254] {strides = array<i32>} : memref<2048xf32, #tpu.memory_space<vmem>>, vector<16xf32>,
        %get3A_256 = vector.shape_cast %get3A_255 : vector<16xf32> to vector<16xf32>
        %max3A = arith.maximumf %get3A_253, %get3A_256 : vector<16xf32>
        %swap3A_257 = arith.index_cast %mul3A_250 : i32 to index
        %swap3A_258 = tpu.vector_load %arg12[%swap3A_257] {strides = array<i32>} : memref<2048xf32, #tpu.memory_space<vmem>>, vector<16xf32>,
        %swap3A_259 = vector.shape_cast %swap3A_258 : vector<16xf32> to vector<16xf32>
        %swap3A_260 = vector.shape_cast %max3A : vector<16xf32> to vector<16xf32>
        tpu.vector_store %arg12[%swap3A_257], %swap3A_260 {strides = array<i32>} : memref<2048xf32, #tpu.memory_space<vmem>>, vector<16xf32>,
        %scan3A_261 = arith.constant 0 : i32
        scf.yield %scan3A_261 : i32
      }
      %scan3A_204 = arith.constant 128 : i32
      %mul3A_205 = arith.constant 128 : i32
      %mul3A_206 = arith.muli %mul3A_92, %mul3A_205 : i32
      %run_scoped3A_207 = arith.constant 12 : i32
      "tpu.region"() ({
        %run_scoped3A_247 = tpu.sem_alloc : memref<!tpu.dma_semaphore, #tpu.memory_space<semaphore_mem>>
        %dma_start3A_248 = tpu.memref_slice %arg13[%run_scoped3A_207, %mul3A_206] : memref<16x32768xf32, #tpu.memory_space<vmem_shared>> -> memref<1x2048xf32, #tpu.memory_space<vmem_shared>>
        %dma_start3A_249 = tpu.memref_squeeze %dma_start3A_248 : memref<1x2048xf32, #tpu.memory_space<vmem_shared>> -> memref<2048xf32, #tpu.memory_space<vmem_shared>>
        %dma_start3A_250 = tpu.memref_slice %arg13[%run_scoped3A_207, %mul3A_206] : memref<16x32768xf32, #tpu.memory_space<vmem_shared>> -> memref<1x2048xf32, #tpu.memory_space<vmem_shared>>
        %dma_start3A_251 = tpu.memref_squeeze %dma_start3A_250 : memref<1x2048xf32, #tpu.memory_space<vmem_shared>> -> memref<2048xf32, #tpu.memory_space<vmem_shared>>
        tpu.enqueue_dma source(%dma_start3A_251 : memref<2048xf32, #tpu.memory_space<vmem_shared>>) target(%arg11 : memref<2048xf32, #tpu.memory_space<vmem>>) target_semaphore(%run_scoped3A_247 : memref<!tpu.dma_semaphore, #tpu.memory_space<semaphore_mem>>)
        %dma_wait3A_252 = tpu.memref_slice %arg13[%run_scoped3A_207, %mul3A_206] : memref<16x32768xf32, #tpu.memory_space<vmem_shared>> -> memref<1x2048xf32, #tpu.memory_space<vmem_shared>>
        %dma_wait3A_253 = tpu.memref_squeeze %dma_wait3A_252 : memref<1x2048xf32, #tpu.memory_space<vmem_shared>> -> memref<2048xf32, #tpu.memory_space<vmem_shared>>
        %dma_wait3A_254 = tpu.memref_slice %arg13[%run_scoped3A_207, %mul3A_206] : memref<16x32768xf32, #tpu.memory_space<vmem_shared>> -> memref<1x2048xf32, #tpu.memory_space<vmem_shared>>
        %dma_wait3A_255 = tpu.memref_squeeze %dma_wait3A_254 : memref<1x2048xf32, #tpu.memory_space<vmem_shared>> -> memref<2048xf32, #tpu.memory_space<vmem_shared>>
        tpu.wait_dma2 semaphore(%run_scoped3A_247 : memref<!tpu.dma_semaphore, #tpu.memory_space<semaphore_mem>>) src(%dma_wait3A_255 : memref<2048xf32, #tpu.memory_space<vmem_shared>>) dst(%arg11 : memref<2048xf32, #tpu.memory_space<vmem>>)
        tpu.yield
      }) : () -> ()
      %scan3A_208 = arith.constant 0 : i32
      %scan3A_209 = arith.constant 0 : i32
      %scan3A_210 = arith.constant 128 : i32
      %scan3A_211 = arith.addi %scan3A_209, %scan3A_210 : i32
      %scan3A_212 = arith.constant 1 : i32
      %scan3A_213 = scf.for %scan3A_247 = %scan3A_209 to %scan3A_211 step %scan3A_212 iter_args(%scan3A_248 = %scan3A_208) -> (i32)  : i32 {
        %mul3A_249 = arith.constant 16 : i32
        %mul3A_250 = arith.muli %scan3A_247, %mul3A_249 : i32
        %get3A_251 = arith.index_cast %mul3A_250 : i32 to index
        %get3A_252 = tpu.vector_load %arg12[%get3A_251] {strides = array<i32>} : memref<2048xf32, #tpu.memory_space<vmem>>, vector<16xf32>,
        %get3A_253 = vector.shape_cast %get3A_252 : vector<16xf32> to vector<16xf32>
        %get3A_254 = arith.index_cast %mul3A_250 : i32 to index
        %get3A_255 = tpu.vector_load %arg11[%get3A_254] {strides = array<i32>} : memref<2048xf32, #tpu.memory_space<vmem>>, vector<16xf32>,
        %get3A_256 = vector.shape_cast %get3A_255 : vector<16xf32> to vector<16xf32>
        %max3A = arith.maximumf %get3A_253, %get3A_256 : vector<16xf32>
        %swap3A_257 = arith.index_cast %mul3A_250 : i32 to index
        %swap3A_258 = tpu.vector_load %arg12[%swap3A_257] {strides = array<i32>} : memref<2048xf32, #tpu.memory_space<vmem>>, vector<16xf32>,
        %swap3A_259 = vector.shape_cast %swap3A_258 : vector<16xf32> to vector<16xf32>
        %swap3A_260 = vector.shape_cast %max3A : vector<16xf32> to vector<16xf32>
        tpu.vector_store %arg12[%swap3A_257], %swap3A_260 {strides = array<i32>} : memref<2048xf32, #tpu.memory_space<vmem>>, vector<16xf32>,
        %scan3A_261 = arith.constant 0 : i32
        scf.yield %scan3A_261 : i32
      }
      %scan3A_214 = arith.constant 128 : i32
      %mul3A_215 = arith.constant 128 : i32
      %mul3A_216 = arith.muli %mul3A_92, %mul3A_215 : i32
      %run_scoped3A_217 = arith.constant 13 : i32
      "tpu.region"() ({
        %run_scoped3A_247 = tpu.sem_alloc : memref<!tpu.dma_semaphore, #tpu.memory_space<semaphore_mem>>
        %dma_start3A_248 = tpu.memref_slice %arg13[%run_scoped3A_217, %mul3A_216] : memref<16x32768xf32, #tpu.memory_space<vmem_shared>> -> memref<1x2048xf32, #tpu.memory_space<vmem_shared>>
        %dma_start3A_249 = tpu.memref_squeeze %dma_start3A_248 : memref<1x2048xf32, #tpu.memory_space<vmem_shared>> -> memref<2048xf32, #tpu.memory_space<vmem_shared>>
        %dma_start3A_250 = tpu.memref_slice %arg13[%run_scoped3A_217, %mul3A_216] : memref<16x32768xf32, #tpu.memory_space<vmem_shared>> -> memref<1x2048xf32, #tpu.memory_space<vmem_shared>>
        %dma_start3A_251 = tpu.memref_squeeze %dma_start3A_250 : memref<1x2048xf32, #tpu.memory_space<vmem_shared>> -> memref<2048xf32, #tpu.memory_space<vmem_shared>>
        tpu.enqueue_dma source(%dma_start3A_251 : memref<2048xf32, #tpu.memory_space<vmem_shared>>) target(%arg11 : memref<2048xf32, #tpu.memory_space<vmem>>) target_semaphore(%run_scoped3A_247 : memref<!tpu.dma_semaphore, #tpu.memory_space<semaphore_mem>>)
        %dma_wait3A_252 = tpu.memref_slice %arg13[%run_scoped3A_217, %mul3A_216] : memref<16x32768xf32, #tpu.memory_space<vmem_shared>> -> memref<1x2048xf32, #tpu.memory_space<vmem_shared>>
        %dma_wait3A_253 = tpu.memref_squeeze %dma_wait3A_252 : memref<1x2048xf32, #tpu.memory_space<vmem_shared>> -> memref<2048xf32, #tpu.memory_space<vmem_shared>>
        %dma_wait3A_254 = tpu.memref_slice %arg13[%run_scoped3A_217, %mul3A_216] : memref<16x32768xf32, #tpu.memory_space<vmem_shared>> -> memref<1x2048xf32, #tpu.memory_space<vmem_shared>>
        %dma_wait3A_255 = tpu.memref_squeeze %dma_wait3A_254 : memref<1x2048xf32, #tpu.memory_space<vmem_shared>> -> memref<2048xf32, #tpu.memory_space<vmem_shared>>
        tpu.wait_dma2 semaphore(%run_scoped3A_247 : memref<!tpu.dma_semaphore, #tpu.memory_space<semaphore_mem>>) src(%dma_wait3A_255 : memref<2048xf32, #tpu.memory_space<vmem_shared>>) dst(%arg11 : memref<2048xf32, #tpu.memory_space<vmem>>)
        tpu.yield
      }) : () -> ()
      %scan3A_218 = arith.constant 0 : i32
      %scan3A_219 = arith.constant 0 : i32
      %scan3A_220 = arith.constant 128 : i32
      %scan3A_221 = arith.addi %scan3A_219, %scan3A_220 : i32
      %scan3A_222 = arith.constant 1 : i32
      %scan3A_223 = scf.for %scan3A_247 = %scan3A_219 to %scan3A_221 step %scan3A_222 iter_args(%scan3A_248 = %scan3A_218) -> (i32)  : i32 {
        %mul3A_249 = arith.constant 16 : i32
        %mul3A_250 = arith.muli %scan3A_247, %mul3A_249 : i32
        %get3A_251 = arith.index_cast %mul3A_250 : i32 to index
        %get3A_252 = tpu.vector_load %arg12[%get3A_251] {strides = array<i32>} : memref<2048xf32, #tpu.memory_space<vmem>>, vector<16xf32>,
        %get3A_253 = vector.shape_cast %get3A_252 : vector<16xf32> to vector<16xf32>
        %get3A_254 = arith.index_cast %mul3A_250 : i32 to index
        %get3A_255 = tpu.vector_load %arg11[%get3A_254] {strides = array<i32>} : memref<2048xf32, #tpu.memory_space<vmem>>, vector<16xf32>,
        %get3A_256 = vector.shape_cast %get3A_255 : vector<16xf32> to vector<16xf32>
        %max3A = arith.maximumf %get3A_253, %get3A_256 : vector<16xf32>
        %swap3A_257 = arith.index_cast %mul3A_250 : i32 to index
        %swap3A_258 = tpu.vector_load %arg12[%swap3A_257] {strides = array<i32>} : memref<2048xf32, #tpu.memory_space<vmem>>, vector<16xf32>,
        %swap3A_259 = vector.shape_cast %swap3A_258 : vector<16xf32> to vector<16xf32>
        %swap3A_260 = vector.shape_cast %max3A : vector<16xf32> to vector<16xf32>
        tpu.vector_store %arg12[%swap3A_257], %swap3A_260 {strides = array<i32>} : memref<2048xf32, #tpu.memory_space<vmem>>, vector<16xf32>,
        %scan3A_261 = arith.constant 0 : i32
        scf.yield %scan3A_261 : i32
      }
      %scan3A_224 = arith.constant 128 : i32
      %mul3A_225 = arith.constant 128 : i32
      %mul3A_226 = arith.muli %mul3A_92, %mul3A_225 : i32
      %run_scoped3A_227 = arith.constant 14 : i32
      "tpu.region"() ({
        %run_scoped3A_247 = tpu.sem_alloc : memref<!tpu.dma_semaphore, #tpu.memory_space<semaphore_mem>>
        %dma_start3A_248 = tpu.memref_slice %arg13[%run_scoped3A_227, %mul3A_226] : memref<16x32768xf32, #tpu.memory_space<vmem_shared>> -> memref<1x2048xf32, #tpu.memory_space<vmem_shared>>
        %dma_start3A_249 = tpu.memref_squeeze %dma_start3A_248 : memref<1x2048xf32, #tpu.memory_space<vmem_shared>> -> memref<2048xf32, #tpu.memory_space<vmem_shared>>
        %dma_start3A_250 = tpu.memref_slice %arg13[%run_scoped3A_227, %mul3A_226] : memref<16x32768xf32, #tpu.memory_space<vmem_shared>> -> memref<1x2048xf32, #tpu.memory_space<vmem_shared>>
        %dma_start3A_251 = tpu.memref_squeeze %dma_start3A_250 : memref<1x2048xf32, #tpu.memory_space<vmem_shared>> -> memref<2048xf32, #tpu.memory_space<vmem_shared>>
        tpu.enqueue_dma source(%dma_start3A_251 : memref<2048xf32, #tpu.memory_space<vmem_shared>>) target(%arg11 : memref<2048xf32, #tpu.memory_space<vmem>>) target_semaphore(%run_scoped3A_247 : memref<!tpu.dma_semaphore, #tpu.memory_space<semaphore_mem>>)
        %dma_wait3A_252 = tpu.memref_slice %arg13[%run_scoped3A_227, %mul3A_226] : memref<16x32768xf32, #tpu.memory_space<vmem_shared>> -> memref<1x2048xf32, #tpu.memory_space<vmem_shared>>
        %dma_wait3A_253 = tpu.memref_squeeze %dma_wait3A_252 : memref<1x2048xf32, #tpu.memory_space<vmem_shared>> -> memref<2048xf32, #tpu.memory_space<vmem_shared>>
        %dma_wait3A_254 = tpu.memref_slice %arg13[%run_scoped3A_227, %mul3A_226] : memref<16x32768xf32, #tpu.memory_space<vmem_shared>> -> memref<1x2048xf32, #tpu.memory_space<vmem_shared>>
        %dma_wait3A_255 = tpu.memref_squeeze %dma_wait3A_254 : memref<1x2048xf32, #tpu.memory_space<vmem_shared>> -> memref<2048xf32, #tpu.memory_space<vmem_shared>>
        tpu.wait_dma2 semaphore(%run_scoped3A_247 : memref<!tpu.dma_semaphore, #tpu.memory_space<semaphore_mem>>) src(%dma_wait3A_255 : memref<2048xf32, #tpu.memory_space<vmem_shared>>) dst(%arg11 : memref<2048xf32, #tpu.memory_space<vmem>>)
        tpu.yield
      }) : () -> ()
      %scan3A_228 = arith.constant 0 : i32
      %scan3A_229 = arith.constant 0 : i32
      %scan3A_230 = arith.constant 128 : i32
      %scan3A_231 = arith.addi %scan3A_229, %scan3A_230 : i32
      %scan3A_232 = arith.constant 1 : i32
      %scan3A_233 = scf.for %scan3A_247 = %scan3A_229 to %scan3A_231 step %scan3A_232 iter_args(%scan3A_248 = %scan3A_228) -> (i32)  : i32 {
        %mul3A_249 = arith.constant 16 : i32
        %mul3A_250 = arith.muli %scan3A_247, %mul3A_249 : i32
        %get3A_251 = arith.index_cast %mul3A_250 : i32 to index
        %get3A_252 = tpu.vector_load %arg12[%get3A_251] {strides = array<i32>} : memref<2048xf32, #tpu.memory_space<vmem>>, vector<16xf32>,
        %get3A_253 = vector.shape_cast %get3A_252 : vector<16xf32> to vector<16xf32>
        %get3A_254 = arith.index_cast %mul3A_250 : i32 to index
        %get3A_255 = tpu.vector_load %arg11[%get3A_254] {strides = array<i32>} : memref<2048xf32, #tpu.memory_space<vmem>>, vector<16xf32>,
        %get3A_256 = vector.shape_cast %get3A_255 : vector<16xf32> to vector<16xf32>
        %max3A = arith.maximumf %get3A_253, %get3A_256 : vector<16xf32>
        %swap3A_257 = arith.index_cast %mul3A_250 : i32 to index
        %swap3A_258 = tpu.vector_load %arg12[%swap3A_257] {strides = array<i32>} : memref<2048xf32, #tpu.memory_space<vmem>>, vector<16xf32>,
        %swap3A_259 = vector.shape_cast %swap3A_258 : vector<16xf32> to vector<16xf32>
        %swap3A_260 = vector.shape_cast %max3A : vector<16xf32> to vector<16xf32>
        tpu.vector_store %arg12[%swap3A_257], %swap3A_260 {strides = array<i32>} : memref<2048xf32, #tpu.memory_space<vmem>>, vector<16xf32>,
        %scan3A_261 = arith.constant 0 : i32
        scf.yield %scan3A_261 : i32
      }
      %scan3A_234 = arith.constant 128 : i32
      %mul3A_235 = arith.constant 128 : i32
      %mul3A_236 = arith.muli %mul3A_92, %mul3A_235 : i32
      %run_scoped3A_237 = arith.constant 15 : i32
      "tpu.region"() ({
        %run_scoped3A_247 = tpu.sem_alloc : memref<!tpu.dma_semaphore, #tpu.memory_space<semaphore_mem>>
        %dma_start3A_248 = tpu.memref_slice %arg13[%run_scoped3A_237, %mul3A_236] : memref<16x32768xf32, #tpu.memory_space<vmem_shared>> -> memref<1x2048xf32, #tpu.memory_space<vmem_shared>>
        %dma_start3A_249 = tpu.memref_squeeze %dma_start3A_248 : memref<1x2048xf32, #tpu.memory_space<vmem_shared>> -> memref<2048xf32, #tpu.memory_space<vmem_shared>>
        %dma_start3A_250 = tpu.memref_slice %arg13[%run_scoped3A_237, %mul3A_236] : memref<16x32768xf32, #tpu.memory_space<vmem_shared>> -> memref<1x2048xf32, #tpu.memory_space<vmem_shared>>
        %dma_start3A_251 = tpu.memref_squeeze %dma_start3A_250 : memref<1x2048xf32, #tpu.memory_space<vmem_shared>> -> memref<2048xf32, #tpu.memory_space<vmem_shared>>
        tpu.enqueue_dma source(%dma_start3A_251 : memref<2048xf32, #tpu.memory_space<vmem_shared>>) target(%arg11 : memref<2048xf32, #tpu.memory_space<vmem>>) target_semaphore(%run_scoped3A_247 : memref<!tpu.dma_semaphore, #tpu.memory_space<semaphore_mem>>)
        %dma_wait3A_252 = tpu.memref_slice %arg13[%run_scoped3A_237, %mul3A_236] : memref<16x32768xf32, #tpu.memory_space<vmem_shared>> -> memref<1x2048xf32, #tpu.memory_space<vmem_shared>>
        %dma_wait3A_253 = tpu.memref_squeeze %dma_wait3A_252 : memref<1x2048xf32, #tpu.memory_space<vmem_shared>> -> memref<2048xf32, #tpu.memory_space<vmem_shared>>
        %dma_wait3A_254 = tpu.memref_slice %arg13[%run_scoped3A_237, %mul3A_236] : memref<16x32768xf32, #tpu.memory_space<vmem_shared>> -> memref<1x2048xf32, #tpu.memory_space<vmem_shared>>
        %dma_wait3A_255 = tpu.memref_squeeze %dma_wait3A_254 : memref<1x2048xf32, #tpu.memory_space<vmem_shared>> -> memref<2048xf32, #tpu.memory_space<vmem_shared>>
        tpu.wait_dma2 semaphore(%run_scoped3A_247 : memref<!tpu.dma_semaphore, #tpu.memory_space<semaphore_mem>>) src(%dma_wait3A_255 : memref<2048xf32, #tpu.memory_space<vmem_shared>>) dst(%arg11 : memref<2048xf32, #tpu.memory_space<vmem>>)
        tpu.yield
      }) : () -> ()
      %scan3A_238 = arith.constant 0 : i32
      %scan3A_239 = arith.constant 0 : i32
      %scan3A_240 = arith.constant 128 : i32
      %scan3A_241 = arith.addi %scan3A_239, %scan3A_240 : i32
      %scan3A_242 = arith.constant 1 : i32
      %scan3A_243 = scf.for %scan3A_247 = %scan3A_239 to %scan3A_241 step %scan3A_242 iter_args(%scan3A_248 = %scan3A_238) -> (i32)  : i32 {
        %mul3A_249 = arith.constant 16 : i32
        %mul3A_250 = arith.muli %scan3A_247, %mul3A_249 : i32
        %get3A_251 = arith.index_cast %mul3A_250 : i32 to index
        %get3A_252 = tpu.vector_load %arg12[%get3A_251] {strides = array<i32>} : memref<2048xf32, #tpu.memory_space<vmem>>, vector<16xf32>,
        %get3A_253 = vector.shape_cast %get3A_252 : vector<16xf32> to vector<16xf32>
        %get3A_254 = arith.index_cast %mul3A_250 : i32 to index
        %get3A_255 = tpu.vector_load %arg11[%get3A_254] {strides = array<i32>} : memref<2048xf32, #tpu.memory_space<vmem>>, vector<16xf32>,
        %get3A_256 = vector.shape_cast %get3A_255 : vector<16xf32> to vector<16xf32>
        %max3A = arith.maximumf %get3A_253, %get3A_256 : vector<16xf32>
        %swap3A_257 = arith.index_cast %mul3A_250 : i32 to index
        %swap3A_258 = tpu.vector_load %arg12[%swap3A_257] {strides = array<i32>} : memref<2048xf32, #tpu.memory_space<vmem>>, vector<16xf32>,
        %swap3A_259 = vector.shape_cast %swap3A_258 : vector<16xf32> to vector<16xf32>
        %swap3A_260 = vector.shape_cast %max3A : vector<16xf32> to vector<16xf32>
        tpu.vector_store %arg12[%swap3A_257], %swap3A_260 {strides = array<i32>} : memref<2048xf32, #tpu.memory_space<vmem>>, vector<16xf32>,
        %scan3A_261 = arith.constant 0 : i32
        scf.yield %scan3A_261 : i32
      }
      %scan3A_244 = arith.constant 128 : i32
      %mul3A_245 = arith.constant 128 : i32
      %mul3A_246 = arith.muli %mul3A_92, %mul3A_245 : i32
      "tpu.region"() ({
        %run_scoped3A_247 = tpu.sem_alloc : memref<!tpu.dma_semaphore, #tpu.memory_space<semaphore_mem>>
        %dma_start3A_248 = tpu.memref_slice %arg7[%mul3A_246] : memref<32768xf32, #tpu.memory_space<hbm>> -> memref<2048xf32, #tpu.memory_space<hbm>>
        %dma_start3A_249 = tpu.memref_slice %arg7[%mul3A_246] : memref<32768xf32, #tpu.memory_space<hbm>> -> memref<2048xf32, #tpu.memory_space<hbm>>
        tpu.enqueue_dma source(%arg12 : memref<2048xf32, #tpu.memory_space<vmem>>) target(%dma_start3A_249 : memref<2048xf32, #tpu.memory_space<hbm>>) target_semaphore(%run_scoped3A_247 : memref<!tpu.dma_semaphore, #tpu.memory_space<semaphore_mem>>)
        %dma_wait3A_250 = tpu.memref_slice %arg7[%mul3A_246] : memref<32768xf32, #tpu.memory_space<hbm>> -> memref<2048xf32, #tpu.memory_space<hbm>>
        %dma_wait3A_251 = tpu.memref_slice %arg7[%mul3A_246] : memref<32768xf32, #tpu.memory_space<hbm>> -> memref<2048xf32, #tpu.memory_space<hbm>>
        tpu.wait_dma2 semaphore(%run_scoped3A_247 : memref<!tpu.dma_semaphore, #tpu.memory_space<semaphore_mem>>) src(%arg12 : memref<2048xf32, #tpu.memory_space<vmem>>) dst(%dma_wait3A_251 : memref<2048xf32, #tpu.memory_space<hbm>>)
        tpu.yield
      }) : () -> ()
    } else {
    }
    return
  }
}

</mosaic_0001>

<sc_bundles>
// kernel: _segmax.3.cloned.1.call-start
scs
__scs_entry_jumppad:
0x0: {  	(pc) =	sbr.rel $0x88, $3  }
0x1: {  	(tag) =	ssettag $0x0;
	lr =	simm.s32 $0x1  }
0x2: {  	[smem:$0x3F9D] =	sst lr;
	_ =	strace $0xD0000000  }
0x3: {  	_ = 	snop  }
0x4: {  	_ = 	snop  }
0x5: {  	_ = 	snop  }
0x6: {  	_ = 	snop  }
0x7: {  	_ = 	snop  }
__scs_overlays_trampoline_lowered:
0x8: {  	[smem:$0x3FAC] =	sst s0  }
0x9: {  	[smem:$0x3FAD] =	sst s1  }
0xa: {  	[smem:$0x3FAE] =	sst s2  }
0xb: {  	[smem:$0x3FAF] =	sst s3  }
0xc: {  	[smem:$0x3FB0] =	sst s4  }
0xd: {  	[smem:$0x3FB1] =	sst s5  }
0xe: {  	[smem:$0x3FB2] =	sst s6  }
0xf: {  	[smem:$0x3FB3] =	sst s7  }
0x10: {  	[smem:$0x3FB4] =	sst s8  }
0x11: {  	[smem:$0x3FB5] =	sst s9;
	s0 =	simm.s32 @!p0 $0x0  }
0x12: {  	s1 =	sld [smem:$0x3F9B];
	s0 =	simm.s32 @p0 $0x1  }
0x13: {  	[smem:$0x3FB6] =	sst s0;
	s0 =	simm.s32 @!p1 $0x0  }
0x14: {  	s2 =	sld [smem:$0x3F9A];
	s0 =	simm.s32 @p1 $0x1  }
0x15: {  	[smem:$0x3FB7] =	sst s0;
	s0 =	simm.s32 @!p2 $0x0  }
0x16: {  	s3 =	sld [smem:$0x3FDB];
	s0 =	simm.s32 @p2 $0x1  }
0x17: {  	s4 =	simm.s32 $0x1BF5;
	[smem:$0x3FB9] =	sst s0  }
0x18: {  	s0 =	sld [smem:$0x3F9C];
	_ =	swait.ge [sflag:s4], $0x0  }
0x19: {  	s7 =	sld [smem:$0x3F9D]  }
0x1a: {  	s8 =	sadd.s32 $0xFFFFE003, lr  }
0x1b: {  	s9 =	sadd.s32 $0xFFFFFEF7, lr;
	s5 =	simm.s32 $0xFFFFFFFF;
	p2 =	slt.u32 s8, $0xFFFFF086  }
0x1c: {  	p1 =	slt.u32 s9, $0xF7A;
	s5 =	simm.s32 @!p2 $0x0  }
0x1d: {  	s5 =	simm.s32 @p1 $0x1;
	p0 =	seq.s32 s7, s2  }
0x1e: {  	s7 =	smul.u32 @!p0 $0xF7A, s2;
	p2 =	seq.s32 @!p0 s5, $0x0  }
0x1f: {  	s9 =	smul.u32 $0xF7A, s1;
	s8 =	simm.s32 @!p0 $0x1BF5;
	p2 =	por !p2, p0  }
0x20: {  	[sflag:s8] =	ssyncset.s32 @!p0 $0xFFFFF086;
	s6 =	sadd.s32 @!p0 s3, s7;
	s7 =	simm.s32 @!p0 $0x108  }
0x21: {  	s3 =	sadd.s32 s3, s9;
	s6 =	sadd.s32 @!p0 $0x88, s6;
	s7 =	simm.s32 @p2 $0x1082  }
0x22: {  	[simem:s7], [sflag:s8] =	dma.local @!p0 [hbm:s6], $0xF7A  }
0x23: {  	s9 =	sor.u32 $0xD0000000, s2;
	s6 =	simm.s32 $0x108;
	_ =	swait.ge @!p0 [sflag:s8], $0x0  }
0x24: {  	s3 =	sadd.s32 $0x88, s3;
	s6 =	simm.s32 @!p1 $0x1082;
	[sflag:s4] =	ssyncset.s32 $0xFFFFF086  }
0x25: {  	[simem:s6], [sflag:s4] =	dma.local [hbm:s3], $0xF7A  }
0x26: {  	[smem:$0x3F9D] =	sst s1;
	(tag) =	ssettag s2;
	_ =	strace s9  }
0x27: {  	s1 =	sld [smem:$0x3FAD]  }
0x28: {  	s2 =	sld [smem:$0x3FAE]  }
0x29: {  	s4 =	sld [smem:$0x3FB0]  }
0x2a: {  	p0 =	seq.s32 s5, $0x0;
	s5 =	sld [smem:$0x3FB1]  }
0x2b: {  	s6 =	sld [smem:$0x3FB2]  }
0x2c: {  	s7 =	sld [smem:$0x3FB3]  }
0x2d: {  	s3 =	simm.s32 $0x108;
	s8 =	sld [smem:$0x3FB4]  }
0x2e: {  	s3 =	simm.s32 @!p0 $0x1082;
	s9 =	sld [smem:$0x3FB5]  }
0x2f: {  	lr =	sadd.s32 s0, s3;
	s0 =	sld [smem:$0x3FAC]  }
0x30: {  	s3 =	sld [smem:$0x3FAF]  }
0x31: {  	[smem:$0x3FB8] =	sst s10  }
0x32: {  	s10 =	sld [smem:$0x3FB6];
	_ =	sdelay $0x3  }
0x33: {  	p0 =	seq.s32 s10, $0x1;
	s10 =	sld [smem:$0x3FB8];
	_ =	sdelay $0x3  }
0x34: {  	[smem:$0x3FB8] =	sst s10  }
0x35: {  	s10 =	sld [smem:$0x3FB7];
	_ =	sdelay $0x3  }
0x36: {  	p1 =	seq.s32 s10, $0x1;
	s10 =	sld [smem:$0x3FB8];
	_ =	sdelay $0x3  }
0x37: {  	[smem:$0x3FB8] =	sst s10  }
0x38: {  	s10 =	sld [smem:$0x3FB9]  }
0x39: {  	_ = 	snop;
	(pc) =	sbr.ind lr, $3  }
0x3a: {  	_ = 	snop  }
0x3b: {  	_ = 	snop  }
0x3c: {  	p2 =	seq.s32 s10, $0x1;
	s10 =	sld [smem:$0x3FB8]  }
0x3d: {  	_ =	shalt  }
0x3e: {  	_ =	shalt  }
0x3f: {  	_ =	shalt  }
0x40: {  	_ =	shalt  }
0x41: {  	_ =	shalt  }
0x42: {  	_ =	shalt  }
0x43: {  	_ =	shalt  }
0x44: {  	_ =	shalt  }
0x45: {  	_ =	shalt  }
0x46: {  	_ =	shalt  }
0x47: {  	_ =	shalt  }
0x48: {  	_ =	shalt  }
0x49: {  	_ =	shalt  }
0x4a: {  	_ =	shalt  }
0x4b: {  	_ =	shalt  }
0x4c: {  	_ =	shalt  }
0x4d: {  	_ =	shalt  }
0x4e: {  	_ =	shalt  }
0x4f: {  	_ =	shalt  }
0x50: {  	_ =	shalt  }
0x51: {  	_ =	shalt  }
0x52: {  	_ =	shalt  }
0x53: {  	_ =	shalt  }
0x54: {  	_ =	shalt  }
0x55: {  	_ =	shalt  }
0x56: {  	_ =	shalt  }
0x57: {  	_ =	shalt  }
0x58: {  	_ =	shalt  }
0x59: {  	_ =	shalt  }
0x5a: {  	_ =	shalt  }
0x5b: {  	_ =	shalt  }
0x5c: {  	_ =	shalt  }
0x5d: {  	_ =	shalt  }
0x5e: {  	_ =	shalt  }
0x5f: {  	_ =	shalt  }
0x60: {  	_ =	shalt  }
0x61: {  	_ =	shalt  }
0x62: {  	_ =	shalt  }
0x63: {  	_ =	shalt  }
0x64: {  	_ =	shalt  }
0x65: {  	_ =	shalt  }
0x66: {  	_ =	shalt  }
0x67: {  	_ =	shalt  }
0x68: {  	_ =	shalt  }
0x69: {  	_ =	shalt  }
0x6a: {  	_ =	shalt  }
0x6b: {  	_ =	shalt  }
0x6c: {  	_ =	shalt  }
0x6d: {  	_ =	shalt  }
0x6e: {  	_ =	shalt  }
0x6f: {  	_ =	shalt  }
0x70: {  	_ =	shalt  }
0x71: {  	_ =	shalt  }
0x72: {  	_ =	shalt  }
0x73: {  	_ =	shalt  }
0x74: {  	_ =	shalt  }
0x75: {  	_ =	shalt  }
0x76: {  	_ =	shalt  }
0x77: {  	_ =	shalt  }
0x78: {  	_ =	shalt  }
0x79: {  	_ =	shalt  }
0x7a: {  	_ =	shalt  }
0x7b: {  	_ =	shalt  }
0x7c: {  	_ =	shalt  }
0x7d: {  	_ =	shalt  }
0x7e: {  	_ =	shalt  }
0x7f: {  	_ =	shalt  }
0x80: {  	_ =	shalt  }
0x81: {  	_ =	shalt  }
0x82: {  	_ =	shalt  }
0x83: {  	_ =	shalt  }
0x84: {  	_ =	shalt  }
0x85: {  	_ =	shalt  }
0x86: {  	_ =	shalt  }
0x87: {  	_ =	shalt  }
.Lfunc_end0:
.L_simem_size_0:
called_computation_lowered:
.L_overlay_start_0:
0x88: {  	s2 =	sld [smem:$0x3FD9]  }
0x89: {  	s3 =	sld [smem:$0x3FFE];
	_ =	sdelay $0x1  }
0x8a: {  	s1 =	srdreg.scid  }
0x8b: {  	s0 =	sand.u32 $0x1, s1  }
0x8c: {  	s15 =	sshll.u32 s0, $0xA;
	s2 =	sadd.s32 s3, s2  }
0x8d: {  	s2 =	sadd.s32 s2, s15  }
0x8e: {  	[smem:$0x3FC4] =	sst s2  }
0x8f: {  	_ = 	snop  }
0x90: {  	s2 =	sld [smem:$0x3FC9]  }
0x91: {  	s16 =	sld [smem:$0x3FD0]  }
0x92: {  	s4 =	sld [smem:$0x3FC8]  }
0x93: {  	s5 =	sld [smem:$0x3FC7]  }
0x94: {  	s7 =	simm.s32 $0xA;
	s8 =	simm.s32 $0x10;
	s6 =	sld [smem:$0x3FC6]  }
0x95: {  	[smem:s8], [sflag:s7] =	dma.local [hbm:s16], $0x1  }
0x96: {  	_ =	swait.eq [sflag:s7], $0x1  }
0x97: {  	[sflag:s7] =	ssyncset.done $0x0  }
0x98: {  	s17 =	sld [smem:$0x10];
	[sflag:s7] =	ssyncadd.s32 $0xFFFFFFFF  }
0x99: {  	s18 =	sld [smem:$0x11];
	(tm) =	ssettm $0x1  }
0x9a: {  	s19 =	sld [smem:$0x3FFB];
	_ =	sdelay $0x3  }
0x9b: {  	_ =	strace s19  }
0x9c: {  	s8 =	sld [smem:$0x3FFC];
	_ =	sdelay $0x3  }
0x9d: {  	_ =	strace s8  }
0x9e: {  	s8 =	sld [smem:$0x3FFD];
	_ =	sdelay $0x3  }
0x9f: {  	_ =	strace s8  }
0xa0: {  	_ =	strace $0x8FFFFFFF  }
0xa1: {  	s20 =	sld [smem:$0x3FDB];
	_ =	sdelay $0x1  }
0xa2: {  	s9 =	simm.s32 $_scs_section_size  }
0xa3: {  	s10 =	simm.s32 $_size__tile_overlayer_lowered;
	s11 =	simm.s32 $_tile_overlayer_lowered  }
0xa4: {  	s23 =	simm.s32 $0x1BFF;
	s22 =	sshll.u32 s11, $0x1;
	s8 =	sadd.s32 s9, s20  }
0xa5: {  	s12 =	simm.s32 $0x0;
	s21 =	sshll.u32 s10, $0x1;
	s10 =	sadd.s32 s22, s8  }
0xa6: {  	[timem:s12], [sflag:s23] =	dma.local [hbm:s10], s21  }
0xa7: {  	_ =	swait.ge [sflag:s23], s21  }
0xa8: {  	s9 =	ssub.s32 $0x0, s21;
	[sflag:s23] =	ssyncset.done $0x0  }
0xa9: {  	[sflag:s23] =	ssyncadd.s32 s9;
	_ =	sdelay $0x1  }
0xaa: {  	s24 =	simm.s32 $0x1B8B  }
0xab: {  	_ =	swait.ge [sflag:s24], $0x1  }
0xac: {  	[sflag:s24] =	ssyncset.done $0x0  }
0xad: {  	s25 =	simm.s32 $0x1B8E;
	[sflag:s24] =	ssyncadd.s32 $0xFFFFFFFF  }
0xae: {  	s26 =	simm.s32 $execute0_lowered;
	[smem:$0x3FD2] =	sst s25  }
0xaf: {  	s9 =	sshll.u32 s26, $0x1;
	_ =	strace $0x80000046;
	[dreg:$0x1] =	wrdreg $0xFFFFFFFF  }
0xb0: {  	s28 =	simm.s32 $_size_execute0_lowered;
	s8 =	sadd.s32 s8, s9;
	[dreg:$0x0] =	wrdreg $0x0  }
0xb1: {  	s9 =	sshll.u32 s28, $0x1;
	[dreg:$0x2] =	wrdreg s8  }
0xb2: {  	[dreg:$0x3] =	wrdreg s9  }
0xb3: {  	[dreg:$0x4] =	wrdreg $0xC0  }
0xb4: {  	_ =	task [dreg:s12], $0x5FFFF  }
0xb5: {  	[dreg:$0x1] =	wrdreg $0xFFFFFFFF  }
0xb6: {  	[dreg:$0x0] =	wrdreg $0x60  }
0xb7: {  	[dreg:$0x2] =	wrdreg s2  }
0xb8: {  	[dreg:$0x3] =	wrdreg s4  }
0xb9: {  	[dreg:$0x4] =	wrdreg s5  }
0xba: {  	[dreg:$0x5] =	wrdreg s6  }
0xbb: {  	[dreg:$0x6] =	wrdreg s17  }
0xbc: {  	[dreg:$0x7] =	wrdreg s18  }
0xbd: {  	[dreg:$0x8] =	wrdreg $0x149800  }
0xbe: {  	[dreg:$0x9] =	wrdreg $0x9  }
0xbf: {  	_ =	task.clear_ibuf [dreg:s12], $0xAFFFF;
	_ =	strace $0x90000046  }
0xc0: {  	s29 =	simm.s32 $0x9;
	_ =	strace $0x80000048  }
0xc1: {  	_ =	swait.ge [sflag:s29], $0x1  }
0xc2: {  	[sflag:s29] =	ssyncadd.s32 $0xFFFFFFFF  }
0xc3: {  	_ =	strace $0x90000048  }
0xc4: {  	_ =	sfence  }
0xc5: {  	s30 =	sld [smem:$0x0];
	_ =	sdelay $0x2  }
0xc6: {  	s31 =	sshll.u32 s1, $0xD;
	s1 =	sshrl.u32 s1, $0x2  }
0xc7: {  	s3 =	sand.u32 $0x4000, s31;
	s1 =	sadd.s32 s1, s30  }
0xc8: {  	s0 =	sor.u32 s3, s0;
	s1 =	sshll.u32 s1, $0x11  }
0xc9: {  	s0 =	sor.u32 s1, s0  }
0xca: {  	s0 =	sadd.s32 $0x8F2B, s0  }
0xcb: {  	[sflag:s0] =	ssyncadd.remote.s32 $0x1  }
0xcc: {  	_ =	sfence.sel $0xFFFF  }
0xcd: {  	[dreg:$0x0] =	wrdreg $0xFFFFFFFF;
	(pc) =	sbr.abs _section_cstart, $3  }
0xce: {  	[dreg:$0x1] =	wrdreg $0xFFFFFFFF  }
0xcf: {  	_ =	task.clear_ibuf [dreg:s12], $0x2FFFF;
	_ =	strace $0x9FFFFFFF  }
0xd0: {  	(tm) =	ssettm $0x7FFFFFFF  }
0xd1: {  	_ =	shalt  }
tec
execute0_lowered:
.L_overlay_start_1:
0x0: {  	(tag) =	ssettag $0x1  }
0x1: {  	s0 =	rddreg [dreg:$0x0]  }
0x2: {  	s2 =	rddreg [dreg:$0x1]  }
0x3: {  	s1 =	rddreg [dreg:$0x2]  }
0x4: {  	s3 =	rddreg [dreg:$0x3]  }
0x5: {  	s4 =	srdreg.scid;
	s15 =	stileid.u32  }
0x6: {  	s5 =	rddreg [dreg:$0x6];
	s6 =	simm.s32 $0x0;
	s4 =	sand.u32 $0x1, s4  }
0x7: {  	s7 =	smul.u32 $0x1900, s15;
	[smem:$0x7FF] =	sst s6;
	s18 =	sshll.u32 s15, $0xF  }
0x8: {  	s10 =	sshll.u32 s15, $0x7;
	s11 =	sshll.u32 s15, $0xE;
	s8 =	ssub.s32 $0x2, s4  }
0x9: {  	_ =	strace $0x80000047;
	p0 =	seq.s32 s4, $0x1;
	s4 =	sand.u32 $0x40000, s18  }
0xa: {  	s14 =	sand.u32 $0x380, s10;
	s10 =	sadd.s32 s11, s5;
	s9 =	sshrl.u32 s8, $0x1  }
0xb: {  	s7 =	smin.u32 s7, $0x16DA0;
	s4 =	sadd.s32 s4, s5;
	s19 =	sadd.s32 $0x80, s10  }
0xc: {  	s20 =	sadd.s32 $0x100, s10;
	s21 =	sadd.s32 $0x180, s10;
	s22 =	sadd.s32 $0x200, s10  }
0xd: {  	s23 =	sadd.s32 $0x280, s10;
	s24 =	sadd.s32 $0x300, s10;
	[dreg:$0xa] =	wrdreg s19  }
0xe: {  	s25 =	sadd.s32 $0x380, s10;
	s26 =	sadd.s32 $0x40000, s10;
	[dreg:$0xb] =	wrdreg s20  }
0xf: {  	s28 =	sadd.s32 $0x40200, s10;
	s29 =	sadd.s32 $0x40280, s10;
	[dreg:$0xc] =	wrdreg s21  }
0x10: {  	s30 =	sadd.s32 $0x40300, s10;
	s31 =	sadd.s32 $0x40380, s10;
	[dreg:$0xd] =	wrdreg s22  }
0x11: {  	s5 =	simm.s32 $0x2;
	s12 =	ssub.s32 s8, s9;
	[dreg:$0xe] =	wrdreg s23  }
0x12: {  	s13 =	sshrl.u32 s7, $0x3;
	s17 =	sshll.u32 s7, $0x4;
	[dreg:$0xf] =	wrdreg s24  }
0x13: {  	s9 =	sadd.s32 $0xA0, s7;
	s11 =	sadd.s32 $0x140, s7;
	[dreg:$0x10] =	wrdreg s25  }
0x14: {  	s4 =	sadd.s32 s14, s4;
	[dreg:$0x11] =	wrdreg s26;
	s21 =	sadd.s32 $0x40080, s10  }
0x15: {  	s23 =	sadd.s32 $0x40100, s10;
	s26 =	sadd.s32 $0x40180, s10;
	s7 =	simm.s32 $0x80  }
.Ltmp0:
0x16: {  	s22 =	simm.s32 $0x400;
	s14 =	simm.s32 $0x0;
	(pc) =	sbr.rel .LBB2_1-.Ltmp0, $4  }
0x17: {  	s2 =	sadd.s32 s2, s13;
	s8 =	sadd.s32 s0, s17;
	[dreg:$0x9] =	wrdreg s4  }
0x18: {  	s3 =	sadd.s32 s3, s13;
	s24 =	sadd.s32 s1, s17;
	s25 =	smax.u32 s12, $0x1  }
0x19: {  	s4 =	sshll.u32 s15, $0x8;
	s13 =	simm.s32 $0x13980;
	[dreg:$0x8] =	wrdreg s2  }
0x1a: {  	v0 =	vimm.f32 $-Inf;
	[dreg:$0x12] =	wrdreg s3;
	s2 =	simm.s32 $0x3;
	s3 =	simm.s32 $0x1  }
.LBB2_84:
0x1b: {  	s14 =	sadd.s32 $0x1, s14  }
0x1c: {  	p1 =	sne.s32 s14, s25  }
.Ltmp1:
0x1d: {  	s12 =	sadd.s32 s12, s4;
	(pc) =	sbr.rel @!p1 .LBB2_85-.Ltmp1, $4  }
0x1e: {  	[hbm4b:s12+s6] =	stream.linear.scatter [tilespmem:s17], [sflag:$0x3], $0x800, $0x38;
	[tilespmem:$0x1C980] =	vst v63  }
0x1f: {  	_ =	swait.ge [sflag:s2], $0x800  }
0x20: {  	[sflag:s2] =	ssyncset.done $0x0  }
0x21: {  	[sflag:s2] =	ssyncadd.s32 $0xFFFFF800  }
.LBB2_1:
.Ltmp2:
0x22: {  	(pc) =	sbr.rel @!p0 .LBB2_2-.Ltmp2, $2  }
0x23: {  	_ =	sdelay $0x2  }
0x24: {  	s12 =	simm.s32 $0x0  }
0x25: {  	s15 =	rddreg [dreg:$0x12]  }
0x26: {  	[tilespmem:s12], [sflag:$0x3] =	stream.linear.gather [hbm4b:s15+s12], $0x1900, $0x38;
	[tilespmem:$0x1C980] =	vst v63  }
0x27: {  	_ =	swait.ge [sflag:s2], $0x1900  }
0x28: {  	[sflag:s2] =	ssyncset.done $0x0  }
0x29: {  	s16 =	simm.s32 $0x200;
	s15 =	simm.s32 $0x0;
	[sflag:s2] =	ssyncadd.s32 $0xFFFFE700  }
.LBB2_44:
0x2a: {  	p1 =	sne.s32 s16, $0x1FE00;
	[tilespmem:s15+$0xB9F0] =	vst v0  }
0x2b: {  	[tilespmem:s15+$0xB980] =	vst v0  }
0x2c: {  	[tilespmem:s15+$0xB990] =	vst v0  }
.Ltmp3:
0x2d: {  	[tilespmem:s15+$0xB9A0] =	vst v0;
	(pc) =	sbr.rel @p1 .LBB2_44-.Ltmp3, $4  }
0x2e: {  	[tilespmem:s15+$0xB9B0] =	vst v0  }
0x2f: {  	[tilespmem:s15+$0xB9C0] =	vst v0  }
0x30: {  	[tilespmem:s15+$0xB9D0] =	vst v0  }
0x31: {  	[tilespmem:s15+$0xB9E0] =	vst v0;
	s15 =	sshra.s32 s16, $0x2;
	s16 =	sadd.s32 $0x200, s16  }
0x32: {  	[tilespmem:s15+$0xB9F0] =	vst v0  }
0x33: {  	[tilespmem:s15+$0xB980] =	vst v0  }
0x34: {  	[tilespmem:s15+$0xB990] =	vst v0  }
0x35: {  	[tilespmem:s15+$0xB9A0] =	vst v0  }
0x36: {  	[tilespmem:s15+$0xB9B0] =	vst v0  }
0x37: {  	[tilespmem:s15+$0xB9C0] =	vst v0  }
0x38: {  	[tilespmem:s15+$0xB9D0] =	vst v0;
	s16 =	simm.s32 $0x1980  }
0x39: {  	[tilespmem:s15+$0xB9E0] =	vst v0;
	s15 =	simm.s32 $0x10;
	s12 =	sadd.s32 $0x0, s24;
	s17 =	simm.s32 $0x1A80  }
.LBB2_46:
0x3a: {  	[tilespmem:s16], [sflag:$0x1] =	stream.linear.gather [hbm4b:s12+s6], $0x80, $0x38;
	[tilespmem:$0x1C980] =	vst v63  }
0x3b: {  	s12 =	smov.u32 s15;
	s16 =	smov.u32 s17;
	p1 =	sne.s32 s15, $0x9F0  }
.Ltmp4:
0x3c: {  	s15 =	sadd.s32 $0x10, s15;
	(pc) =	sbr.rel @p1 .LBB2_46-.Ltmp4, $2  }
0x3d: {  	_ =	sdelay $0x2  }
0x3e: {  	s17 =	sadd.s32 $0x100, s17;
	s12 =	sadd.s32 s12, s24  }
0x3f: {  	[tilespmem:s16], [sflag:$0x1] =	stream.linear.gather [hbm4b:s12+s6], $0x80, $0x38;
	[tilespmem:$0x1C980] =	vst v63  }
0x40: {  	s15 =	simm.s32 $0x0;
	v1 =	vld [tilespmem:$0x0]  }
.LBB2_48:
0x41: {  	s16 =	smul.u32 $0x140, s15;
	_ =	sdelay $0x1  }
0x42: {  	s12 =	sadd.s32 s16, s9  }
0x43: {  	s12 =	sshll.u32 s12, $0x4  }
0x44: {  	s18 =	simm.s32 $0x1A00;
	s17 =	sadd.s32 s1, s12  }
0x45: {  	s19 =	simm.s32 $0x10;
	s20 =	simm.s32 $0x1B00;
	s12 =	sadd.s32 $0x0, s17  }
.LBB2_49:
0x46: {  	[tilespmem:s18], [sflag:$0x2] =	stream.linear.gather [hbm4b:s12+s6], $0x80, $0x38;
	[tilespmem:$0x1C980] =	vst v63  }
0x47: {  	s12 =	smov.u32 s19;
	s18 =	smov.u32 s20;
	p1 =	sne.s32 s19, $0x9F0  }
.Ltmp5:
0x48: {  	s19 =	sadd.s32 $0x10, s19;
	(pc) =	sbr.rel @p1 .LBB2_49-.Ltmp5, $2  }
0x49: {  	_ =	sdelay $0x2  }
0x4a: {  	s20 =	sadd.s32 $0x100, s20;
	s12 =	sadd.s32 s12, s17  }
0x4b: {  	[tilespmem:s18], [sflag:$0x2] =	stream.linear.gather [hbm4b:s12+s6], $0x80, $0x38;
	[tilespmem:$0x1C980] =	vst v63  }
0x4c: {  	s20 =	smin.u32 s16, $0x1720  }
0x4d: {  	s12 =	sadd.s32 s20, s11  }
0x4e: {  	s17 =	simm.s32 $0x1980;
	_ =	swait.ge [sflag:s3], $0x5000;
	s12 =	sshll.u32 s12, $0x4  }
0x4f: {  	s18 =	simm.s32 $0x10;
	[sflag:s3] =	ssyncset.done $0x0;
	s16 =	sadd.s32 s1, s12  }
0x50: {  	s19 =	simm.s32 $0x1A80;
	[sflag:s3] =	ssyncadd.s32 $0xFFFFB000;
	s12 =	sadd.s32 $0x0, s16  }
.LBB2_51:
0x51: {  	[tilespmem:s17], [sflag:$0x1] =	stream.linear.gather [hbm4b:s12+s6], $0x80, $0x38;
	[tilespmem:$0x1C980] =	vst v63  }
0x52: {  	s12 =	smov.u32 s18;
	s17 =	smov.u32 s19;
	p1 =	sne.s32 s18, $0x9F0  }
.Ltmp6:
0x53: {  	s18 =	sadd.s32 $0x10, s18;
	(pc) =	sbr.rel @p1 .LBB2_51-.Ltmp6, $2  }
0x54: {  	_ =	sdelay $0x2  }
0x55: {  	s19 =	sadd.s32 $0x100, s19;
	s12 =	sadd.s32 s12, s16  }
0x56: {  	s15 =	sadd.s32 $0x1, s15  }
0x57: {  	p1 =	sne.s32 s15, $0x14  }
.Ltmp7:
0x58: {  	_ = 	snop;
	(pc) =	sbr.rel @p1 .LBB2_48-.Ltmp7, $4  }
0x59: {  	[tilespmem:s17], [sflag:$0x1] =	stream.linear.gather [hbm4b:s12+s6], $0x80, $0x38;
	[tilespmem:$0x1C980] =	vst v63  }
0x5a: {  	_ =	swait.ge [sflag:s5], $0x5000  }
0x5b: {  	[sflag:s5] =	ssyncset.done $0x0  }
0x5c: {  	[sflag:s5] =	ssyncadd.s32 $0xFFFFB000  }
0x5d: {  	(v2sf) =	vpush v1, $0x0;
	_ =	sdelay $0xe  }
0x5e: {  	s12 =	spop (v2sf)  }
0x5f: {  	_ =	swait.ge [sflag:s3], $0x5000  }
0x60: {  	s12 =	sshll.u32 s12, $0x9;
	[sflag:s3] =	ssyncset.done $0x0  }
0x61: {  	s12 =	sshra.s32 s12, $0x2;
	[sflag:s3] =	ssyncadd.s32 $0xFFFFB000  }
0x62: {  	[tilespmem:s12+$0xB980] =	vst v0  }
0x63: {  	[tilespmem:s12+$0xB990] =	vst v0  }
0x64: {  	[tilespmem:s12+$0xB9A0] =	vst v0  }
0x65: {  	[tilespmem:s12+$0xB9B0] =	vst v0  }
0x66: {  	[tilespmem:s12+$0xB9C0] =	vst v0  }
0x67: {  	[tilespmem:s12+$0xB9D0] =	vst v0  }
0x68: {  	[tilespmem:s12+$0xB9E0] =	vst v0  }
0x69: {  	s15 =	simm.s32 $0xB980;
	s19 =	rddreg [dreg:$0x9];
	[tilespmem:s12+$0xB9F0] =	vst v0  }
0x6a: {  	[spmem:s19] =	stream.strided.scatter [tilespmem:s15], [sflag:$0x3], $0x8000, s22, s7, $0x38;
	[tilespmem:$0x1C980] =	vst v63  }
0x6b: {  	_ =	swait.ge [sflag:s2], $0x8000  }
0x6c: {  	[sflag:s2] =	ssyncset.done $0x0  }
0x6d: {  	[sflag:s2] =	ssyncadd.s32 $0xFFFF8000  }
0x6e: {  	s17 =	simm.s32 $0x14180;
	[bflag:$0x0] =	sbarrier.arrive $0xFFFF  }
0x6f: {  	[tilespmem:s17], [sflag:$0x3] =	stream.strided.gather [spmem:s10], $0x800, s22, s7, $0x38;
	[tilespmem:$0x1C980] =	vst v63  }
0x70: {  	_ =	swait.ge [sflag:s2], $0x800  }
0x71: {  	[sflag:s2] =	ssyncset.done $0x0  }
0x72: {  	s20 =	rddreg [dreg:$0xa];
	[sflag:s2] =	ssyncadd.s32 $0xFFFFF800  }
0x73: {  	[tilespmem:s13], [sflag:$0x3] =	stream.strided.gather [spmem:s20], $0x800, s22, s7, $0x38;
	[tilespmem:$0x1C980] =	vst v63  }
0x74: {  	_ =	swait.ge [sflag:s2], $0x800  }
0x75: {  	[sflag:s2] =	ssyncset.done $0x0  }
0x76: {  	s15 =	simm.s32 $0x0;
	[sflag:s2] =	ssyncadd.s32 $0xFFFFF800  }
0x77: {  	s16 =	simm.s32 $0x40;
	v1 =	vld [tilespmem:s15+$0x13980]  }
.LBB2_54:
0x78: {  	p1 =	sne.s32 s16, $0x1FC0;
	v2 =	vld [tilespmem:s15+$0x14180];
	_ =	sdelay $0x1  }
.Ltmp8:
0x79: {  	(pc) =	sbr.rel @p1 .LBB2_54-.Ltmp8, $3  }
0x7a: {  	_ =	sdelay $0x1  }
0x7b: {  	s12 =	sshra.s32 s16, $0x2;
	v2 =	vmax.f32 v2, v1  }
0x7c: {  	s16 =	sadd.s32 $0x40, s16;
	v1 =	vld [tilespmem:s12+$0x13980];
	[tilespmem:s15+$0x14180] =	vst v2;
	s15 =	smov.u32 s12  }
0x7d: {  	v2 =	vld [tilespmem:s15+$0x14180];
	_ =	sdelay $0x4  }
0x7e: {  	v1 =	vmax.f32 v2, v1  }
0x7f: {  	s12 =	rddreg [dreg:$0xb];
	[tilespmem:s15+$0x14180] =	vst v1  }
0x80: {  	[tilespmem:s13], [sflag:$0x3] =	stream.strided.gather [spmem:s12], $0x800, s22, s7, $0x38;
	[tilespmem:$0x1C980] =	vst v63  }
0x81: {  	_ =	swait.ge [sflag:s2], $0x800  }
0x82: {  	[sflag:s2] =	ssyncset.done $0x0  }
0x83: {  	s15 =	simm.s32 $0x0;
	[sflag:s2] =	ssyncadd.s32 $0xFFFFF800  }
0x84: {  	s16 =	simm.s32 $0x40;
	v1 =	vld [tilespmem:s15+$0x13980]  }
.LBB2_56:
0x85: {  	p1 =	sne.s32 s16, $0x1FC0;
	v2 =	vld [tilespmem:s15+$0x14180];
	_ =	sdelay $0x1  }
.Ltmp9:
0x86: {  	(pc) =	sbr.rel @p1 .LBB2_56-.Ltmp9, $3  }
0x87: {  	_ =	sdelay $0x1  }
0x88: {  	s12 =	sshra.s32 s16, $0x2;
	v2 =	vmax.f32 v2, v1  }
0x89: {  	s16 =	sadd.s32 $0x40, s16;
	v1 =	vld [tilespmem:s12+$0x13980];
	[tilespmem:s15+$0x14180] =	vst v2;
	s15 =	smov.u32 s12  }
0x8a: {  	v2 =	vld [tilespmem:s15+$0x14180];
	_ =	sdelay $0x4  }
0x8b: {  	v1 =	vmax.f32 v2, v1  }
0x8c: {  	s12 =	rddreg [dreg:$0xc];
	[tilespmem:s15+$0x14180] =	vst v1  }
0x8d: {  	[tilespmem:s13], [sflag:$0x3] =	stream.strided.gather [spmem:s12], $0x800, s22, s7, $0x38;
	[tilespmem:$0x1C980] =	vst v63  }
0x8e: {  	_ =	swait.ge [sflag:s2], $0x800  }
0x8f: {  	[sflag:s2] =	ssyncset.done $0x0  }
0x90: {  	s15 =	simm.s32 $0x0;
	[sflag:s2] =	ssyncadd.s32 $0xFFFFF800  }
0x91: {  	s16 =	simm.s32 $0x40;
	v1 =	vld [tilespmem:s15+$0x13980]  }
.LBB2_58:
0x92: {  	p1 =	sne.s32 s16, $0x1FC0;
	v2 =	vld [tilespmem:s15+$0x14180];
	_ =	sdelay $0x1  }
.Ltmp10:
0x93: {  	(pc) =	sbr.rel @p1 .LBB2_58-.Ltmp10, $3  }
0x94: {  	_ =	sdelay $0x1  }
0x95: {  	s12 =	sshra.s32 s16, $0x2;
	v2 =	vmax.f32 v2, v1  }
0x96: {  	s16 =	sadd.s32 $0x40, s16;
	v1 =	vld [tilespmem:s12+$0x13980];
	[tilespmem:s15+$0x14180] =	vst v2;
	s15 =	smov.u32 s12  }
0x97: {  	v2 =	vld [tilespmem:s15+$0x14180];
	_ =	sdelay $0x4  }
0x98: {  	v1 =	vmax.f32 v2, v1  }
0x99: {  	s12 =	rddreg [dreg:$0xd];
	[tilespmem:s15+$0x14180] =	vst v1  }
0x9a: {  	[tilespmem:s13], [sflag:$0x3] =	stream.strided.gather [spmem:s12], $0x800, s22, s7, $0x38;
	[tilespmem:$0x1C980] =	vst v63  }
0x9b: {  	_ =	swait.ge [sflag:s2], $0x800  }
0x9c: {  	[sflag:s2] =	ssyncset.done $0x0  }
0x9d: {  	s15 =	simm.s32 $0x0;
	[sflag:s2] =	ssyncadd.s32 $0xFFFFF800  }
0x9e: {  	s16 =	simm.s32 $0x40;
	v1 =	vld [tilespmem:s15+$0x13980]  }
.LBB2_60:
0x9f: {  	p1 =	sne.s32 s16, $0x1FC0;
	v2 =	vld [tilespmem:s15+$0x14180];
	_ =	sdelay $0x1  }
.Ltmp11:
0xa0: {  	(pc) =	sbr.rel @p1 .LBB2_60-.Ltmp11, $3  }
0xa1: {  	_ =	sdelay $0x1  }
0xa2: {  	s12 =	sshra.s32 s16, $0x2;
	v2 =	vmax.f32 v2, v1  }
0xa3: {  	s16 =	sadd.s32 $0x40, s16;
	v1 =	vld [tilespmem:s12+$0x13980];
	[tilespmem:s15+$0x14180] =	vst v2;
	s15 =	smov.u32 s12  }
0xa4: {  	v2 =	vld [tilespmem:s15+$0x14180];
	_ =	sdelay $0x4  }
0xa5: {  	v1 =	vmax.f32 v2, v1  }
0xa6: {  	s12 =	rddreg [dreg:$0xe];
	[tilespmem:s15+$0x14180] =	vst v1  }
0xa7: {  	[tilespmem:s13], [sflag:$0x3] =	stream.strided.gather [spmem:s12], $0x800, s22, s7, $0x38;
	[tilespmem:$0x1C980] =	vst v63  }
0xa8: {  	_ =	swait.ge [sflag:s2], $0x800  }
0xa9: {  	[sflag:s2] =	ssyncset.done $0x0  }
0xaa: {  	s15 =	simm.s32 $0x0;
	[sflag:s2] =	ssyncadd.s32 $0xFFFFF800  }
0xab: {  	s16 =	simm.s32 $0x40;
	v1 =	vld [tilespmem:s15+$0x13980]  }
.LBB2_62:
0xac: {  	p1 =	sne.s32 s16, $0x1FC0;
	v2 =	vld [tilespmem:s15+$0x14180];
	_ =	sdelay $0x1  }
.Ltmp12:
0xad: {  	(pc) =	sbr.rel @p1 .LBB2_62-.Ltmp12, $3  }
0xae: {  	_ =	sdelay $0x1  }
0xaf: {  	s12 =	sshra.s32 s16, $0x2;
	v2 =	vmax.f32 v2, v1  }
0xb0: {  	s16 =	sadd.s32 $0x40, s16;
	v1 =	vld [tilespmem:s12+$0x13980];
	[tilespmem:s15+$0x14180] =	vst v2;
	s15 =	smov.u32 s12  }
0xb1: {  	v2 =	vld [tilespmem:s15+$0x14180];
	_ =	sdelay $0x4  }
0xb2: {  	v1 =	vmax.f32 v2, v1  }
0xb3: {  	s12 =	rddreg [dreg:$0xf];
	[tilespmem:s15+$0x14180] =	vst v1  }
0xb4: {  	[tilespmem:s13], [sflag:$0x3] =	stream.strided.gather [spmem:s12], $0x800, s22, s7, $0x38;
	[tilespmem:$0x1C980] =	vst v63  }
0xb5: {  	_ =	swait.ge [sflag:s2], $0x800  }
0xb6: {  	[sflag:s2] =	ssyncset.done $0x0  }
0xb7: {  	s15 =	simm.s32 $0x0;
	[sflag:s2] =	ssyncadd.s32 $0xFFFFF800  }
0xb8: {  	s16 =	simm.s32 $0x40;
	v1 =	vld [tilespmem:s15+$0x13980]  }
.LBB2_64:
0xb9: {  	p1 =	sne.s32 s16, $0x1FC0;
	v2 =	vld [tilespmem:s15+$0x14180];
	_ =	sdelay $0x1  }
.Ltmp13:
0xba: {  	(pc) =	sbr.rel @p1 .LBB2_64-.Ltmp13, $3  }
0xbb: {  	_ =	sdelay $0x1  }
0xbc: {  	s12 =	sshra.s32 s16, $0x2;
	v2 =	vmax.f32 v2, v1  }
0xbd: {  	s16 =	sadd.s32 $0x40, s16;
	v1 =	vld [tilespmem:s12+$0x13980];
	[tilespmem:s15+$0x14180] =	vst v2;
	s15 =	smov.u32 s12  }
0xbe: {  	v2 =	vld [tilespmem:s15+$0x14180];
	_ =	sdelay $0x4  }
0xbf: {  	v1 =	vmax.f32 v2, v1  }
0xc0: {  	s12 =	rddreg [dreg:$0x10];
	[tilespmem:s15+$0x14180] =	vst v1  }
0xc1: {  	[tilespmem:s13], [sflag:$0x3] =	stream.strided.gather [spmem:s12], $0x800, s22, s7, $0x38;
	[tilespmem:$0x1C980] =	vst v63  }
0xc2: {  	_ =	swait.ge [sflag:s2], $0x800  }
0xc3: {  	[sflag:s2] =	ssyncset.done $0x0  }
0xc4: {  	s15 =	simm.s32 $0x0;
	[sflag:s2] =	ssyncadd.s32 $0xFFFFF800  }
0xc5: {  	s16 =	simm.s32 $0x40;
	v1 =	vld [tilespmem:s15+$0x13980]  }
.LBB2_66:
0xc6: {  	p1 =	sne.s32 s16, $0x1FC0;
	v2 =	vld [tilespmem:s15+$0x14180];
	_ =	sdelay $0x1  }
.Ltmp14:
0xc7: {  	(pc) =	sbr.rel @p1 .LBB2_66-.Ltmp14, $3  }
0xc8: {  	_ =	sdelay $0x1  }
0xc9: {  	s12 =	sshra.s32 s16, $0x2;
	v2 =	vmax.f32 v2, v1  }
0xca: {  	s16 =	sadd.s32 $0x40, s16;
	v1 =	vld [tilespmem:s12+$0x13980];
	[tilespmem:s15+$0x14180] =	vst v2;
	s15 =	smov.u32 s12  }
0xcb: {  	v2 =	vld [tilespmem:s15+$0x14180];
	_ =	sdelay $0x4  }
0xcc: {  	v1 =	vmax.f32 v2, v1  }
0xcd: {  	s12 =	rddreg [dreg:$0x11];
	[tilespmem:s15+$0x14180] =	vst v1  }
0xce: {  	[tilespmem:s13], [sflag:$0x3] =	stream.strided.gather [spmem:s12], $0x800, s22, s7, $0x38;
	[tilespmem:$0x1C980] =	vst v63  }
0xcf: {  	_ =	swait.ge [sflag:s2], $0x800  }
0xd0: {  	[sflag:s2] =	ssyncset.done $0x0  }
0xd1: {  	s15 =	simm.s32 $0x0;
	[sflag:s2] =	ssyncadd.s32 $0xFFFFF800  }
0xd2: {  	s16 =	simm.s32 $0x40;
	v1 =	vld [tilespmem:s15+$0x13980]  }
.LBB2_68:
0xd3: {  	p1 =	sne.s32 s16, $0x1FC0;
	v2 =	vld [tilespmem:s15+$0x14180];
	_ =	sdelay $0x1  }
.Ltmp15:
0xd4: {  	(pc) =	sbr.rel @p1 .LBB2_68-.Ltmp15, $3  }
0xd5: {  	_ =	sdelay $0x1  }
0xd6: {  	s12 =	sshra.s32 s16, $0x2;
	v2 =	vmax.f32 v2, v1  }
0xd7: {  	s16 =	sadd.s32 $0x40, s16;
	v1 =	vld [tilespmem:s12+$0x13980];
	[tilespmem:s15+$0x14180] =	vst v2;
	s15 =	smov.u32 s12  }
0xd8: {  	v2 =	vld [tilespmem:s15+$0x14180];
	_ =	sdelay $0x4  }
0xd9: {  	v1 =	vmax.f32 v2, v1  }
0xda: {  	[tilespmem:s15+$0x14180] =	vst v1  }
0xdb: {  	[tilespmem:s13], [sflag:$0x3] =	stream.strided.gather [spmem:s21], $0x800, s22, s7, $0x38;
	[tilespmem:$0x1C980] =	vst v63  }
0xdc: {  	_ =	swait.ge [sflag:s2], $0x800  }
0xdd: {  	[sflag:s2] =	ssyncset.done $0x0  }
0xde: {  	s15 =	simm.s32 $0x0;
	[sflag:s2] =	ssyncadd.s32 $0xFFFFF800  }
0xdf: {  	s16 =	simm.s32 $0x40;
	v1 =	vld [tilespmem:s15+$0x13980]  }
.LBB2_70:
0xe0: {  	p1 =	sne.s32 s16, $0x1FC0;
	v2 =	vld [tilespmem:s15+$0x14180];
	_ =	sdelay $0x1  }
.Ltmp16:
0xe1: {  	(pc) =	sbr.rel @p1 .LBB2_70-.Ltmp16, $3  }
0xe2: {  	_ =	sdelay $0x1  }
0xe3: {  	s12 =	sshra.s32 s16, $0x2;
	v2 =	vmax.f32 v2, v1  }
0xe4: {  	s16 =	sadd.s32 $0x40, s16;
	v1 =	vld [tilespmem:s12+$0x13980];
	[tilespmem:s15+$0x14180] =	vst v2;
	s15 =	smov.u32 s12  }
0xe5: {  	v2 =	vld [tilespmem:s15+$0x14180];
	_ =	sdelay $0x4  }
0xe6: {  	v1 =	vmax.f32 v2, v1  }
0xe7: {  	[tilespmem:s15+$0x14180] =	vst v1  }
0xe8: {  	[tilespmem:s13], [sflag:$0x3] =	stream.strided.gather [spmem:s23], $0x800, s22, s7, $0x38;
	[tilespmem:$0x1C980] =	vst v63  }
0xe9: {  	_ =	swait.ge [sflag:s2], $0x800  }
0xea: {  	[sflag:s2] =	ssyncset.done $0x0  }
0xeb: {  	s15 =	simm.s32 $0x0;
	[sflag:s2] =	ssyncadd.s32 $0xFFFFF800  }
0xec: {  	s16 =	simm.s32 $0x40;
	v1 =	vld [tilespmem:s15+$0x13980]  }
.LBB2_72:
0xed: {  	p1 =	sne.s32 s16, $0x1FC0;
	v2 =	vld [tilespmem:s15+$0x14180];
	_ =	sdelay $0x1  }
.Ltmp17:
0xee: {  	(pc) =	sbr.rel @p1 .LBB2_72-.Ltmp17, $3  }
0xef: {  	_ =	sdelay $0x1  }
0xf0: {  	s12 =	sshra.s32 s16, $0x2;
	v2 =	vmax.f32 v2, v1  }
0xf1: {  	s16 =	sadd.s32 $0x40, s16;
	v1 =	vld [tilespmem:s12+$0x13980];
	[tilespmem:s15+$0x14180] =	vst v2;
	s15 =	smov.u32 s12  }
0xf2: {  	v2 =	vld [tilespmem:s15+$0x14180];
	_ =	sdelay $0x4  }
0xf3: {  	v1 =	vmax.f32 v2, v1  }
0xf4: {  	[tilespmem:s15+$0x14180] =	vst v1  }
0xf5: {  	[tilespmem:s13], [sflag:$0x3] =	stream.strided.gather [spmem:s26], $0x800, s22, s7, $0x38;
	[tilespmem:$0x1C980] =	vst v63  }
0xf6: {  	_ =	swait.ge [sflag:s2], $0x800  }
0xf7: {  	[sflag:s2] =	ssyncset.done $0x0  }
0xf8: {  	s15 =	simm.s32 $0x0;
	[sflag:s2] =	ssyncadd.s32 $0xFFFFF800  }
0xf9: {  	s16 =	simm.s32 $0x40;
	v1 =	vld [tilespmem:s15+$0x13980]  }
.LBB2_74:
0xfa: {  	p1 =	sne.s32 s16, $0x1FC0;
	v2 =	vld [tilespmem:s15+$0x14180];
	_ =	sdelay $0x1  }
.Ltmp18:
0xfb: {  	(pc) =	sbr.rel @p1 .LBB2_74-.Ltmp18, $3  }
0xfc: {  	_ =	sdelay $0x1  }
0xfd: {  	s12 =	sshra.s32 s16, $0x2;
	v2 =	vmax.f32 v2, v1  }
0xfe: {  	s16 =	sadd.s32 $0x40, s16;
	v1 =	vld [tilespmem:s12+$0x13980];
	[tilespmem:s15+$0x14180] =	vst v2;
	s15 =	smov.u32 s12  }
0xff: {  	v2 =	vld [tilespmem:s15+$0x14180];
	_ =	sdelay $0x4  }
0x100: {  	v1 =	vmax.f32 v2, v1  }
0x101: {  	[tilespmem:s15+$0x14180] =	vst v1  }
0x102: {  	[tilespmem:s13], [sflag:$0x3] =	stream.strided.gather [spmem:s28], $0x800, s22, s7, $0x38;
	[tilespmem:$0x1C980] =	vst v63  }
0x103: {  	_ =	swait.ge [sflag:s2], $0x800  }
0x104: {  	[sflag:s2] =	ssyncset.done $0x0  }
0x105: {  	s15 =	simm.s32 $0x0;
	[sflag:s2] =	ssyncadd.s32 $0xFFFFF800  }
0x106: {  	s16 =	simm.s32 $0x40;
	v1 =	vld [tilespmem:s15+$0x13980]  }
.LBB2_76:
0x107: {  	p1 =	sne.s32 s16, $0x1FC0;
	v2 =	vld [tilespmem:s15+$0x14180];
	_ =	sdelay $0x1  }
.Ltmp19:
0x108: {  	(pc) =	sbr.rel @p1 .LBB2_76-.Ltmp19, $3  }
0x109: {  	_ =	sdelay $0x1  }
0x10a: {  	s12 =	sshra.s32 s16, $0x2;
	v2 =	vmax.f32 v2, v1  }
0x10b: {  	s16 =	sadd.s32 $0x40, s16;
	v1 =	vld [tilespmem:s12+$0x13980];
	[tilespmem:s15+$0x14180] =	vst v2;
	s15 =	smov.u32 s12  }
0x10c: {  	v2 =	vld [tilespmem:s15+$0x14180];
	_ =	sdelay $0x4  }
0x10d: {  	v1 =	vmax.f32 v2, v1  }
0x10e: {  	[tilespmem:s15+$0x14180] =	vst v1  }
0x10f: {  	[tilespmem:s13], [sflag:$0x3] =	stream.strided.gather [spmem:s29], $0x800, s22, s7, $0x38;
	[tilespmem:$0x1C980] =	vst v63  }
0x110: {  	_ =	swait.ge [sflag:s2], $0x800  }
0x111: {  	[sflag:s2] =	ssyncset.done $0x0  }
0x112: {  	s15 =	simm.s32 $0x0;
	[sflag:s2] =	ssyncadd.s32 $0xFFFFF800  }
0x113: {  	s16 =	simm.s32 $0x40;
	v1 =	vld [tilespmem:s15+$0x13980]  }
.LBB2_78:
0x114: {  	p1 =	sne.s32 s16, $0x1FC0;
	v2 =	vld [tilespmem:s15+$0x14180];
	_ =	sdelay $0x1  }
.Ltmp20:
0x115: {  	(pc) =	sbr.rel @p1 .LBB2_78-.Ltmp20, $3  }
0x116: {  	_ =	sdelay $0x1  }
0x117: {  	s12 =	sshra.s32 s16, $0x2;
	v2 =	vmax.f32 v2, v1  }
0x118: {  	s16 =	sadd.s32 $0x40, s16;
	v1 =	vld [tilespmem:s12+$0x13980];
	[tilespmem:s15+$0x14180] =	vst v2;
	s15 =	smov.u32 s12  }
0x119: {  	v2 =	vld [tilespmem:s15+$0x14180];
	_ =	sdelay $0x4  }
0x11a: {  	v1 =	vmax.f32 v2, v1  }
0x11b: {  	[tilespmem:s15+$0x14180] =	vst v1  }
0x11c: {  	[tilespmem:s13], [sflag:$0x3] =	stream.strided.gather [spmem:s30], $0x800, s22, s7, $0x38;
	[tilespmem:$0x1C980] =	vst v63  }
0x11d: {  	_ =	swait.ge [sflag:s2], $0x800  }
0x11e: {  	[sflag:s2] =	ssyncset.done $0x0  }
0x11f: {  	s15 =	simm.s32 $0x0;
	[sflag:s2] =	ssyncadd.s32 $0xFFFFF800  }
0x120: {  	s16 =	simm.s32 $0x40;
	v1 =	vld [tilespmem:s15+$0x13980]  }
.LBB2_80:
0x121: {  	p1 =	sne.s32 s16, $0x1FC0;
	v2 =	vld [tilespmem:s15+$0x14180];
	_ =	sdelay $0x1  }
.Ltmp21:
0x122: {  	(pc) =	sbr.rel @p1 .LBB2_80-.Ltmp21, $3  }
0x123: {  	_ =	sdelay $0x1  }
0x124: {  	s12 =	sshra.s32 s16, $0x2;
	v2 =	vmax.f32 v2, v1  }
0x125: {  	s16 =	sadd.s32 $0x40, s16;
	v1 =	vld [tilespmem:s12+$0x13980];
	[tilespmem:s15+$0x14180] =	vst v2;
	s15 =	smov.u32 s12  }
0x126: {  	v2 =	vld [tilespmem:s15+$0x14180];
	_ =	sdelay $0x4  }
0x127: {  	v1 =	vmax.f32 v2, v1  }
0x128: {  	[tilespmem:s15+$0x14180] =	vst v1  }
0x129: {  	[tilespmem:s13], [sflag:$0x3] =	stream.strided.gather [spmem:s31], $0x800, s22, s7, $0x38;
	[tilespmem:$0x1C980] =	vst v63  }
0x12a: {  	_ =	swait.ge [sflag:s2], $0x800  }
0x12b: {  	[sflag:s2] =	ssyncset.done $0x0  }
0x12c: {  	s15 =	simm.s32 $0x0;
	[sflag:s2] =	ssyncadd.s32 $0xFFFFF800  }
0x12d: {  	s16 =	simm.s32 $0x40;
	v1 =	vld [tilespmem:s15+$0x13980]  }
.LBB2_82:
0x12e: {  	p1 =	sne.s32 s16, $0x1FC0;
	v2 =	vld [tilespmem:s15+$0x14180];
	_ =	sdelay $0x1  }
.Ltmp22:
0x12f: {  	(pc) =	sbr.rel @p1 .LBB2_82-.Ltmp22, $3  }
0x130: {  	_ =	sdelay $0x1  }
0x131: {  	s12 =	sshra.s32 s16, $0x2;
	v2 =	vmax.f32 v2, v1  }
0x132: {  	s16 =	sadd.s32 $0x40, s16;
	v1 =	vld [tilespmem:s12+$0x13980];
	[tilespmem:s15+$0x14180] =	vst v2;
	s15 =	smov.u32 s12  }
0x133: {  	v2 =	vld [tilespmem:s15+$0x14180];
	_ =	sdelay $0x1  }
.Ltmp23:
0x134: {  	_ = 	snop;
	(pc) =	sbr.rel .LBB2_84-.Ltmp23, $3  }
0x135: {  	_ =	sdelay $0x1  }
0x136: {  	v1 =	vmax.f32 v2, v1  }
0x137: {  	s12 =	rddreg [dreg:$0x5];
	[tilespmem:s15+$0x14180] =	vst v1  }
.LBB2_2:
0x138: {  	s15 =	rddreg [dreg:$0x8]  }
0x139: {  	[tilespmem:s12], [sflag:$0x3] =	stream.linear.gather [hbm4b:s15+s12], $0x1900, $0x38;
	[tilespmem:$0x1C980] =	vst v63  }
0x13a: {  	_ =	swait.ge [sflag:s2], $0x1900  }
0x13b: {  	[sflag:s2] =	ssyncset.done $0x0  }
0x13c: {  	s16 =	simm.s32 $0x200;
	s15 =	simm.s32 $0x0;
	[sflag:s2] =	ssyncadd.s32 $0xFFFFE700  }
.LBB2_3:
0x13d: {  	p1 =	sne.s32 s16, $0x1FE00;
	[tilespmem:s15+$0xB9F0] =	vst v0  }
0x13e: {  	[tilespmem:s15+$0xB980] =	vst v0  }
0x13f: {  	[tilespmem:s15+$0xB990] =	vst v0  }
.Ltmp24:
0x140: {  	[tilespmem:s15+$0xB9A0] =	vst v0;
	(pc) =	sbr.rel @p1 .LBB2_3-.Ltmp24, $4  }
0x141: {  	[tilespmem:s15+$0xB9B0] =	vst v0  }
0x142: {  	[tilespmem:s15+$0xB9C0] =	vst v0  }
0x143: {  	[tilespmem:s15+$0xB9D0] =	vst v0  }
0x144: {  	[tilespmem:s15+$0xB9E0] =	vst v0;
	s15 =	sshra.s32 s16, $0x2;
	s16 =	sadd.s32 $0x200, s16  }
0x145: {  	[tilespmem:s15+$0xB9F0] =	vst v0  }
0x146: {  	[tilespmem:s15+$0xB980] =	vst v0  }
0x147: {  	[tilespmem:s15+$0xB990] =	vst v0  }
0x148: {  	[tilespmem:s15+$0xB9A0] =	vst v0  }
0x149: {  	[tilespmem:s15+$0xB9B0] =	vst v0  }
0x14a: {  	[tilespmem:s15+$0xB9C0] =	vst v0  }
0x14b: {  	[tilespmem:s15+$0xB9D0] =	vst v0;
	s16 =	simm.s32 $0x1980  }
0x14c: {  	[tilespmem:s15+$0xB9E0] =	vst v0;
	s15 =	simm.s32 $0x10;
	s18 =	sadd.s32 $0x0, s8;
	s17 =	simm.s32 $0x1A80  }
.LBB2_5:
0x14d: {  	[tilespmem:s16], [sflag:$0x1] =	stream.linear.gather [hbm4b:s18+s6], $0x80, $0x38;
	[tilespmem:$0x1C980] =	vst v63  }
0x14e: {  	s12 =	smov.u32 s15;
	s16 =	smov.u32 s17;
	p1 =	sne.s32 s15, $0x9F0  }
.Ltmp25:
0x14f: {  	s15 =	sadd.s32 $0x10, s15;
	(pc) =	sbr.rel @p1 .LBB2_5-.Ltmp25, $2  }
0x150: {  	_ =	sdelay $0x2  }
0x151: {  	s17 =	sadd.s32 $0x100, s17;
	s18 =	sadd.s32 s12, s8  }
0x152: {  	[tilespmem:s16], [sflag:$0x1] =	stream.linear.gather [hbm4b:s18+s6], $0x80, $0x38;
	[tilespmem:$0x1C980] =	vst v63  }
0x153: {  	s15 =	simm.s32 $0x0;
	v1 =	vld [tilespmem:$0x0]  }
.LBB2_7:
0x154: {  	s16 =	smul.u32 $0x140, s15;
	_ =	sdelay $0x1  }
0x155: {  	s12 =	sadd.s32 s16, s9  }
0x156: {  	s12 =	sshll.u32 s12, $0x4  }
0x157: {  	s18 =	simm.s32 $0x1A00;
	s17 =	sadd.s32 s0, s12  }
0x158: {  	s19 =	simm.s32 $0x10;
	s20 =	simm.s32 $0x1B00;
	s12 =	sadd.s32 $0x0, s17  }
.LBB2_8:
0x159: {  	[tilespmem:s18], [sflag:$0x2] =	stream.linear.gather [hbm4b:s12+s6], $0x80, $0x38;
	[tilespmem:$0x1C980] =	vst v63  }
0x15a: {  	s12 =	smov.u32 s19;
	s18 =	smov.u32 s20;
	p1 =	sne.s32 s19, $0x9F0  }
.Ltmp26:
0x15b: {  	s19 =	sadd.s32 $0x10, s19;
	(pc) =	sbr.rel @p1 .LBB2_8-.Ltmp26, $2  }
0x15c: {  	_ =	sdelay $0x2  }
0x15d: {  	s20 =	sadd.s32 $0x100, s20;
	s12 =	sadd.s32 s12, s17  }
0x15e: {  	[tilespmem:s18], [sflag:$0x2] =	stream.linear.gather [hbm4b:s12+s6], $0x80, $0x38;
	[tilespmem:$0x1C980] =	vst v63  }
0x15f: {  	s20 =	smin.u32 s16, $0x1720  }
0x160: {  	s12 =	sadd.s32 s20, s11  }
0x161: {  	s17 =	simm.s32 $0x1980;
	_ =	swait.ge [sflag:s3], $0x5000;
	s12 =	sshll.u32 s12, $0x4  }
0x162: {  	s18 =	simm.s32 $0x10;
	[sflag:s3] =	ssyncset.done $0x0;
	s16 =	sadd.s32 s0, s12  }
0x163: {  	s19 =	simm.s32 $0x1A80;
	[sflag:s3] =	ssyncadd.s32 $0xFFFFB000;
	s12 =	sadd.s32 $0x0, s16  }
.LBB2_10:
0x164: {  	[tilespmem:s17], [sflag:$0x1] =	stream.linear.gather [hbm4b:s12+s6], $0x80, $0x38;
	[tilespmem:$0x1C980] =	vst v63  }
0x165: {  	s12 =	smov.u32 s18;
	s17 =	smov.u32 s19;
	p1 =	sne.s32 s18, $0x9F0  }
.Ltmp27:
0x166: {  	s18 =	sadd.s32 $0x10, s18;
	(pc) =	sbr.rel @p1 .LBB2_10-.Ltmp27, $2  }
0x167: {  	_ =	sdelay $0x2  }
0x168: {  	s19 =	sadd.s32 $0x100, s19;
	s12 =	sadd.s32 s12, s16  }
0x169: {  	s15 =	sadd.s32 $0x1, s15  }
0x16a: {  	p1 =	sne.s32 s15, $0x14  }
.Ltmp28:
0x16b: {  	_ = 	snop;
	(pc) =	sbr.rel @p1 .LBB2_7-.Ltmp28, $4  }
0x16c: {  	[tilespmem:s17], [sflag:$0x1] =	stream.linear.gather [hbm4b:s12+s6], $0x80, $0x38;
	[tilespmem:$0x1C980] =	vst v63  }
0x16d: {  	_ =	swait.ge [sflag:s5], $0x5000  }
0x16e: {  	[sflag:s5] =	ssyncset.done $0x0  }
0x16f: {  	[sflag:s5] =	ssyncadd.s32 $0xFFFFB000  }
0x170: {  	(v2sf) =	vpush v1, $0x0;
	_ =	sdelay $0xe  }
0x171: {  	s12 =	spop (v2sf)  }
0x172: {  	_ =	swait.ge [sflag:s3], $0x5000  }
0x173: {  	s12 =	sshll.u32 s12, $0x9;
	[sflag:s3] =	ssyncset.done $0x0  }
0x174: {  	s12 =	sshra.s32 s12, $0x2;
	[sflag:s3] =	ssyncadd.s32 $0xFFFFB000  }
0x175: {  	[tilespmem:s12+$0xB980] =	vst v0  }
0x176: {  	[tilespmem:s12+$0xB990] =	vst v0  }
0x177: {  	[tilespmem:s12+$0xB9A0] =	vst v0  }
0x178: {  	[tilespmem:s12+$0xB9B0] =	vst v0  }
0x179: {  	[tilespmem:s12+$0xB9C0] =	vst v0  }
0x17a: {  	[tilespmem:s12+$0xB9D0] =	vst v0  }
0x17b: {  	[tilespmem:s12+$0xB9E0] =	vst v0  }
0x17c: {  	s15 =	simm.s32 $0xB980;
	s19 =	rddreg [dreg:$0x9];
	[tilespmem:s12+$0xB9F0] =	vst v0  }
0x17d: {  	[spmem:s19] =	stream.strided.scatter [tilespmem:s15], [sflag:$0x3], $0x8000, s22, s7, $0x38;
	[tilespmem:$0x1C980] =	vst v63  }
0x17e: {  	_ =	swait.ge [sflag:s2], $0x8000  }
0x17f: {  	[sflag:s2] =	ssyncset.done $0x0  }
0x180: {  	[sflag:s2] =	ssyncadd.s32 $0xFFFF8000  }
0x181: {  	s17 =	simm.s32 $0x14180;
	[bflag:$0x0] =	sbarrier.arrive $0xFFFF  }
0x182: {  	[tilespmem:s17], [sflag:$0x3] =	stream.strided.gather [spmem:s10], $0x800, s22, s7, $0x38;
	[tilespmem:$0x1C980] =	vst v63  }
0x183: {  	_ =	swait.ge [sflag:s2], $0x800  }
0x184: {  	[sflag:s2] =	ssyncset.done $0x0  }
0x185: {  	s20 =	rddreg [dreg:$0xa];
	[sflag:s2] =	ssyncadd.s32 $0xFFFFF800  }
0x186: {  	[tilespmem:s13], [sflag:$0x3] =	stream.strided.gather [spmem:s20], $0x800, s22, s7, $0x38;
	[tilespmem:$0x1C980] =	vst v63  }
0x187: {  	_ =	swait.ge [sflag:s2], $0x800  }
0x188: {  	[sflag:s2] =	ssyncset.done $0x0  }
0x189: {  	s15 =	simm.s32 $0x0;
	[sflag:s2] =	ssyncadd.s32 $0xFFFFF800  }
0x18a: {  	s16 =	simm.s32 $0x40;
	v1 =	vld [tilespmem:s15+$0x13980]  }
.LBB2_13:
0x18b: {  	p1 =	sne.s32 s16, $0x1FC0;
	v2 =	vld [tilespmem:s15+$0x14180];
	_ =	sdelay $0x1  }
.Ltmp29:
0x18c: {  	(pc) =	sbr.rel @p1 .LBB2_13-.Ltmp29, $3  }
0x18d: {  	_ =	sdelay $0x1  }
0x18e: {  	s12 =	sshra.s32 s16, $0x2;
	v2 =	vmax.f32 v2, v1  }
0x18f: {  	s16 =	sadd.s32 $0x40, s16;
	v1 =	vld [tilespmem:s12+$0x13980];
	[tilespmem:s15+$0x14180] =	vst v2;
	s15 =	smov.u32 s12  }
0x190: {  	v2 =	vld [tilespmem:s15+$0x14180];
	_ =	sdelay $0x4  }
0x191: {  	v1 =	vmax.f32 v2, v1  }
0x192: {  	s12 =	rddreg [dreg:$0xb];
	[tilespmem:s15+$0x14180] =	vst v1  }
0x193: {  	[tilespmem:s13], [sflag:$0x3] =	stream.strided.gather [spmem:s12], $0x800, s22, s7, $0x38;
	[tilespmem:$0x1C980] =	vst v63  }
0x194: {  	_ =	swait.ge [sflag:s2], $0x800  }
0x195: {  	[sflag:s2] =	ssyncset.done $0x0  }
0x196: {  	s15 =	simm.s32 $0x0;
	[sflag:s2] =	ssyncadd.s32 $0xFFFFF800  }
0x197: {  	s16 =	simm.s32 $0x40;
	v1 =	vld [tilespmem:s15+$0x13980]  }
.LBB2_15:
0x198: {  	p1 =	sne.s32 s16, $0x1FC0;
	v2 =	vld [tilespmem:s15+$0x14180];
	_ =	sdelay $0x1  }
.Ltmp30:
0x199: {  	(pc) =	sbr.rel @p1 .LBB2_15-.Ltmp30, $3  }
0x19a: {  	_ =	sdelay $0x1  }
0x19b: {  	s12 =	sshra.s32 s16, $0x2;
	v2 =	vmax.f32 v2, v1  }
0x19c: {  	s16 =	sadd.s32 $0x40, s16;
	v1 =	vld [tilespmem:s12+$0x13980];
	[tilespmem:s15+$0x14180] =	vst v2;
	s15 =	smov.u32 s12  }
0x19d: {  	v2 =	vld [tilespmem:s15+$0x14180];
	_ =	sdelay $0x4  }
0x19e: {  	v1 =	vmax.f32 v2, v1  }
0x19f: {  	s12 =	rddreg [dreg:$0xc];
	[tilespmem:s15+$0x14180] =	vst v1  }
0x1a0: {  	[tilespmem:s13], [sflag:$0x3] =	stream.strided.gather [spmem:s12], $0x800, s22, s7, $0x38;
	[tilespmem:$0x1C980] =	vst v63  }
0x1a1: {  	_ =	swait.ge [sflag:s2], $0x800  }
0x1a2: {  	[sflag:s2] =	ssyncset.done $0x0  }
0x1a3: {  	s15 =	simm.s32 $0x0;
	[sflag:s2] =	ssyncadd.s32 $0xFFFFF800  }
0x1a4: {  	s16 =	simm.s32 $0x40;
	v1 =	vld [tilespmem:s15+$0x13980]  }
.LBB2_17:
0x1a5: {  	p1 =	sne.s32 s16, $0x1FC0;
	v2 =	vld [tilespmem:s15+$0x14180];
	_ =	sdelay $0x1  }
.Ltmp31:
0x1a6: {  	(pc) =	sbr.rel @p1 .LBB2_17-.Ltmp31, $3  }
0x1a7: {  	_ =	sdelay $0x1  }
0x1a8: {  	s12 =	sshra.s32 s16, $0x2;
	v2 =	vmax.f32 v2, v1  }
0x1a9: {  	s16 =	sadd.s32 $0x40, s16;
	v1 =	vld [tilespmem:s12+$0x13980];
	[tilespmem:s15+$0x14180] =	vst v2;
	s15 =	smov.u32 s12  }
0x1aa: {  	v2 =	vld [tilespmem:s15+$0x14180];
	_ =	sdelay $0x4  }
0x1ab: {  	v1 =	vmax.f32 v2, v1  }
0x1ac: {  	s12 =	rddreg [dreg:$0xd];
	[tilespmem:s15+$0x14180] =	vst v1  }
0x1ad: {  	[tilespmem:s13], [sflag:$0x3] =	stream.strided.gather [spmem:s12], $0x800, s22, s7, $0x38;
	[tilespmem:$0x1C980] =	vst v63  }
0x1ae: {  	_ =	swait.ge [sflag:s2], $0x800  }
0x1af: {  	[sflag:s2] =	ssyncset.done $0x0  }
0x1b0: {  	s15 =	simm.s32 $0x0;
	[sflag:s2] =	ssyncadd.s32 $0xFFFFF800  }
0x1b1: {  	s16 =	simm.s32 $0x40;
	v1 =	vld [tilespmem:s15+$0x13980]  }
.LBB2_19:
0x1b2: {  	p1 =	sne.s32 s16, $0x1FC0;
	v2 =	vld [tilespmem:s15+$0x14180];
	_ =	sdelay $0x1  }
.Ltmp32:
0x1b3: {  	(pc) =	sbr.rel @p1 .LBB2_19-.Ltmp32, $3  }
0x1b4: {  	_ =	sdelay $0x1  }
0x1b5: {  	s12 =	sshra.s32 s16, $0x2;
	v2 =	vmax.f32 v2, v1  }
0x1b6: {  	s16 =	sadd.s32 $0x40, s16;
	v1 =	vld [tilespmem:s12+$0x13980];
	[tilespmem:s15+$0x14180] =	vst v2;
	s15 =	smov.u32 s12  }
0x1b7: {  	v2 =	vld [tilespmem:s15+$0x14180];
	_ =	sdelay $0x4  }
0x1b8: {  	v1 =	vmax.f32 v2, v1  }
0x1b9: {  	s12 =	rddreg [dreg:$0xe];
	[tilespmem:s15+$0x14180] =	vst v1  }
0x1ba: {  	[tilespmem:s13], [sflag:$0x3] =	stream.strided.gather [spmem:s12], $0x800, s22, s7, $0x38;
	[tilespmem:$0x1C980] =	vst v63  }
0x1bb: {  	_ =	swait.ge [sflag:s2], $0x800  }
0x1bc: {  	[sflag:s2] =	ssyncset.done $0x0  }
0x1bd: {  	s15 =	simm.s32 $0x0;
	[sflag:s2] =	ssyncadd.s32 $0xFFFFF800  }
0x1be: {  	s16 =	simm.s32 $0x40;
	v1 =	vld [tilespmem:s15+$0x13980]  }
.LBB2_21:
0x1bf: {  	p1 =	sne.s32 s16, $0x1FC0;
	v2 =	vld [tilespmem:s15+$0x14180];
	_ =	sdelay $0x1  }
.Ltmp33:
0x1c0: {  	(pc) =	sbr.rel @p1 .LBB2_21-.Ltmp33, $3  }
0x1c1: {  	_ =	sdelay $0x1  }
0x1c2: {  	s12 =	sshra.s32 s16, $0x2;
	v2 =	vmax.f32 v2, v1  }
0x1c3: {  	s16 =	sadd.s32 $0x40, s16;
	v1 =	vld [tilespmem:s12+$0x13980];
	[tilespmem:s15+$0x14180] =	vst v2;
	s15 =	smov.u32 s12  }
0x1c4: {  	v2 =	vld [tilespmem:s15+$0x14180];
	_ =	sdelay $0x4  }
0x1c5: {  	v1 =	vmax.f32 v2, v1  }
0x1c6: {  	s12 =	rddreg [dreg:$0xf];
	[tilespmem:s15+$0x14180] =	vst v1  }
0x1c7: {  	[tilespmem:s13], [sflag:$0x3] =	stream.strided.gather [spmem:s12], $0x800, s22, s7, $0x38;
	[tilespmem:$0x1C980] =	vst v63  }
0x1c8: {  	_ =	swait.ge [sflag:s2], $0x800  }
0x1c9: {  	[sflag:s2] =	ssyncset.done $0x0  }
0x1ca: {  	s15 =	simm.s32 $0x0;
	[sflag:s2] =	ssyncadd.s32 $0xFFFFF800  }
0x1cb: {  	s16 =	simm.s32 $0x40;
	v1 =	vld [tilespmem:s15+$0x13980]  }
.LBB2_23:
0x1cc: {  	p1 =	sne.s32 s16, $0x1FC0;
	v2 =	vld [tilespmem:s15+$0x14180];
	_ =	sdelay $0x1  }
.Ltmp34:
0x1cd: {  	(pc) =	sbr.rel @p1 .LBB2_23-.Ltmp34, $3  }
0x1ce: {  	_ =	sdelay $0x1  }
0x1cf: {  	s12 =	sshra.s32 s16, $0x2;
	v2 =	vmax.f32 v2, v1  }
0x1d0: {  	s16 =	sadd.s32 $0x40, s16;
	v1 =	vld [tilespmem:s12+$0x13980];
	[tilespmem:s15+$0x14180] =	vst v2;
	s15 =	smov.u32 s12  }
0x1d1: {  	v2 =	vld [tilespmem:s15+$0x14180];
	_ =	sdelay $0x4  }
0x1d2: {  	v1 =	vmax.f32 v2, v1  }
0x1d3: {  	s12 =	rddreg [dreg:$0x10];
	[tilespmem:s15+$0x14180] =	vst v1  }
0x1d4: {  	[tilespmem:s13], [sflag:$0x3] =	stream.strided.gather [spmem:s12], $0x800, s22, s7, $0x38;
	[tilespmem:$0x1C980] =	vst v63  }
0x1d5: {  	_ =	swait.ge [sflag:s2], $0x800  }
0x1d6: {  	[sflag:s2] =	ssyncset.done $0x0  }
0x1d7: {  	s15 =	simm.s32 $0x0;
	[sflag:s2] =	ssyncadd.s32 $0xFFFFF800  }
0x1d8: {  	s16 =	simm.s32 $0x40;
	v1 =	vld [tilespmem:s15+$0x13980]  }
.LBB2_25:
0x1d9: {  	p1 =	sne.s32 s16, $0x1FC0;
	v2 =	vld [tilespmem:s15+$0x14180];
	_ =	sdelay $0x1  }
.Ltmp35:
0x1da: {  	(pc) =	sbr.rel @p1 .LBB2_25-.Ltmp35, $3  }
0x1db: {  	_ =	sdelay $0x1  }
0x1dc: {  	s12 =	sshra.s32 s16, $0x2;
	v2 =	vmax.f32 v2, v1  }
0x1dd: {  	s16 =	sadd.s32 $0x40, s16;
	v1 =	vld [tilespmem:s12+$0x13980];
	[tilespmem:s15+$0x14180] =	vst v2;
	s15 =	smov.u32 s12  }
0x1de: {  	v2 =	vld [tilespmem:s15+$0x14180];
	_ =	sdelay $0x4  }
0x1df: {  	v1 =	vmax.f32 v2, v1  }
0x1e0: {  	s12 =	rddreg [dreg:$0x11];
	[tilespmem:s15+$0x14180] =	vst v1  }
0x1e1: {  	[tilespmem:s13], [sflag:$0x3] =	stream.strided.gather [spmem:s12], $0x800, s22, s7, $0x38;
	[tilespmem:$0x1C980] =	vst v63  }
0x1e2: {  	_ =	swait.ge [sflag:s2], $0x800  }
0x1e3: {  	[sflag:s2] =	ssyncset.done $0x0  }
0x1e4: {  	s15 =	simm.s32 $0x0;
	[sflag:s2] =	ssyncadd.s32 $0xFFFFF800  }
0x1e5: {  	s16 =	simm.s32 $0x40;
	v1 =	vld [tilespmem:s15+$0x13980]  }
.LBB2_27:
0x1e6: {  	p1 =	sne.s32 s16, $0x1FC0;
	v2 =	vld [tilespmem:s15+$0x14180];
	_ =	sdelay $0x1  }
.Ltmp36:
0x1e7: {  	(pc) =	sbr.rel @p1 .LBB2_27-.Ltmp36, $3  }
0x1e8: {  	_ =	sdelay $0x1  }
0x1e9: {  	s12 =	sshra.s32 s16, $0x2;
	v2 =	vmax.f32 v2, v1  }
0x1ea: {  	s16 =	sadd.s32 $0x40, s16;
	v1 =	vld [tilespmem:s12+$0x13980];
	[tilespmem:s15+$0x14180] =	vst v2;
	s15 =	smov.u32 s12  }
0x1eb: {  	v2 =	vld [tilespmem:s15+$0x14180];
	_ =	sdelay $0x4  }
0x1ec: {  	v1 =	vmax.f32 v2, v1  }
0x1ed: {  	[tilespmem:s15+$0x14180] =	vst v1  }
0x1ee: {  	[tilespmem:s13], [sflag:$0x3] =	stream.strided.gather [spmem:s21], $0x800, s22, s7, $0x38;
	[tilespmem:$0x1C980] =	vst v63  }
0x1ef: {  	_ =	swait.ge [sflag:s2], $0x800  }
0x1f0: {  	[sflag:s2] =	ssyncset.done $0x0  }
0x1f1: {  	s15 =	simm.s32 $0x0;
	[sflag:s2] =	ssyncadd.s32 $0xFFFFF800  }
0x1f2: {  	s16 =	simm.s32 $0x40;
	v1 =	vld [tilespmem:s15+$0x13980]  }
.LBB2_29:
0x1f3: {  	p1 =	sne.s32 s16, $0x1FC0;
	v2 =	vld [tilespmem:s15+$0x14180];
	_ =	sdelay $0x1  }
.Ltmp37:
0x1f4: {  	(pc) =	sbr.rel @p1 .LBB2_29-.Ltmp37, $3  }
0x1f5: {  	_ =	sdelay $0x1  }
0x1f6: {  	s12 =	sshra.s32 s16, $0x2;
	v2 =	vmax.f32 v2, v1  }
0x1f7: {  	s16 =	sadd.s32 $0x40, s16;
	v1 =	vld [tilespmem:s12+$0x13980];
	[tilespmem:s15+$0x14180] =	vst v2;
	s15 =	smov.u32 s12  }
0x1f8: {  	v2 =	vld [tilespmem:s15+$0x14180];
	_ =	sdelay $0x4  }
0x1f9: {  	v1 =	vmax.f32 v2, v1  }
0x1fa: {  	[tilespmem:s15+$0x14180] =	vst v1  }
0x1fb: {  	[tilespmem:s13], [sflag:$0x3] =	stream.strided.gather [spmem:s23], $0x800, s22, s7, $0x38;
	[tilespmem:$0x1C980] =	vst v63  }
0x1fc: {  	_ =	swait.ge [sflag:s2], $0x800  }
0x1fd: {  	[sflag:s2] =	ssyncset.done $0x0  }
0x1fe: {  	s15 =	simm.s32 $0x0;
	[sflag:s2] =	ssyncadd.s32 $0xFFFFF800  }
0x1ff: {  	s16 =	simm.s32 $0x40;
	v1 =	vld [tilespmem:s15+$0x13980]  }
.LBB2_31:
0x200: {  	p1 =	sne.s32 s16, $0x1FC0;
	v2 =	vld [tilespmem:s15+$0x14180];
	_ =	sdelay $0x1  }
.Ltmp38:
0x201: {  	(pc) =	sbr.rel @p1 .LBB2_31-.Ltmp38, $3  }
0x202: {  	_ =	sdelay $0x1  }
0x203: {  	s12 =	sshra.s32 s16, $0x2;
	v2 =	vmax.f32 v2, v1  }
0x204: {  	s16 =	sadd.s32 $0x40, s16;
	v1 =	vld [tilespmem:s12+$0x13980];
	[tilespmem:s15+$0x14180] =	vst v2;
	s15 =	smov.u32 s12  }
0x205: {  	v2 =	vld [tilespmem:s15+$0x14180];
	_ =	sdelay $0x4  }
0x206: {  	v1 =	vmax.f32 v2, v1  }
0x207: {  	[tilespmem:s15+$0x14180] =	vst v1  }
0x208: {  	[tilespmem:s13], [sflag:$0x3] =	stream.strided.gather [spmem:s26], $0x800, s22, s7, $0x38;
	[tilespmem:$0x1C980] =	vst v63  }
0x209: {  	_ =	swait.ge [sflag:s2], $0x800  }
0x20a: {  	[sflag:s2] =	ssyncset.done $0x0  }
0x20b: {  	s15 =	simm.s32 $0x0;
	[sflag:s2] =	ssyncadd.s32 $0xFFFFF800  }
0x20c: {  	s16 =	simm.s32 $0x40;
	v1 =	vld [tilespmem:s15+$0x13980]  }
.LBB2_33:
0x20d: {  	p1 =	sne.s32 s16, $0x1FC0;
	v2 =	vld [tilespmem:s15+$0x14180];
	_ =	sdelay $0x1  }
.Ltmp39:
0x20e: {  	(pc) =	sbr.rel @p1 .LBB2_33-.Ltmp39, $3  }
0x20f: {  	_ =	sdelay $0x1  }
0x210: {  	s12 =	sshra.s32 s16, $0x2;
	v2 =	vmax.f32 v2, v1  }
0x211: {  	s16 =	sadd.s32 $0x40, s16;
	v1 =	vld [tilespmem:s12+$0x13980];
	[tilespmem:s15+$0x14180] =	vst v2;
	s15 =	smov.u32 s12  }
0x212: {  	v2 =	vld [tilespmem:s15+$0x14180];
	_ =	sdelay $0x4  }
0x213: {  	v1 =	vmax.f32 v2, v1  }
0x214: {  	[tilespmem:s15+$0x14180] =	vst v1  }
0x215: {  	[tilespmem:s13], [sflag:$0x3] =	stream.strided.gather [spmem:s28], $0x800, s22, s7, $0x38;
	[tilespmem:$0x1C980] =	vst v63  }
0x216: {  	_ =	swait.ge [sflag:s2], $0x800  }
0x217: {  	[sflag:s2] =	ssyncset.done $0x0  }
0x218: {  	s15 =	simm.s32 $0x0;
	[sflag:s2] =	ssyncadd.s32 $0xFFFFF800  }
0x219: {  	s16 =	simm.s32 $0x40;
	v1 =	vld [tilespmem:s15+$0x13980]  }
.LBB2_35:
0x21a: {  	p1 =	sne.s32 s16, $0x1FC0;
	v2 =	vld [tilespmem:s15+$0x14180];
	_ =	sdelay $0x1  }
.Ltmp40:
0x21b: {  	(pc) =	sbr.rel @p1 .LBB2_35-.Ltmp40, $3  }
0x21c: {  	_ =	sdelay $0x1  }
0x21d: {  	s12 =	sshra.s32 s16, $0x2;
	v2 =	vmax.f32 v2, v1  }
0x21e: {  	s16 =	sadd.s32 $0x40, s16;
	v1 =	vld [tilespmem:s12+$0x13980];
	[tilespmem:s15+$0x14180] =	vst v2;
	s15 =	smov.u32 s12  }
0x21f: {  	v2 =	vld [tilespmem:s15+$0x14180];
	_ =	sdelay $0x4  }
0x220: {  	v1 =	vmax.f32 v2, v1  }
0x221: {  	[tilespmem:s15+$0x14180] =	vst v1  }
0x222: {  	[tilespmem:s13], [sflag:$0x3] =	stream.strided.gather [spmem:s29], $0x800, s22, s7, $0x38;
	[tilespmem:$0x1C980] =	vst v63  }
0x223: {  	_ =	swait.ge [sflag:s2], $0x800  }
0x224: {  	[sflag:s2] =	ssyncset.done $0x0  }
0x225: {  	s15 =	simm.s32 $0x0;
	[sflag:s2] =	ssyncadd.s32 $0xFFFFF800  }
0x226: {  	s16 =	simm.s32 $0x40;
	v1 =	vld [tilespmem:s15+$0x13980]  }
.LBB2_37:
0x227: {  	p1 =	sne.s32 s16, $0x1FC0;
	v2 =	vld [tilespmem:s15+$0x14180];
	_ =	sdelay $0x1  }
.Ltmp41:
0x228: {  	(pc) =	sbr.rel @p1 .LBB2_37-.Ltmp41, $3  }
0x229: {  	_ =	sdelay $0x1  }
0x22a: {  	s12 =	sshra.s32 s16, $0x2;
	v2 =	vmax.f32 v2, v1  }
0x22b: {  	s16 =	sadd.s32 $0x40, s16;
	v1 =	vld [tilespmem:s12+$0x13980];
	[tilespmem:s15+$0x14180] =	vst v2;
	s15 =	smov.u32 s12  }
0x22c: {  	v2 =	vld [tilespmem:s15+$0x14180];
	_ =	sdelay $0x4  }
0x22d: {  	v1 =	vmax.f32 v2, v1  }
0x22e: {  	[tilespmem:s15+$0x14180] =	vst v1  }
0x22f: {  	[tilespmem:s13], [sflag:$0x3] =	stream.strided.gather [spmem:s30], $0x800, s22, s7, $0x38;
	[tilespmem:$0x1C980] =	vst v63  }
0x230: {  	_ =	swait.ge [sflag:s2], $0x800  }
0x231: {  	[sflag:s2] =	ssyncset.done $0x0  }
0x232: {  	s15 =	simm.s32 $0x0;
	[sflag:s2] =	ssyncadd.s32 $0xFFFFF800  }
0x233: {  	s16 =	simm.s32 $0x40;
	v1 =	vld [tilespmem:s15+$0x13980]  }
.LBB2_39:
0x234: {  	p1 =	sne.s32 s16, $0x1FC0;
	v2 =	vld [tilespmem:s15+$0x14180];
	_ =	sdelay $0x1  }
.Ltmp42:
0x235: {  	(pc) =	sbr.rel @p1 .LBB2_39-.Ltmp42, $3  }
0x236: {  	_ =	sdelay $0x1  }
0x237: {  	s12 =	sshra.s32 s16, $0x2;
	v2 =	vmax.f32 v2, v1  }
0x238: {  	s16 =	sadd.s32 $0x40, s16;
	v1 =	vld [tilespmem:s12+$0x13980];
	[tilespmem:s15+$0x14180] =	vst v2;
	s15 =	smov.u32 s12  }
0x239: {  	v2 =	vld [tilespmem:s15+$0x14180];
	_ =	sdelay $0x4  }
0x23a: {  	v1 =	vmax.f32 v2, v1  }
0x23b: {  	[tilespmem:s15+$0x14180] =	vst v1  }
0x23c: {  	[tilespmem:s13], [sflag:$0x3] =	stream.strided.gather [spmem:s31], $0x800, s22, s7, $0x38;
	[tilespmem:$0x1C980] =	vst v63  }
0x23d: {  	_ =	swait.ge [sflag:s2], $0x800  }
0x23e: {  	[sflag:s2] =	ssyncset.done $0x0  }
0x23f: {  	s15 =	simm.s32 $0x0;
	[sflag:s2] =	ssyncadd.s32 $0xFFFFF800  }
0x240: {  	s16 =	simm.s32 $0x40;
	v1 =	vld [tilespmem:s15+$0x13980]  }
.LBB2_41:
0x241: {  	p1 =	seq.s32 s16, $0x1FC0;
	v2 =	vld [tilespmem:s15+$0x14180];
	_ =	sdelay $0x1  }
.Ltmp43:
0x242: {  	(pc) =	sbr.rel @!p1 .LBB2_41-.Ltmp43, $3  }
0x243: {  	_ =	sdelay $0x1  }
0x244: {  	s12 =	sshra.s32 s16, $0x2;
	v2 =	vmax.f32 v2, v1  }
0x245: {  	s16 =	sadd.s32 $0x40, s16;
	v1 =	vld [tilespmem:s12+$0x13980];
	[tilespmem:s15+$0x14180] =	vst v2;
	s15 =	smov.u32 s12  }
0x246: {  	v2 =	vld [tilespmem:s15+$0x14180];
	_ =	sdelay $0x1  }
.Ltmp44:
0x247: {  	_ = 	snop;
	(pc) =	sbr.rel .LBB2_84-.Ltmp44, $3  }
0x248: {  	_ =	sdelay $0x1  }
0x249: {  	v1 =	vmax.f32 v2, v1  }
0x24a: {  	s12 =	rddreg [dreg:$0x4];
	[tilespmem:s15+$0x14180] =	vst v1  }
.LBB2_85:
0x24b: {  	_ =	sfence.sel $0x180000  }
0x24c: {  	[bflag:$0x0] =	sbarrier.arrive $0xFFFF  }
0x24d: {  	_ =	strace $0x90000047  }
0x24e: {  	s0 =	stileid.u32;
	[bflag:$0x2] =	sbarrier.arrive $0xFFFF  }
0x24f: {  	p0 =	sne.s32 s0, $0x0;
	s0 =	rddreg [dreg:$0x7]  }
0x250: {  	s0 =	sadd.s32 @!p0 $0x100000, s0  }
0x251: {  	[sflag:s0] =	ssyncadd.tile.s32 @!p0 $0x1;
	_ =	shalt  }
.Lfunc_end2:
_tile_overlayer_lowered:
.L_overlay_start_2:
0x252: {  	(tag) =	ssettag $0x2  }
0x253: {  	s0 =	rddreg [dreg:$0x0];
	s2 =	stileid.u32  }
0x254: {  	s1 =	rddreg [dreg:$0x1];
	p0 =	sne.s32 s2, $0x0  }
0x255: {  	s3 =	rddreg [dreg:$0x2];
	[bflag:$0x3] =	sbarrier.arrive $0xFFFF;
	s2 =	simm.s32 @!p0 $0x1C03  }
0x256: {  	[timem:s3], [sflag:s2] =	dma.local @!p0 [hbm:s0], s1  }
0x257: {  	s0 =	simm.s32 @!p0 $0x3  }
0x258: {  	_ =	swait.ge @!p0 [sflag:s0], s1  }
0x259: {  	s1 =	ssub.s32 @!p0 $0x0, s1;
	[sflag:s0] =	ssyncset.done @!p0 $0x0  }
0x25a: {  	[sflag:s0] =	ssyncadd.s32 @!p0 s1  }
0x25b: {  	[bflag:$0x3] =	sbarrier.arrive $0xFFFF  }
0x25c: {  	_ =	shalt  }

</sc_bundles>
